<compile_context>
chip_gen: v7x
topology: tpu7x:2x2x1
jax: 0.10.2.dev20260603
libtpu: 0.0.44.dev20260713+nightly
codegen_flags: <defaults>
</compile_context>

<pallas_src>
import functools

import jax
import jax.numpy as jnp
from jax import lax
from jax.experimental import pallas as pl
from jax.experimental.pallas import tpu as pltpu
from jax.experimental.pallas import tpu_sc as plsc

_LANES = 16
_SUB_ROWS = 16
_NXBUF = 4
_NPBUF = 2


def _build_sc_add(batch, seq, dim):
    info = plsc.get_sparse_core_info()
    nc, ns = info.num_cores, info.num_subcores
    nw = nc * ns
    rows_per_worker = seq // nw
    nsub = rows_per_worker // _SUB_ROWS
    nsteps = nsub * batch
    half = dim // 2
    mesh = plsc.VectorSubcoreMesh(core_axis_name="c", subcore_axis_name="s")

    buf = lambda: pltpu.VMEM((_SUB_ROWS, dim), jnp.float32)

    @functools.partial(
        pl.kernel,
        mesh=mesh,
        out_type=jax.ShapeDtypeStruct((batch, seq, dim), jnp.float32),
        scratch_types=(
            [buf() for _ in range(_NXBUF)]
            + [buf() for _ in range(_NPBUF)]
            + [pltpu.SemaphoreType.DMA] * (2 * _NXBUF + _NPBUF)
        ),
    )
    def sc_add(x_hbm, pos_hbm, out_hbm, *refs):
        x_v = refs[:_NXBUF]
        pos_v = refs[_NXBUF : _NXBUF + _NPBUF]
        lsem = refs[_NXBUF + _NPBUF : 2 * _NXBUF + _NPBUF]
        ssem = refs[2 * _NXBUF + _NPBUF : 3 * _NXBUF + _NPBUF]
        psem = refs[3 * _NXBUF + _NPBUF :]

        wid = lax.axis_index("s") * nc + lax.axis_index("c")
        base_row = wid * rows_per_worker

        def step_row(t):
            return base_row + (t // batch) * _SUB_ROWS

        def issue_load(t):
            slot = t % _NXBUF
            return pltpu.async_copy(
                x_hbm.at[t % batch, pl.ds(step_row(t), _SUB_ROWS), :],
                x_v[slot],
                lsem[slot],
            )

        def issue_pos(sub):
            slot = sub % _NPBUF
            return pltpu.async_copy(
                pos_hbm.at[pl.ds(base_row + sub * _SUB_ROWS, _SUB_ROWS), :],
                pos_v[slot],
                psem[slot],
            )

        loads = [None] * nsteps
        stores = [None] * nsteps
        ploads = [None] * nsub

        ploads[0] = issue_pos(0)
        loads[0] = issue_load(0)
        if nsteps > 1:
            loads[1] = issue_load(1)

        for t in range(nsteps):
            slot = t % _NXBUF
            sub = t // batch
            if t % batch == 0 and sub + 1 < nsub:
                ploads[sub + 1] = issue_pos(sub + 1)
            if t + 2 < nsteps:
                if t >= 2:
                    stores[t - 2].wait()
                loads[t + 2] = issue_load(t + 2)
            if t % batch == 0:
                ploads[sub].wait()
            loads[t].wait()

            xb = x_v[slot]
            pb = pos_v[sub % _NPBUF]

            @plsc.parallel_loop(0, _SUB_ROWS)
            def row_body(r):
                @plsc.parallel_loop(0, dim, step=_LANES, unroll=8)
                def slice_body(o):
                    xb[r, pl.ds(o, _LANES)] = (
                        xb[r, pl.ds(o, _LANES)] + pb[r, pl.ds(o, _LANES)]
                    )

            stores[t] = pltpu.async_copy(
                xb,
                out_hbm.at[t % batch, pl.ds(step_row(t), _SUB_ROWS), :],
                ssem[slot],
            )

        for t in range(max(0, nsteps - 2), nsteps):
            stores[t].wait()

    return sc_add


@jax.jit
def kernel(x, pos_table):
    b, s, d = x.shape
    return _build_sc_add(b, s, d)(x, pos_table)

# --- scband reference (transcript-rebuilt; emitter-appended) ---
"""Pipeline reference for scband-positional-embedding-8684423872562 (READ-ONLY COPY).

The authoritative reference and input builder live on the scoring server;
editing this copy changes nothing except your own understanding.
"""

import jax, jax.numpy as jnp
import numpy as np

SEQ_LEN = 2048
EMBED_DIM = 1024
BATCH = 4

def setup_inputs(seed: int = 0) -> dict:
    key = jax.random.key(seed)
    k1, k2 = jax.random.split(key)
    x = jax.random.normal(k1, (BATCH, SEQ_LEN, EMBED_DIM), dtype=jnp.float32)
    # learned position embedding table, keras Embedding default init ~ uniform(-0.05, 0.05)
    pos_table = jax.random.uniform(k2, (SEQ_LEN, EMBED_DIM), dtype=jnp.float32, minval=-0.05, maxval=0.05)
    return {"x": x, "pos_table": pos_table}

def reference(x, pos_table):
    positions = jnp.arange(0, SEQ_LEN, 1)
    pos_emb = jnp.take(pos_table, positions, axis=0)  # embedding lookup -> [SEQ_LEN, EMBED_DIM]
    return x + pos_emb  # broadcast over batch

if __name__ == "__main__":
    import jax
    _d = setup_inputs()
    print(jax.jit(kernel)(*tuple(_d.values())))

</pallas_src>

<mosaic_0001>
#map = affine_map<(d0, d1) -> (0, 0, 0)>
#map1 = affine_map<(d0, d1) -> (0, 0)>
module attributes {stable_mosaic.version = 14 : i64} {
  func.func @sc_add(%arg0: i32, %arg1: i32, %arg2: memref<4x2048x1024xf32, #tpu.memory_space<hbm>>, %arg3: memref<2048x1024xf32, #tpu.memory_space<hbm>>, %arg4: memref<4x2048x1024xf32, #tpu.memory_space<hbm>>, %arg5: memref<16x1024xf32, #tpu.memory_space<vmem>>, %arg6: memref<16x1024xf32, #tpu.memory_space<vmem>>, %arg7: memref<16x1024xf32, #tpu.memory_space<vmem>>, %arg8: memref<16x1024xf32, #tpu.memory_space<vmem>>, %arg9: memref<16x1024xf32, #tpu.memory_space<vmem>>, %arg10: memref<16x1024xf32, #tpu.memory_space<vmem>>, %arg11: memref<!tpu.dma_semaphore, #tpu.memory_space<semaphore_mem>>, %arg12: memref<!tpu.dma_semaphore, #tpu.memory_space<semaphore_mem>>, %arg13: memref<!tpu.dma_semaphore, #tpu.memory_space<semaphore_mem>>, %arg14: memref<!tpu.dma_semaphore, #tpu.memory_space<semaphore_mem>>, %arg15: memref<!tpu.dma_semaphore, #tpu.memory_space<semaphore_mem>>, %arg16: memref<!tpu.dma_semaphore, #tpu.memory_space<semaphore_mem>>, %arg17: memref<!tpu.dma_semaphore, #tpu.memory_space<semaphore_mem>>, %arg18: memref<!tpu.dma_semaphore, #tpu.memory_space<semaphore_mem>>, %arg19: memref<!tpu.dma_semaphore, #tpu.memory_space<semaphore_mem>>, %arg20: memref<!tpu.dma_semaphore, #tpu.memory_space<semaphore_mem>>) attributes {dimension_semantics = [#tpu.dimension_semantics<core_parallel>, #tpu.dimension_semantics<subcore_parallel>], iteration_bounds = array<i64: 2, 16>, scalar_prefetch = 0 : i64, scratch_operands = 16 : i64, tpu.core_type = #tpu.core_type<sc_vector_subcore>, window_params = [{transform_indices = #map}, {transform_indices = #map1}, {transform_indices = #map}]} {
    %mul3A = arith.constant 2 : i32
    %mul3A_0 = arith.muli %arg1, %mul3A : i32
    %add3A = arith.addi %mul3A_0, %arg0 : i32
    %mul3A_1 = arith.constant 64 : i32
    %mul3A_2 = arith.muli %add3A, %mul3A_1 : i32
    %add3A_3 = arith.constant 0 : i32
    %add3A_4 = arith.addi %mul3A_2, %add3A_3 : i32
    %dma_start3A = arith.constant 0 : i32
    %dma_start3A_5 = tpu.memref_slice %arg3[%add3A_4, %dma_start3A] : memref<2048x1024xf32, #tpu.memory_space<hbm>> -> memref<16x1024xf32, #tpu.memory_space<hbm>>
    %dma_start3A_6 = arith.constant 0 : i32
    %dma_start3A_7 = tpu.memref_slice %arg3[%add3A_4, %dma_start3A_6] : memref<2048x1024xf32, #tpu.memory_space<hbm>> -> memref<16x1024xf32, #tpu.memory_space<hbm>>
    tpu.enqueue_dma source(%dma_start3A_7 : memref<16x1024xf32, #tpu.memory_space<hbm>>) target(%arg9 : memref<16x1024xf32, #tpu.memory_space<vmem>>) target_semaphore(%arg19 : memref<!tpu.dma_semaphore, #tpu.memory_space<semaphore_mem>>)
    %add3A_8 = arith.constant 0 : i32
    %add3A_9 = arith.addi %mul3A_2, %add3A_8 : i32
    %dma_start3A_10 = arith.constant 0 : i32
    %dma_start3A_11 = arith.constant 0 : i32
    %dma_start3A_12 = tpu.memref_slice %arg2[%dma_start3A_10, %add3A_9, %dma_start3A_11] : memref<4x2048x1024xf32, #tpu.memory_space<hbm>> -> memref<1x16x1024xf32, #tpu.memory_space<hbm>>
    %dma_start3A_13 = tpu.memref_squeeze %dma_start3A_12 : memref<1x16x1024xf32, #tpu.memory_space<hbm>> -> memref<16x1024xf32, #tpu.memory_space<hbm>>
    %dma_start3A_14 = arith.constant 0 : i32
    %dma_start3A_15 = tpu.memref_slice %arg2[%dma_start3A_10, %add3A_9, %dma_start3A_14] : memref<4x2048x1024xf32, #tpu.memory_space<hbm>> -> memref<1x16x1024xf32, #tpu.memory_space<hbm>>
    %dma_start3A_16 = tpu.memref_squeeze %dma_start3A_15 : memref<1x16x1024xf32, #tpu.memory_space<hbm>> -> memref<16x1024xf32, #tpu.memory_space<hbm>>
    tpu.enqueue_dma source(%dma_start3A_16 : memref<16x1024xf32, #tpu.memory_space<hbm>>) target(%arg5 : memref<16x1024xf32, #tpu.memory_space<vmem>>) target_semaphore(%arg11 : memref<!tpu.dma_semaphore, #tpu.memory_space<semaphore_mem>>)
    %add3A_17 = arith.constant 0 : i32
    %add3A_18 = arith.addi %mul3A_2, %add3A_17 : i32
    %dma_start3A_19 = arith.constant 1 : i32
    %dma_start3A_20 = arith.constant 0 : i32
    %dma_start3A_21 = tpu.memref_slice %arg2[%dma_start3A_19, %add3A_18, %dma_start3A_20] : memref<4x2048x1024xf32, #tpu.memory_space<hbm>> -> memref<1x16x1024xf32, #tpu.memory_space<hbm>>
    %dma_start3A_22 = tpu.memref_squeeze %dma_start3A_21 : memref<1x16x1024xf32, #tpu.memory_space<hbm>> -> memref<16x1024xf32, #tpu.memory_space<hbm>>
    %dma_start3A_23 = arith.constant 0 : i32
    %dma_start3A_24 = tpu.memref_slice %arg2[%dma_start3A_19, %add3A_18, %dma_start3A_23] : memref<4x2048x1024xf32, #tpu.memory_space<hbm>> -> memref<1x16x1024xf32, #tpu.memory_space<hbm>>
    %dma_start3A_25 = tpu.memref_squeeze %dma_start3A_24 : memref<1x16x1024xf32, #tpu.memory_space<hbm>> -> memref<16x1024xf32, #tpu.memory_space<hbm>>
    tpu.enqueue_dma source(%dma_start3A_25 : memref<16x1024xf32, #tpu.memory_space<hbm>>) target(%arg6 : memref<16x1024xf32, #tpu.memory_space<vmem>>) target_semaphore(%arg12 : memref<!tpu.dma_semaphore, #tpu.memory_space<semaphore_mem>>)
    %add3A_26 = arith.constant 16 : i32
    %add3A_27 = arith.addi %mul3A_2, %add3A_26 : i32
    %dma_start3A_28 = arith.constant 0 : i32
    %dma_start3A_29 = tpu.memref_slice %arg3[%add3A_27, %dma_start3A_28] : memref<2048x1024xf32, #tpu.memory_space<hbm>> -> memref<16x1024xf32, #tpu.memory_space<hbm>>
    %dma_start3A_30 = arith.constant 0 : i32
    %dma_start3A_31 = tpu.memref_slice %arg3[%add3A_27, %dma_start3A_30] : memref<2048x1024xf32, #tpu.memory_space<hbm>> -> memref<16x1024xf32, #tpu.memory_space<hbm>>
    tpu.enqueue_dma source(%dma_start3A_31 : memref<16x1024xf32, #tpu.memory_space<hbm>>) target(%arg10 : memref<16x1024xf32, #tpu.memory_space<vmem>>) target_semaphore(%arg20 : memref<!tpu.dma_semaphore, #tpu.memory_space<semaphore_mem>>)
    %add3A_32 = arith.constant 0 : i32
    %add3A_33 = arith.addi %mul3A_2, %add3A_32 : i32
    %dma_start3A_34 = arith.constant 2 : i32
    %dma_start3A_35 = arith.constant 0 : i32
    %dma_start3A_36 = tpu.memref_slice %arg2[%dma_start3A_34, %add3A_33, %dma_start3A_35] : memref<4x2048x1024xf32, #tpu.memory_space<hbm>> -> memref<1x16x1024xf32, #tpu.memory_space<hbm>>
    %dma_start3A_37 = tpu.memref_squeeze %dma_start3A_36 : memref<1x16x1024xf32, #tpu.memory_space<hbm>> -> memref<16x1024xf32, #tpu.memory_space<hbm>>
    %dma_start3A_38 = arith.constant 0 : i32
    %dma_start3A_39 = tpu.memref_slice %arg2[%dma_start3A_34, %add3A_33, %dma_start3A_38] : memref<4x2048x1024xf32, #tpu.memory_space<hbm>> -> memref<1x16x1024xf32, #tpu.memory_space<hbm>>
    %dma_start3A_40 = tpu.memref_squeeze %dma_start3A_39 : memref<1x16x1024xf32, #tpu.memory_space<hbm>> -> memref<16x1024xf32, #tpu.memory_space<hbm>>
    tpu.enqueue_dma source(%dma_start3A_40 : memref<16x1024xf32, #tpu.memory_space<hbm>>) target(%arg7 : memref<16x1024xf32, #tpu.memory_space<vmem>>) target_semaphore(%arg13 : memref<!tpu.dma_semaphore, #tpu.memory_space<semaphore_mem>>)
    %dma_wait3A = arith.constant 0 : i32
    %dma_wait3A_41 = tpu.memref_slice %arg3[%add3A_4, %dma_wait3A] : memref<2048x1024xf32, #tpu.memory_space<hbm>> -> memref<16x1024xf32, #tpu.memory_space<hbm>>
    %dma_wait3A_42 = arith.constant 0 : i32
    %dma_wait3A_43 = tpu.memref_slice %arg3[%add3A_4, %dma_wait3A_42] : memref<2048x1024xf32, #tpu.memory_space<hbm>> -> memref<16x1024xf32, #tpu.memory_space<hbm>>
    tpu.wait_dma2 semaphore(%arg19 : memref<!tpu.dma_semaphore, #tpu.memory_space<semaphore_mem>>) src(%dma_wait3A_43 : memref<16x1024xf32, #tpu.memory_space<hbm>>) dst(%arg9 : memref<16x1024xf32, #tpu.memory_space<vmem>>)
    %dma_wait3A_44 = arith.constant 0 : i32
    %dma_wait3A_45 = arith.constant 0 : i32
    %dma_wait3A_46 = tpu.memref_slice %arg2[%dma_wait3A_44, %add3A_9, %dma_wait3A_45] : memref<4x2048x1024xf32, #tpu.memory_space<hbm>> -> memref<1x16x1024xf32, #tpu.memory_space<hbm>>
    %dma_wait3A_47 = tpu.memref_squeeze %dma_wait3A_46 : memref<1x16x1024xf32, #tpu.memory_space<hbm>> -> memref<16x1024xf32, #tpu.memory_space<hbm>>
    %dma_wait3A_48 = arith.constant 0 : i32
    %dma_wait3A_49 = tpu.memref_slice %arg2[%dma_wait3A_44, %add3A_9, %dma_wait3A_48] : memref<4x2048x1024xf32, #tpu.memory_space<hbm>> -> memref<1x16x1024xf32, #tpu.memory_space<hbm>>
    %dma_wait3A_50 = tpu.memref_squeeze %dma_wait3A_49 : memref<1x16x1024xf32, #tpu.memory_space<hbm>> -> memref<16x1024xf32, #tpu.memory_space<hbm>>
    tpu.wait_dma2 semaphore(%arg11 : memref<!tpu.dma_semaphore, #tpu.memory_space<semaphore_mem>>) src(%dma_wait3A_50 : memref<16x1024xf32, #tpu.memory_space<hbm>>) dst(%arg5 : memref<16x1024xf32, #tpu.memory_space<vmem>>)
    %parallel_loop3A = arith.constant 0 : i32
    %parallel_loop3A_51 = arith.constant 16 : i32
    %parallel_loop3A_52 = arith.constant 1 : i32
    scf.for %parallel_loop3A_586 = %parallel_loop3A to %parallel_loop3A_51 step %parallel_loop3A_52  : i32 {
      %parallel_loop3A_587 = arith.constant 0 : i32
      %parallel_loop3A_588 = arith.constant 1024 : i32
      %parallel_loop3A_589 = arith.constant 16 : i32
      scf.for %parallel_loop3A_590 = %parallel_loop3A_587 to %parallel_loop3A_588 step %parallel_loop3A_589  : i32 {
        %parallel_loop3A_591 = arith.index_cast %parallel_loop3A_586 : i32 to index
        %parallel_loop3A_592 = arith.index_cast %parallel_loop3A_590 : i32 to index
        %parallel_loop3A_593 = tpu.vector_load %arg5[%parallel_loop3A_591, %parallel_loop3A_592] {strides = array<i32>} : memref<16x1024xf32, #tpu.memory_space<vmem>>, vector<1x16xf32>,
        %parallel_loop3A_594 = vector.shape_cast %parallel_loop3A_593 : vector<1x16xf32> to vector<16xf32>
        %parallel_loop3A_595 = arith.index_cast %parallel_loop3A_586 : i32 to index
        %parallel_loop3A_596 = arith.index_cast %parallel_loop3A_590 : i32 to index
        %parallel_loop3A_597 = tpu.vector_load %arg9[%parallel_loop3A_595, %parallel_loop3A_596] {strides = array<i32>} : memref<16x1024xf32, #tpu.memory_space<vmem>>, vector<1x16xf32>,
        %parallel_loop3A_598 = vector.shape_cast %parallel_loop3A_597 : vector<1x16xf32> to vector<16xf32>
        %parallel_loop3A_599 = arith.addf %parallel_loop3A_594, %parallel_loop3A_598 : vector<16xf32>
        %parallel_loop3A_600 = arith.index_cast %parallel_loop3A_586 : i32 to index
        %parallel_loop3A_601 = arith.index_cast %parallel_loop3A_590 : i32 to index
        %parallel_loop3A_602 = tpu.vector_load %arg5[%parallel_loop3A_600, %parallel_loop3A_601] {strides = array<i32>} : memref<16x1024xf32, #tpu.memory_space<vmem>>, vector<1x16xf32>,
        %parallel_loop3A_603 = vector.shape_cast %parallel_loop3A_602 : vector<1x16xf32> to vector<16xf32>
        %parallel_loop3A_604 = vector.shape_cast %parallel_loop3A_599 : vector<16xf32> to vector<1x16xf32>
        tpu.vector_store %arg5[%parallel_loop3A_600, %parallel_loop3A_601], %parallel_loop3A_604 {strides = array<i32>} : memref<16x1024xf32, #tpu.memory_space<vmem>>, vector<1x16xf32>,
      } {sc.loop_unroll_factor = 8 : i64, sc.parallel_access}
    } {sc.loop_unroll_factor = 1 : i64, sc.parallel_access}
    %add3A_53 = arith.constant 0 : i32
    %add3A_54 = arith.addi %mul3A_2, %add3A_53 : i32
    %dma_start3A_55 = arith.constant 0 : i32
    %dma_start3A_56 = arith.constant 0 : i32
    %dma_start3A_57 = tpu.memref_slice %arg4[%dma_start3A_55, %add3A_54, %dma_start3A_56] : memref<4x2048x1024xf32, #tpu.memory_space<hbm>> -> memref<1x16x1024xf32, #tpu.memory_space<hbm>>
    %dma_start3A_58 = tpu.memref_squeeze %dma_start3A_57 : memref<1x16x1024xf32, #tpu.memory_space<hbm>> -> memref<16x1024xf32, #tpu.memory_space<hbm>>
    %dma_start3A_59 = arith.constant 0 : i32
    %dma_start3A_60 = tpu.memref_slice %arg4[%dma_start3A_55, %add3A_54, %dma_start3A_59] : memref<4x2048x1024xf32, #tpu.memory_space<hbm>> -> memref<1x16x1024xf32, #tpu.memory_space<hbm>>
    %dma_start3A_61 = tpu.memref_squeeze %dma_start3A_60 : memref<1x16x1024xf32, #tpu.memory_space<hbm>> -> memref<16x1024xf32, #tpu.memory_space<hbm>>
    tpu.enqueue_dma source(%arg5 : memref<16x1024xf32, #tpu.memory_space<vmem>>) target(%dma_start3A_61 : memref<16x1024xf32, #tpu.memory_space<hbm>>) target_semaphore(%arg15 : memref<!tpu.dma_semaphore, #tpu.memory_space<semaphore_mem>>)
    %add3A_62 = arith.constant 0 : i32
    %add3A_63 = arith.addi %mul3A_2, %add3A_62 : i32
    %dma_start3A_64 = arith.constant 3 : i32
    %dma_start3A_65 = arith.constant 0 : i32
    %dma_start3A_66 = tpu.memref_slice %arg2[%dma_start3A_64, %add3A_63, %dma_start3A_65] : memref<4x2048x1024xf32, #tpu.memory_space<hbm>> -> memref<1x16x1024xf32, #tpu.memory_space<hbm>>
    %dma_start3A_67 = tpu.memref_squeeze %dma_start3A_66 : memref<1x16x1024xf32, #tpu.memory_space<hbm>> -> memref<16x1024xf32, #tpu.memory_space<hbm>>
    %dma_start3A_68 = arith.constant 0 : i32
    %dma_start3A_69 = tpu.memref_slice %arg2[%dma_start3A_64, %add3A_63, %dma_start3A_68] : memref<4x2048x1024xf32, #tpu.memory_space<hbm>> -> memref<1x16x1024xf32, #tpu.memory_space<hbm>>
    %dma_start3A_70 = tpu.memref_squeeze %dma_start3A_69 : memref<1x16x1024xf32, #tpu.memory_space<hbm>> -> memref<16x1024xf32, #tpu.memory_space<hbm>>
    tpu.enqueue_dma source(%dma_start3A_70 : memref<16x1024xf32, #tpu.memory_space<hbm>>) target(%arg8 : memref<16x1024xf32, #tpu.memory_space<vmem>>) target_semaphore(%arg14 : memref<!tpu.dma_semaphore, #tpu.memory_space<semaphore_mem>>)
    %dma_wait3A_71 = arith.constant 1 : i32
    %dma_wait3A_72 = arith.constant 0 : i32
    %dma_wait3A_73 = tpu.memref_slice %arg2[%dma_wait3A_71, %add3A_18, %dma_wait3A_72] : memref<4x2048x1024xf32, #tpu.memory_space<hbm>> -> memref<1x16x1024xf32, #tpu.memory_space<hbm>>
    %dma_wait3A_74 = tpu.memref_squeeze %dma_wait3A_73 : memref<1x16x1024xf32, #tpu.memory_space<hbm>> -> memref<16x1024xf32, #tpu.memory_space<hbm>>
    %dma_wait3A_75 = arith.constant 0 : i32
    %dma_wait3A_76 = tpu.memref_slice %arg2[%dma_wait3A_71, %add3A_18, %dma_wait3A_75] : memref<4x2048x1024xf32, #tpu.memory_space<hbm>> -> memref<1x16x1024xf32, #tpu.memory_space<hbm>>
    %dma_wait3A_77 = tpu.memref_squeeze %dma_wait3A_76 : memref<1x16x1024xf32, #tpu.memory_space<hbm>> -> memref<16x1024xf32, #tpu.memory_space<hbm>>
    tpu.wait_dma2 semaphore(%arg12 : memref<!tpu.dma_semaphore, #tpu.memory_space<semaphore_mem>>) src(%dma_wait3A_77 : memref<16x1024xf32, #tpu.memory_space<hbm>>) dst(%arg6 : memref<16x1024xf32, #tpu.memory_space<vmem>>)
    %parallel_loop3A_78 = arith.constant 0 : i32
    %parallel_loop3A_79 = arith.constant 16 : i32
    %parallel_loop3A_80 = arith.constant 1 : i32
    scf.for %parallel_loop3A_586 = %parallel_loop3A_78 to %parallel_loop3A_79 step %parallel_loop3A_80  : i32 {
      %parallel_loop3A_587 = arith.constant 0 : i32
      %parallel_loop3A_588 = arith.constant 1024 : i32
      %parallel_loop3A_589 = arith.constant 16 : i32
      scf.for %parallel_loop3A_590 = %parallel_loop3A_587 to %parallel_loop3A_588 step %parallel_loop3A_589  : i32 {
        %parallel_loop3A_591 = arith.index_cast %parallel_loop3A_586 : i32 to index
        %parallel_loop3A_592 = arith.index_cast %parallel_loop3A_590 : i32 to index
        %parallel_loop3A_593 = tpu.vector_load %arg6[%parallel_loop3A_591, %parallel_loop3A_592] {strides = array<i32>} : memref<16x1024xf32, #tpu.memory_space<vmem>>, vector<1x16xf32>,
        %parallel_loop3A_594 = vector.shape_cast %parallel_loop3A_593 : vector<1x16xf32> to vector<16xf32>
        %parallel_loop3A_595 = arith.index_cast %parallel_loop3A_586 : i32 to index
        %parallel_loop3A_596 = arith.index_cast %parallel_loop3A_590 : i32 to index
        %parallel_loop3A_597 = tpu.vector_load %arg9[%parallel_loop3A_595, %parallel_loop3A_596] {strides = array<i32>} : memref<16x1024xf32, #tpu.memory_space<vmem>>, vector<1x16xf32>,
        %parallel_loop3A_598 = vector.shape_cast %parallel_loop3A_597 : vector<1x16xf32> to vector<16xf32>
        %parallel_loop3A_599 = arith.addf %parallel_loop3A_594, %parallel_loop3A_598 : vector<16xf32>
        %parallel_loop3A_600 = arith.index_cast %parallel_loop3A_586 : i32 to index
        %parallel_loop3A_601 = arith.index_cast %parallel_loop3A_590 : i32 to index
        %parallel_loop3A_602 = tpu.vector_load %arg6[%parallel_loop3A_600, %parallel_loop3A_601] {strides = array<i32>} : memref<16x1024xf32, #tpu.memory_space<vmem>>, vector<1x16xf32>,
        %parallel_loop3A_603 = vector.shape_cast %parallel_loop3A_602 : vector<1x16xf32> to vector<16xf32>
        %parallel_loop3A_604 = vector.shape_cast %parallel_loop3A_599 : vector<16xf32> to vector<1x16xf32>
        tpu.vector_store %arg6[%parallel_loop3A_600, %parallel_loop3A_601], %parallel_loop3A_604 {strides = array<i32>} : memref<16x1024xf32, #tpu.memory_space<vmem>>, vector<1x16xf32>,
      } {sc.loop_unroll_factor = 8 : i64, sc.parallel_access}
    } {sc.loop_unroll_factor = 1 : i64, sc.parallel_access}
    %add3A_81 = arith.constant 0 : i32
    %add3A_82 = arith.addi %mul3A_2, %add3A_81 : i32
    %dma_start3A_83 = arith.constant 1 : i32
    %dma_start3A_84 = arith.constant 0 : i32
    %dma_start3A_85 = tpu.memref_slice %arg4[%dma_start3A_83, %add3A_82, %dma_start3A_84] : memref<4x2048x1024xf32, #tpu.memory_space<hbm>> -> memref<1x16x1024xf32, #tpu.memory_space<hbm>>
    %dma_start3A_86 = tpu.memref_squeeze %dma_start3A_85 : memref<1x16x1024xf32, #tpu.memory_space<hbm>> -> memref<16x1024xf32, #tpu.memory_space<hbm>>
    %dma_start3A_87 = arith.constant 0 : i32
    %dma_start3A_88 = tpu.memref_slice %arg4[%dma_start3A_83, %add3A_82, %dma_start3A_87] : memref<4x2048x1024xf32, #tpu.memory_space<hbm>> -> memref<1x16x1024xf32, #tpu.memory_space<hbm>>
    %dma_start3A_89 = tpu.memref_squeeze %dma_start3A_88 : memref<1x16x1024xf32, #tpu.memory_space<hbm>> -> memref<16x1024xf32, #tpu.memory_space<hbm>>
    tpu.enqueue_dma source(%arg6 : memref<16x1024xf32, #tpu.memory_space<vmem>>) target(%dma_start3A_89 : memref<16x1024xf32, #tpu.memory_space<hbm>>) target_semaphore(%arg16 : memref<!tpu.dma_semaphore, #tpu.memory_space<semaphore_mem>>)
    %dma_wait3A_90 = arith.constant 0 : i32
    %dma_wait3A_91 = arith.constant 0 : i32
    %dma_wait3A_92 = tpu.memref_slice %arg4[%dma_wait3A_90, %add3A_54, %dma_wait3A_91] : memref<4x2048x1024xf32, #tpu.memory_space<hbm>> -> memref<1x16x1024xf32, #tpu.memory_space<hbm>>
    %dma_wait3A_93 = tpu.memref_squeeze %dma_wait3A_92 : memref<1x16x1024xf32, #tpu.memory_space<hbm>> -> memref<16x1024xf32, #tpu.memory_space<hbm>>
    %dma_wait3A_94 = arith.constant 0 : i32
    %dma_wait3A_95 = tpu.memref_slice %arg4[%dma_wait3A_90, %add3A_54, %dma_wait3A_94] : memref<4x2048x1024xf32, #tpu.memory_space<hbm>> -> memref<1x16x1024xf32, #tpu.memory_space<hbm>>
    %dma_wait3A_96 = tpu.memref_squeeze %dma_wait3A_95 : memref<1x16x1024xf32, #tpu.memory_space<hbm>> -> memref<16x1024xf32, #tpu.memory_space<hbm>>
    tpu.wait_dma2 semaphore(%arg15 : memref<!tpu.dma_semaphore, #tpu.memory_space<semaphore_mem>>) src(%arg5 : memref<16x1024xf32, #tpu.memory_space<vmem>>) dst(%dma_wait3A_96 : memref<16x1024xf32, #tpu.memory_space<hbm>>)
    %add3A_97 = arith.constant 16 : i32
    %add3A_98 = arith.addi %mul3A_2, %add3A_97 : i32
    %dma_start3A_99 = arith.constant 0 : i32
    %dma_start3A_100 = arith.constant 0 : i32
    %dma_start3A_101 = tpu.memref_slice %arg2[%dma_start3A_99, %add3A_98, %dma_start3A_100] : memref<4x2048x1024xf32, #tpu.memory_space<hbm>> -> memref<1x16x1024xf32, #tpu.memory_space<hbm>>
    %dma_start3A_102 = tpu.memref_squeeze %dma_start3A_101 : memref<1x16x1024xf32, #tpu.memory_space<hbm>> -> memref<16x1024xf32, #tpu.memory_space<hbm>>
    %dma_start3A_103 = arith.constant 0 : i32
    %dma_start3A_104 = tpu.memref_slice %arg2[%dma_start3A_99, %add3A_98, %dma_start3A_103] : memref<4x2048x1024xf32, #tpu.memory_space<hbm>> -> memref<1x16x1024xf32, #tpu.memory_space<hbm>>
    %dma_start3A_105 = tpu.memref_squeeze %dma_start3A_104 : memref<1x16x1024xf32, #tpu.memory_space<hbm>> -> memref<16x1024xf32, #tpu.memory_space<hbm>>
    tpu.enqueue_dma source(%dma_start3A_105 : memref<16x1024xf32, #tpu.memory_space<hbm>>) target(%arg5 : memref<16x1024xf32, #tpu.memory_space<vmem>>) target_semaphore(%arg11 : memref<!tpu.dma_semaphore, #tpu.memory_space<semaphore_mem>>)
    %dma_wait3A_106 = arith.constant 2 : i32
    %dma_wait3A_107 = arith.constant 0 : i32
    %dma_wait3A_108 = tpu.memref_slice %arg2[%dma_wait3A_106, %add3A_33, %dma_wait3A_107] : memref<4x2048x1024xf32, #tpu.memory_space<hbm>> -> memref<1x16x1024xf32, #tpu.memory_space<hbm>>
    %dma_wait3A_109 = tpu.memref_squeeze %dma_wait3A_108 : memref<1x16x1024xf32, #tpu.memory_space<hbm>> -> memref<16x1024xf32, #tpu.memory_space<hbm>>
    %dma_wait3A_110 = arith.constant 0 : i32
    %dma_wait3A_111 = tpu.memref_slice %arg2[%dma_wait3A_106, %add3A_33, %dma_wait3A_110] : memref<4x2048x1024xf32, #tpu.memory_space<hbm>> -> memref<1x16x1024xf32, #tpu.memory_space<hbm>>
    %dma_wait3A_112 = tpu.memref_squeeze %dma_wait3A_111 : memref<1x16x1024xf32, #tpu.memory_space<hbm>> -> memref<16x1024xf32, #tpu.memory_space<hbm>>
    tpu.wait_dma2 semaphore(%arg13 : memref<!tpu.dma_semaphore, #tpu.memory_space<semaphore_mem>>) src(%dma_wait3A_112 : memref<16x1024xf32, #tpu.memory_space<hbm>>) dst(%arg7 : memref<16x1024xf32, #tpu.memory_space<vmem>>)
    %parallel_loop3A_113 = arith.constant 0 : i32
    %parallel_loop3A_114 = arith.constant 16 : i32
    %parallel_loop3A_115 = arith.constant 1 : i32
    scf.for %parallel_loop3A_586 = %parallel_loop3A_113 to %parallel_loop3A_114 step %parallel_loop3A_115  : i32 {
      %parallel_loop3A_587 = arith.constant 0 : i32
      %parallel_loop3A_588 = arith.constant 1024 : i32
      %parallel_loop3A_589 = arith.constant 16 : i32
      scf.for %parallel_loop3A_590 = %parallel_loop3A_587 to %parallel_loop3A_588 step %parallel_loop3A_589  : i32 {
        %parallel_loop3A_591 = arith.index_cast %parallel_loop3A_586 : i32 to index
        %parallel_loop3A_592 = arith.index_cast %parallel_loop3A_590 : i32 to index
        %parallel_loop3A_593 = tpu.vector_load %arg7[%parallel_loop3A_591, %parallel_loop3A_592] {strides = array<i32>} : memref<16x1024xf32, #tpu.memory_space<vmem>>, vector<1x16xf32>,
        %parallel_loop3A_594 = vector.shape_cast %parallel_loop3A_593 : vector<1x16xf32> to vector<16xf32>
        %parallel_loop3A_595 = arith.index_cast %parallel_loop3A_586 : i32 to index
        %parallel_loop3A_596 = arith.index_cast %parallel_loop3A_590 : i32 to index
        %parallel_loop3A_597 = tpu.vector_load %arg9[%parallel_loop3A_595, %parallel_loop3A_596] {strides = array<i32>} : memref<16x1024xf32, #tpu.memory_space<vmem>>, vector<1x16xf32>,
        %parallel_loop3A_598 = vector.shape_cast %parallel_loop3A_597 : vector<1x16xf32> to vector<16xf32>
        %parallel_loop3A_599 = arith.addf %parallel_loop3A_594, %parallel_loop3A_598 : vector<16xf32>
        %parallel_loop3A_600 = arith.index_cast %parallel_loop3A_586 : i32 to index
        %parallel_loop3A_601 = arith.index_cast %parallel_loop3A_590 : i32 to index
        %parallel_loop3A_602 = tpu.vector_load %arg7[%parallel_loop3A_600, %parallel_loop3A_601] {strides = array<i32>} : memref<16x1024xf32, #tpu.memory_space<vmem>>, vector<1x16xf32>,
        %parallel_loop3A_603 = vector.shape_cast %parallel_loop3A_602 : vector<1x16xf32> to vector<16xf32>
        %parallel_loop3A_604 = vector.shape_cast %parallel_loop3A_599 : vector<16xf32> to vector<1x16xf32>
        tpu.vector_store %arg7[%parallel_loop3A_600, %parallel_loop3A_601], %parallel_loop3A_604 {strides = array<i32>} : memref<16x1024xf32, #tpu.memory_space<vmem>>, vector<1x16xf32>,
      } {sc.loop_unroll_factor = 8 : i64, sc.parallel_access}
    } {sc.loop_unroll_factor = 1 : i64, sc.parallel_access}
    %add3A_116 = arith.constant 0 : i32
    %add3A_117 = arith.addi %mul3A_2, %add3A_116 : i32
    %dma_start3A_118 = arith.constant 2 : i32
    %dma_start3A_119 = arith.constant 0 : i32
    %dma_start3A_120 = tpu.memref_slice %arg4[%dma_start3A_118, %add3A_117, %dma_start3A_119] : memref<4x2048x1024xf32, #tpu.memory_space<hbm>> -> memref<1x16x1024xf32, #tpu.memory_space<hbm>>
    %dma_start3A_121 = tpu.memref_squeeze %dma_start3A_120 : memref<1x16x1024xf32, #tpu.memory_space<hbm>> -> memref<16x1024xf32, #tpu.memory_space<hbm>>
    %dma_start3A_122 = arith.constant 0 : i32
    %dma_start3A_123 = tpu.memref_slice %arg4[%dma_start3A_118, %add3A_117, %dma_start3A_122] : memref<4x2048x1024xf32, #tpu.memory_space<hbm>> -> memref<1x16x1024xf32, #tpu.memory_space<hbm>>
    %dma_start3A_124 = tpu.memref_squeeze %dma_start3A_123 : memref<1x16x1024xf32, #tpu.memory_space<hbm>> -> memref<16x1024xf32, #tpu.memory_space<hbm>>
    tpu.enqueue_dma source(%arg7 : memref<16x1024xf32, #tpu.memory_space<vmem>>) target(%dma_start3A_124 : memref<16x1024xf32, #tpu.memory_space<hbm>>) target_semaphore(%arg17 : memref<!tpu.dma_semaphore, #tpu.memory_space<semaphore_mem>>)
    %dma_wait3A_125 = arith.constant 1 : i32
    %dma_wait3A_126 = arith.constant 0 : i32
    %dma_wait3A_127 = tpu.memref_slice %arg4[%dma_wait3A_125, %add3A_82, %dma_wait3A_126] : memref<4x2048x1024xf32, #tpu.memory_space<hbm>> -> memref<1x16x1024xf32, #tpu.memory_space<hbm>>
    %dma_wait3A_128 = tpu.memref_squeeze %dma_wait3A_127 : memref<1x16x1024xf32, #tpu.memory_space<hbm>> -> memref<16x1024xf32, #tpu.memory_space<hbm>>
    %dma_wait3A_129 = arith.constant 0 : i32
    %dma_wait3A_130 = tpu.memref_slice %arg4[%dma_wait3A_125, %add3A_82, %dma_wait3A_129] : memref<4x2048x1024xf32, #tpu.memory_space<hbm>> -> memref<1x16x1024xf32, #tpu.memory_space<hbm>>
    %dma_wait3A_131 = tpu.memref_squeeze %dma_wait3A_130 : memref<1x16x1024xf32, #tpu.memory_space<hbm>> -> memref<16x1024xf32, #tpu.memory_space<hbm>>
    tpu.wait_dma2 semaphore(%arg16 : memref<!tpu.dma_semaphore, #tpu.memory_space<semaphore_mem>>) src(%arg6 : memref<16x1024xf32, #tpu.memory_space<vmem>>) dst(%dma_wait3A_131 : memref<16x1024xf32, #tpu.memory_space<hbm>>)
    %add3A_132 = arith.constant 16 : i32
    %add3A_133 = arith.addi %mul3A_2, %add3A_132 : i32
    %dma_start3A_134 = arith.constant 1 : i32
    %dma_start3A_135 = arith.constant 0 : i32
    %dma_start3A_136 = tpu.memref_slice %arg2[%dma_start3A_134, %add3A_133, %dma_start3A_135] : memref<4x2048x1024xf32, #tpu.memory_space<hbm>> -> memref<1x16x1024xf32, #tpu.memory_space<hbm>>
    %dma_start3A_137 = tpu.memref_squeeze %dma_start3A_136 : memref<1x16x1024xf32, #tpu.memory_space<hbm>> -> memref<16x1024xf32, #tpu.memory_space<hbm>>
    %dma_start3A_138 = arith.constant 0 : i32
    %dma_start3A_139 = tpu.memref_slice %arg2[%dma_start3A_134, %add3A_133, %dma_start3A_138] : memref<4x2048x1024xf32, #tpu.memory_space<hbm>> -> memref<1x16x1024xf32, #tpu.memory_space<hbm>>
    %dma_start3A_140 = tpu.memref_squeeze %dma_start3A_139 : memref<1x16x1024xf32, #tpu.memory_space<hbm>> -> memref<16x1024xf32, #tpu.memory_space<hbm>>
    tpu.enqueue_dma source(%dma_start3A_140 : memref<16x1024xf32, #tpu.memory_space<hbm>>) target(%arg6 : memref<16x1024xf32, #tpu.memory_space<vmem>>) target_semaphore(%arg12 : memref<!tpu.dma_semaphore, #tpu.memory_space<semaphore_mem>>)
    %dma_wait3A_141 = arith.constant 3 : i32
    %dma_wait3A_142 = arith.constant 0 : i32
    %dma_wait3A_143 = tpu.memref_slice %arg2[%dma_wait3A_141, %add3A_63, %dma_wait3A_142] : memref<4x2048x1024xf32, #tpu.memory_space<hbm>> -> memref<1x16x1024xf32, #tpu.memory_space<hbm>>
    %dma_wait3A_144 = tpu.memref_squeeze %dma_wait3A_143 : memref<1x16x1024xf32, #tpu.memory_space<hbm>> -> memref<16x1024xf32, #tpu.memory_space<hbm>>
    %dma_wait3A_145 = arith.constant 0 : i32
    %dma_wait3A_146 = tpu.memref_slice %arg2[%dma_wait3A_141, %add3A_63, %dma_wait3A_145] : memref<4x2048x1024xf32, #tpu.memory_space<hbm>> -> memref<1x16x1024xf32, #tpu.memory_space<hbm>>
    %dma_wait3A_147 = tpu.memref_squeeze %dma_wait3A_146 : memref<1x16x1024xf32, #tpu.memory_space<hbm>> -> memref<16x1024xf32, #tpu.memory_space<hbm>>
    tpu.wait_dma2 semaphore(%arg14 : memref<!tpu.dma_semaphore, #tpu.memory_space<semaphore_mem>>) src(%dma_wait3A_147 : memref<16x1024xf32, #tpu.memory_space<hbm>>) dst(%arg8 : memref<16x1024xf32, #tpu.memory_space<vmem>>)
    %parallel_loop3A_148 = arith.constant 0 : i32
    %parallel_loop3A_149 = arith.constant 16 : i32
    %parallel_loop3A_150 = arith.constant 1 : i32
    scf.for %parallel_loop3A_586 = %parallel_loop3A_148 to %parallel_loop3A_149 step %parallel_loop3A_150  : i32 {
      %parallel_loop3A_587 = arith.constant 0 : i32
      %parallel_loop3A_588 = arith.constant 1024 : i32
      %parallel_loop3A_589 = arith.constant 16 : i32
      scf.for %parallel_loop3A_590 = %parallel_loop3A_587 to %parallel_loop3A_588 step %parallel_loop3A_589  : i32 {
        %parallel_loop3A_591 = arith.index_cast %parallel_loop3A_586 : i32 to index
        %parallel_loop3A_592 = arith.index_cast %parallel_loop3A_590 : i32 to index
        %parallel_loop3A_593 = tpu.vector_load %arg8[%parallel_loop3A_591, %parallel_loop3A_592] {strides = array<i32>} : memref<16x1024xf32, #tpu.memory_space<vmem>>, vector<1x16xf32>,
        %parallel_loop3A_594 = vector.shape_cast %parallel_loop3A_593 : vector<1x16xf32> to vector<16xf32>
        %parallel_loop3A_595 = arith.index_cast %parallel_loop3A_586 : i32 to index
        %parallel_loop3A_596 = arith.index_cast %parallel_loop3A_590 : i32 to index
        %parallel_loop3A_597 = tpu.vector_load %arg9[%parallel_loop3A_595, %parallel_loop3A_596] {strides = array<i32>} : memref<16x1024xf32, #tpu.memory_space<vmem>>, vector<1x16xf32>,
        %parallel_loop3A_598 = vector.shape_cast %parallel_loop3A_597 : vector<1x16xf32> to vector<16xf32>
        %parallel_loop3A_599 = arith.addf %parallel_loop3A_594, %parallel_loop3A_598 : vector<16xf32>
        %parallel_loop3A_600 = arith.index_cast %parallel_loop3A_586 : i32 to index
        %parallel_loop3A_601 = arith.index_cast %parallel_loop3A_590 : i32 to index
        %parallel_loop3A_602 = tpu.vector_load %arg8[%parallel_loop3A_600, %parallel_loop3A_601] {strides = array<i32>} : memref<16x1024xf32, #tpu.memory_space<vmem>>, vector<1x16xf32>,
        %parallel_loop3A_603 = vector.shape_cast %parallel_loop3A_602 : vector<1x16xf32> to vector<16xf32>
        %parallel_loop3A_604 = vector.shape_cast %parallel_loop3A_599 : vector<16xf32> to vector<1x16xf32>
        tpu.vector_store %arg8[%parallel_loop3A_600, %parallel_loop3A_601], %parallel_loop3A_604 {strides = array<i32>} : memref<16x1024xf32, #tpu.memory_space<vmem>>, vector<1x16xf32>,
      } {sc.loop_unroll_factor = 8 : i64, sc.parallel_access}
    } {sc.loop_unroll_factor = 1 : i64, sc.parallel_access}
    %add3A_151 = arith.constant 0 : i32
    %add3A_152 = arith.addi %mul3A_2, %add3A_151 : i32
    %dma_start3A_153 = arith.constant 3 : i32
    %dma_start3A_154 = arith.constant 0 : i32
    %dma_start3A_155 = tpu.memref_slice %arg4[%dma_start3A_153, %add3A_152, %dma_start3A_154] : memref<4x2048x1024xf32, #tpu.memory_space<hbm>> -> memref<1x16x1024xf32, #tpu.memory_space<hbm>>
    %dma_start3A_156 = tpu.memref_squeeze %dma_start3A_155 : memref<1x16x1024xf32, #tpu.memory_space<hbm>> -> memref<16x1024xf32, #tpu.memory_space<hbm>>
    %dma_start3A_157 = arith.constant 0 : i32
    %dma_start3A_158 = tpu.memref_slice %arg4[%dma_start3A_153, %add3A_152, %dma_start3A_157] : memref<4x2048x1024xf32, #tpu.memory_space<hbm>> -> memref<1x16x1024xf32, #tpu.memory_space<hbm>>
    %dma_start3A_159 = tpu.memref_squeeze %dma_start3A_158 : memref<1x16x1024xf32, #tpu.memory_space<hbm>> -> memref<16x1024xf32, #tpu.memory_space<hbm>>
    tpu.enqueue_dma source(%arg8 : memref<16x1024xf32, #tpu.memory_space<vmem>>) target(%dma_start3A_159 : memref<16x1024xf32, #tpu.memory_space<hbm>>) target_semaphore(%arg18 : memref<!tpu.dma_semaphore, #tpu.memory_space<semaphore_mem>>)
    %add3A_160 = arith.constant 32 : i32
    %add3A_161 = arith.addi %mul3A_2, %add3A_160 : i32
    %dma_start3A_162 = arith.constant 0 : i32
    %dma_start3A_163 = tpu.memref_slice %arg3[%add3A_161, %dma_start3A_162] : memref<2048x1024xf32, #tpu.memory_space<hbm>> -> memref<16x1024xf32, #tpu.memory_space<hbm>>
    %dma_start3A_164 = arith.constant 0 : i32
    %dma_start3A_165 = tpu.memref_slice %arg3[%add3A_161, %dma_start3A_164] : memref<2048x1024xf32, #tpu.memory_space<hbm>> -> memref<16x1024xf32, #tpu.memory_space<hbm>>
    tpu.enqueue_dma source(%dma_start3A_165 : memref<16x1024xf32, #tpu.memory_space<hbm>>) target(%arg9 : memref<16x1024xf32, #tpu.memory_space<vmem>>) target_semaphore(%arg19 : memref<!tpu.dma_semaphore, #tpu.memory_space<semaphore_mem>>)
    %dma_wait3A_166 = arith.constant 2 : i32
    %dma_wait3A_167 = arith.constant 0 : i32
    %dma_wait3A_168 = tpu.memref_slice %arg4[%dma_wait3A_166, %add3A_117, %dma_wait3A_167] : memref<4x2048x1024xf32, #tpu.memory_space<hbm>> -> memref<1x16x1024xf32, #tpu.memory_space<hbm>>
    %dma_wait3A_169 = tpu.memref_squeeze %dma_wait3A_168 : memref<1x16x1024xf32, #tpu.memory_space<hbm>> -> memref<16x1024xf32, #tpu.memory_space<hbm>>
    %dma_wait3A_170 = arith.constant 0 : i32
    %dma_wait3A_171 = tpu.memref_slice %arg4[%dma_wait3A_166, %add3A_117, %dma_wait3A_170] : memref<4x2048x1024xf32, #tpu.memory_space<hbm>> -> memref<1x16x1024xf32, #tpu.memory_space<hbm>>
    %dma_wait3A_172 = tpu.memref_squeeze %dma_wait3A_171 : memref<1x16x1024xf32, #tpu.memory_space<hbm>> -> memref<16x1024xf32, #tpu.memory_space<hbm>>
    tpu.wait_dma2 semaphore(%arg17 : memref<!tpu.dma_semaphore, #tpu.memory_space<semaphore_mem>>) src(%arg7 : memref<16x1024xf32, #tpu.memory_space<vmem>>) dst(%dma_wait3A_172 : memref<16x1024xf32, #tpu.memory_space<hbm>>)
    %add3A_173 = arith.constant 16 : i32
    %add3A_174 = arith.addi %mul3A_2, %add3A_173 : i32
    %dma_start3A_175 = arith.constant 2 : i32
    %dma_start3A_176 = arith.constant 0 : i32
    %dma_start3A_177 = tpu.memref_slice %arg2[%dma_start3A_175, %add3A_174, %dma_start3A_176] : memref<4x2048x1024xf32, #tpu.memory_space<hbm>> -> memref<1x16x1024xf32, #tpu.memory_space<hbm>>
    %dma_start3A_178 = tpu.memref_squeeze %dma_start3A_177 : memref<1x16x1024xf32, #tpu.memory_space<hbm>> -> memref<16x1024xf32, #tpu.memory_space<hbm>>
    %dma_start3A_179 = arith.constant 0 : i32
    %dma_start3A_180 = tpu.memref_slice %arg2[%dma_start3A_175, %add3A_174, %dma_start3A_179] : memref<4x2048x1024xf32, #tpu.memory_space<hbm>> -> memref<1x16x1024xf32, #tpu.memory_space<hbm>>
    %dma_start3A_181 = tpu.memref_squeeze %dma_start3A_180 : memref<1x16x1024xf32, #tpu.memory_space<hbm>> -> memref<16x1024xf32, #tpu.memory_space<hbm>>
    tpu.enqueue_dma source(%dma_start3A_181 : memref<16x1024xf32, #tpu.memory_space<hbm>>) target(%arg7 : memref<16x1024xf32, #tpu.memory_space<vmem>>) target_semaphore(%arg13 : memref<!tpu.dma_semaphore, #tpu.memory_space<semaphore_mem>>)
    %dma_wait3A_182 = arith.constant 0 : i32
    %dma_wait3A_183 = tpu.memref_slice %arg3[%add3A_27, %dma_wait3A_182] : memref<2048x1024xf32, #tpu.memory_space<hbm>> -> memref<16x1024xf32, #tpu.memory_space<hbm>>
    %dma_wait3A_184 = arith.constant 0 : i32
    %dma_wait3A_185 = tpu.memref_slice %arg3[%add3A_27, %dma_wait3A_184] : memref<2048x1024xf32, #tpu.memory_space<hbm>> -> memref<16x1024xf32, #tpu.memory_space<hbm>>
    tpu.wait_dma2 semaphore(%arg20 : memref<!tpu.dma_semaphore, #tpu.memory_space<semaphore_mem>>) src(%dma_wait3A_185 : memref<16x1024xf32, #tpu.memory_space<hbm>>) dst(%arg10 : memref<16x1024xf32, #tpu.memory_space<vmem>>)
    %dma_wait3A_186 = arith.constant 0 : i32
    %dma_wait3A_187 = arith.constant 0 : i32
    %dma_wait3A_188 = tpu.memref_slice %arg2[%dma_wait3A_186, %add3A_98, %dma_wait3A_187] : memref<4x2048x1024xf32, #tpu.memory_space<hbm>> -> memref<1x16x1024xf32, #tpu.memory_space<hbm>>
    %dma_wait3A_189 = tpu.memref_squeeze %dma_wait3A_188 : memref<1x16x1024xf32, #tpu.memory_space<hbm>> -> memref<16x1024xf32, #tpu.memory_space<hbm>>
    %dma_wait3A_190 = arith.constant 0 : i32
    %dma_wait3A_191 = tpu.memref_slice %arg2[%dma_wait3A_186, %add3A_98, %dma_wait3A_190] : memref<4x2048x1024xf32, #tpu.memory_space<hbm>> -> memref<1x16x1024xf32, #tpu.memory_space<hbm>>
    %dma_wait3A_192 = tpu.memref_squeeze %dma_wait3A_191 : memref<1x16x1024xf32, #tpu.memory_space<hbm>> -> memref<16x1024xf32, #tpu.memory_space<hbm>>
    tpu.wait_dma2 semaphore(%arg11 : memref<!tpu.dma_semaphore, #tpu.memory_space<semaphore_mem>>) src(%dma_wait3A_192 : memref<16x1024xf32, #tpu.memory_space<hbm>>) dst(%arg5 : memref<16x1024xf32, #tpu.memory_space<vmem>>)
    %parallel_loop3A_193 = arith.constant 0 : i32
    %parallel_loop3A_194 = arith.constant 16 : i32
    %parallel_loop3A_195 = arith.constant 1 : i32
    scf.for %parallel_loop3A_586 = %parallel_loop3A_193 to %parallel_loop3A_194 step %parallel_loop3A_195  : i32 {
      %parallel_loop3A_587 = arith.constant 0 : i32
      %parallel_loop3A_588 = arith.constant 1024 : i32
      %parallel_loop3A_589 = arith.constant 16 : i32
      scf.for %parallel_loop3A_590 = %parallel_loop3A_587 to %parallel_loop3A_588 step %parallel_loop3A_589  : i32 {
        %parallel_loop3A_591 = arith.index_cast %parallel_loop3A_586 : i32 to index
        %parallel_loop3A_592 = arith.index_cast %parallel_loop3A_590 : i32 to index
        %parallel_loop3A_593 = tpu.vector_load %arg5[%parallel_loop3A_591, %parallel_loop3A_592] {strides = array<i32>} : memref<16x1024xf32, #tpu.memory_space<vmem>>, vector<1x16xf32>,
        %parallel_loop3A_594 = vector.shape_cast %parallel_loop3A_593 : vector<1x16xf32> to vector<16xf32>
        %parallel_loop3A_595 = arith.index_cast %parallel_loop3A_586 : i32 to index
        %parallel_loop3A_596 = arith.index_cast %parallel_loop3A_590 : i32 to index
        %parallel_loop3A_597 = tpu.vector_load %arg10[%parallel_loop3A_595, %parallel_loop3A_596] {strides = array<i32>} : memref<16x1024xf32, #tpu.memory_space<vmem>>, vector<1x16xf32>,
        %parallel_loop3A_598 = vector.shape_cast %parallel_loop3A_597 : vector<1x16xf32> to vector<16xf32>
        %parallel_loop3A_599 = arith.addf %parallel_loop3A_594, %parallel_loop3A_598 : vector<16xf32>
        %parallel_loop3A_600 = arith.index_cast %parallel_loop3A_586 : i32 to index
        %parallel_loop3A_601 = arith.index_cast %parallel_loop3A_590 : i32 to index
        %parallel_loop3A_602 = tpu.vector_load %arg5[%parallel_loop3A_600, %parallel_loop3A_601] {strides = array<i32>} : memref<16x1024xf32, #tpu.memory_space<vmem>>, vector<1x16xf32>,
        %parallel_loop3A_603 = vector.shape_cast %parallel_loop3A_602 : vector<1x16xf32> to vector<16xf32>
        %parallel_loop3A_604 = vector.shape_cast %parallel_loop3A_599 : vector<16xf32> to vector<1x16xf32>
        tpu.vector_store %arg5[%parallel_loop3A_600, %parallel_loop3A_601], %parallel_loop3A_604 {strides = array<i32>} : memref<16x1024xf32, #tpu.memory_space<vmem>>, vector<1x16xf32>,
      } {sc.loop_unroll_factor = 8 : i64, sc.parallel_access}
    } {sc.loop_unroll_factor = 1 : i64, sc.parallel_access}
    %add3A_196 = arith.constant 16 : i32
    %add3A_197 = arith.addi %mul3A_2, %add3A_196 : i32
    %dma_start3A_198 = arith.constant 0 : i32
    %dma_start3A_199 = arith.constant 0 : i32
    %dma_start3A_200 = tpu.memref_slice %arg4[%dma_start3A_198, %add3A_197, %dma_start3A_199] : memref<4x2048x1024xf32, #tpu.memory_space<hbm>> -> memref<1x16x1024xf32, #tpu.memory_space<hbm>>
    %dma_start3A_201 = tpu.memref_squeeze %dma_start3A_200 : memref<1x16x1024xf32, #tpu.memory_space<hbm>> -> memref<16x1024xf32, #tpu.memory_space<hbm>>
    %dma_start3A_202 = arith.constant 0 : i32
    %dma_start3A_203 = tpu.memref_slice %arg4[%dma_start3A_198, %add3A_197, %dma_start3A_202] : memref<4x2048x1024xf32, #tpu.memory_space<hbm>> -> memref<1x16x1024xf32, #tpu.memory_space<hbm>>
    %dma_start3A_204 = tpu.memref_squeeze %dma_start3A_203 : memref<1x16x1024xf32, #tpu.memory_space<hbm>> -> memref<16x1024xf32, #tpu.memory_space<hbm>>
    tpu.enqueue_dma source(%arg5 : memref<16x1024xf32, #tpu.memory_space<vmem>>) target(%dma_start3A_204 : memref<16x1024xf32, #tpu.memory_space<hbm>>) target_semaphore(%arg15 : memref<!tpu.dma_semaphore, #tpu.memory_space<semaphore_mem>>)
    %dma_wait3A_205 = arith.constant 3 : i32
    %dma_wait3A_206 = arith.constant 0 : i32
    %dma_wait3A_207 = tpu.memref_slice %arg4[%dma_wait3A_205, %add3A_152, %dma_wait3A_206] : memref<4x2048x1024xf32, #tpu.memory_space<hbm>> -> memref<1x16x1024xf32, #tpu.memory_space<hbm>>
    %dma_wait3A_208 = tpu.memref_squeeze %dma_wait3A_207 : memref<1x16x1024xf32, #tpu.memory_space<hbm>> -> memref<16x1024xf32, #tpu.memory_space<hbm>>
    %dma_wait3A_209 = arith.constant 0 : i32
    %dma_wait3A_210 = tpu.memref_slice %arg4[%dma_wait3A_205, %add3A_152, %dma_wait3A_209] : memref<4x2048x1024xf32, #tpu.memory_space<hbm>> -> memref<1x16x1024xf32, #tpu.memory_space<hbm>>
    %dma_wait3A_211 = tpu.memref_squeeze %dma_wait3A_210 : memref<1x16x1024xf32, #tpu.memory_space<hbm>> -> memref<16x1024xf32, #tpu.memory_space<hbm>>
    tpu.wait_dma2 semaphore(%arg18 : memref<!tpu.dma_semaphore, #tpu.memory_space<semaphore_mem>>) src(%arg8 : memref<16x1024xf32, #tpu.memory_space<vmem>>) dst(%dma_wait3A_211 : memref<16x1024xf32, #tpu.memory_space<hbm>>)
    %add3A_212 = arith.constant 16 : i32
    %add3A_213 = arith.addi %mul3A_2, %add3A_212 : i32
    %dma_start3A_214 = arith.constant 3 : i32
    %dma_start3A_215 = arith.constant 0 : i32
    %dma_start3A_216 = tpu.memref_slice %arg2[%dma_start3A_214, %add3A_213, %dma_start3A_215] : memref<4x2048x1024xf32, #tpu.memory_space<hbm>> -> memref<1x16x1024xf32, #tpu.memory_space<hbm>>
    %dma_start3A_217 = tpu.memref_squeeze %dma_start3A_216 : memref<1x16x1024xf32, #tpu.memory_space<hbm>> -> memref<16x1024xf32, #tpu.memory_space<hbm>>
    %dma_start3A_218 = arith.constant 0 : i32
    %dma_start3A_219 = tpu.memref_slice %arg2[%dma_start3A_214, %add3A_213, %dma_start3A_218] : memref<4x2048x1024xf32, #tpu.memory_space<hbm>> -> memref<1x16x1024xf32, #tpu.memory_space<hbm>>
    %dma_start3A_220 = tpu.memref_squeeze %dma_start3A_219 : memref<1x16x1024xf32, #tpu.memory_space<hbm>> -> memref<16x1024xf32, #tpu.memory_space<hbm>>
    tpu.enqueue_dma source(%dma_start3A_220 : memref<16x1024xf32, #tpu.memory_space<hbm>>) target(%arg8 : memref<16x1024xf32, #tpu.memory_space<vmem>>) target_semaphore(%arg14 : memref<!tpu.dma_semaphore, #tpu.memory_space<semaphore_mem>>)
    %dma_wait3A_221 = arith.constant 1 : i32
    %dma_wait3A_222 = arith.constant 0 : i32
    %dma_wait3A_223 = tpu.memref_slice %arg2[%dma_wait3A_221, %add3A_133, %dma_wait3A_222] : memref<4x2048x1024xf32, #tpu.memory_space<hbm>> -> memref<1x16x1024xf32, #tpu.memory_space<hbm>>
    %dma_wait3A_224 = tpu.memref_squeeze %dma_wait3A_223 : memref<1x16x1024xf32, #tpu.memory_space<hbm>> -> memref<16x1024xf32, #tpu.memory_space<hbm>>
    %dma_wait3A_225 = arith.constant 0 : i32
    %dma_wait3A_226 = tpu.memref_slice %arg2[%dma_wait3A_221, %add3A_133, %dma_wait3A_225] : memref<4x2048x1024xf32, #tpu.memory_space<hbm>> -> memref<1x16x1024xf32, #tpu.memory_space<hbm>>
    %dma_wait3A_227 = tpu.memref_squeeze %dma_wait3A_226 : memref<1x16x1024xf32, #tpu.memory_space<hbm>> -> memref<16x1024xf32, #tpu.memory_space<hbm>>
    tpu.wait_dma2 semaphore(%arg12 : memref<!tpu.dma_semaphore, #tpu.memory_space<semaphore_mem>>) src(%dma_wait3A_227 : memref<16x1024xf32, #tpu.memory_space<hbm>>) dst(%arg6 : memref<16x1024xf32, #tpu.memory_space<vmem>>)
    %parallel_loop3A_228 = arith.constant 0 : i32
    %parallel_loop3A_229 = arith.constant 16 : i32
    %parallel_loop3A_230 = arith.constant 1 : i32
    scf.for %parallel_loop3A_586 = %parallel_loop3A_228 to %parallel_loop3A_229 step %parallel_loop3A_230  : i32 {
      %parallel_loop3A_587 = arith.constant 0 : i32
      %parallel_loop3A_588 = arith.constant 1024 : i32
      %parallel_loop3A_589 = arith.constant 16 : i32
      scf.for %parallel_loop3A_590 = %parallel_loop3A_587 to %parallel_loop3A_588 step %parallel_loop3A_589  : i32 {
        %parallel_loop3A_591 = arith.index_cast %parallel_loop3A_586 : i32 to index
        %parallel_loop3A_592 = arith.index_cast %parallel_loop3A_590 : i32 to index
        %parallel_loop3A_593 = tpu.vector_load %arg6[%parallel_loop3A_591, %parallel_loop3A_592] {strides = array<i32>} : memref<16x1024xf32, #tpu.memory_space<vmem>>, vector<1x16xf32>,
        %parallel_loop3A_594 = vector.shape_cast %parallel_loop3A_593 : vector<1x16xf32> to vector<16xf32>
        %parallel_loop3A_595 = arith.index_cast %parallel_loop3A_586 : i32 to index
        %parallel_loop3A_596 = arith.index_cast %parallel_loop3A_590 : i32 to index
        %parallel_loop3A_597 = tpu.vector_load %arg10[%parallel_loop3A_595, %parallel_loop3A_596] {strides = array<i32>} : memref<16x1024xf32, #tpu.memory_space<vmem>>, vector<1x16xf32>,
        %parallel_loop3A_598 = vector.shape_cast %parallel_loop3A_597 : vector<1x16xf32> to vector<16xf32>
        %parallel_loop3A_599 = arith.addf %parallel_loop3A_594, %parallel_loop3A_598 : vector<16xf32>
        %parallel_loop3A_600 = arith.index_cast %parallel_loop3A_586 : i32 to index
        %parallel_loop3A_601 = arith.index_cast %parallel_loop3A_590 : i32 to index
        %parallel_loop3A_602 = tpu.vector_load %arg6[%parallel_loop3A_600, %parallel_loop3A_601] {strides = array<i32>} : memref<16x1024xf32, #tpu.memory_space<vmem>>, vector<1x16xf32>,
        %parallel_loop3A_603 = vector.shape_cast %parallel_loop3A_602 : vector<1x16xf32> to vector<16xf32>
        %parallel_loop3A_604 = vector.shape_cast %parallel_loop3A_599 : vector<16xf32> to vector<1x16xf32>
        tpu.vector_store %arg6[%parallel_loop3A_600, %parallel_loop3A_601], %parallel_loop3A_604 {strides = array<i32>} : memref<16x1024xf32, #tpu.memory_space<vmem>>, vector<1x16xf32>,
      } {sc.loop_unroll_factor = 8 : i64, sc.parallel_access}
    } {sc.loop_unroll_factor = 1 : i64, sc.parallel_access}
    %add3A_231 = arith.constant 16 : i32
    %add3A_232 = arith.addi %mul3A_2, %add3A_231 : i32
    %dma_start3A_233 = arith.constant 1 : i32
    %dma_start3A_234 = arith.constant 0 : i32
    %dma_start3A_235 = tpu.memref_slice %arg4[%dma_start3A_233, %add3A_232, %dma_start3A_234] : memref<4x2048x1024xf32, #tpu.memory_space<hbm>> -> memref<1x16x1024xf32, #tpu.memory_space<hbm>>
    %dma_start3A_236 = tpu.memref_squeeze %dma_start3A_235 : memref<1x16x1024xf32, #tpu.memory_space<hbm>> -> memref<16x1024xf32, #tpu.memory_space<hbm>>
    %dma_start3A_237 = arith.constant 0 : i32
    %dma_start3A_238 = tpu.memref_slice %arg4[%dma_start3A_233, %add3A_232, %dma_start3A_237] : memref<4x2048x1024xf32, #tpu.memory_space<hbm>> -> memref<1x16x1024xf32, #tpu.memory_space<hbm>>
    %dma_start3A_239 = tpu.memref_squeeze %dma_start3A_238 : memref<1x16x1024xf32, #tpu.memory_space<hbm>> -> memref<16x1024xf32, #tpu.memory_space<hbm>>
    tpu.enqueue_dma source(%arg6 : memref<16x1024xf32, #tpu.memory_space<vmem>>) target(%dma_start3A_239 : memref<16x1024xf32, #tpu.memory_space<hbm>>) target_semaphore(%arg16 : memref<!tpu.dma_semaphore, #tpu.memory_space<semaphore_mem>>)
    %dma_wait3A_240 = arith.constant 0 : i32
    %dma_wait3A_241 = arith.constant 0 : i32
    %dma_wait3A_242 = tpu.memref_slice %arg4[%dma_wait3A_240, %add3A_197, %dma_wait3A_241] : memref<4x2048x1024xf32, #tpu.memory_space<hbm>> -> memref<1x16x1024xf32, #tpu.memory_space<hbm>>
    %dma_wait3A_243 = tpu.memref_squeeze %dma_wait3A_242 : memref<1x16x1024xf32, #tpu.memory_space<hbm>> -> memref<16x1024xf32, #tpu.memory_space<hbm>>
    %dma_wait3A_244 = arith.constant 0 : i32
    %dma_wait3A_245 = tpu.memref_slice %arg4[%dma_wait3A_240, %add3A_197, %dma_wait3A_244] : memref<4x2048x1024xf32, #tpu.memory_space<hbm>> -> memref<1x16x1024xf32, #tpu.memory_space<hbm>>
    %dma_wait3A_246 = tpu.memref_squeeze %dma_wait3A_245 : memref<1x16x1024xf32, #tpu.memory_space<hbm>> -> memref<16x1024xf32, #tpu.memory_space<hbm>>
    tpu.wait_dma2 semaphore(%arg15 : memref<!tpu.dma_semaphore, #tpu.memory_space<semaphore_mem>>) src(%arg5 : memref<16x1024xf32, #tpu.memory_space<vmem>>) dst(%dma_wait3A_246 : memref<16x1024xf32, #tpu.memory_space<hbm>>)
    %add3A_247 = arith.constant 32 : i32
    %add3A_248 = arith.addi %mul3A_2, %add3A_247 : i32
    %dma_start3A_249 = arith.constant 0 : i32
    %dma_start3A_250 = arith.constant 0 : i32
    %dma_start3A_251 = tpu.memref_slice %arg2[%dma_start3A_249, %add3A_248, %dma_start3A_250] : memref<4x2048x1024xf32, #tpu.memory_space<hbm>> -> memref<1x16x1024xf32, #tpu.memory_space<hbm>>
    %dma_start3A_252 = tpu.memref_squeeze %dma_start3A_251 : memref<1x16x1024xf32, #tpu.memory_space<hbm>> -> memref<16x1024xf32, #tpu.memory_space<hbm>>
    %dma_start3A_253 = arith.constant 0 : i32
    %dma_start3A_254 = tpu.memref_slice %arg2[%dma_start3A_249, %add3A_248, %dma_start3A_253] : memref<4x2048x1024xf32, #tpu.memory_space<hbm>> -> memref<1x16x1024xf32, #tpu.memory_space<hbm>>
    %dma_start3A_255 = tpu.memref_squeeze %dma_start3A_254 : memref<1x16x1024xf32, #tpu.memory_space<hbm>> -> memref<16x1024xf32, #tpu.memory_space<hbm>>
    tpu.enqueue_dma source(%dma_start3A_255 : memref<16x1024xf32, #tpu.memory_space<hbm>>) target(%arg5 : memref<16x1024xf32, #tpu.memory_space<vmem>>) target_semaphore(%arg11 : memref<!tpu.dma_semaphore, #tpu.memory_space<semaphore_mem>>)
    %dma_wait3A_256 = arith.constant 2 : i32
    %dma_wait3A_257 = arith.constant 0 : i32
    %dma_wait3A_258 = tpu.memref_slice %arg2[%dma_wait3A_256, %add3A_174, %dma_wait3A_257] : memref<4x2048x1024xf32, #tpu.memory_space<hbm>> -> memref<1x16x1024xf32, #tpu.memory_space<hbm>>
    %dma_wait3A_259 = tpu.memref_squeeze %dma_wait3A_258 : memref<1x16x1024xf32, #tpu.memory_space<hbm>> -> memref<16x1024xf32, #tpu.memory_space<hbm>>
    %dma_wait3A_260 = arith.constant 0 : i32
    %dma_wait3A_261 = tpu.memref_slice %arg2[%dma_wait3A_256, %add3A_174, %dma_wait3A_260] : memref<4x2048x1024xf32, #tpu.memory_space<hbm>> -> memref<1x16x1024xf32, #tpu.memory_space<hbm>>
    %dma_wait3A_262 = tpu.memref_squeeze %dma_wait3A_261 : memref<1x16x1024xf32, #tpu.memory_space<hbm>> -> memref<16x1024xf32, #tpu.memory_space<hbm>>
    tpu.wait_dma2 semaphore(%arg13 : memref<!tpu.dma_semaphore, #tpu.memory_space<semaphore_mem>>) src(%dma_wait3A_262 : memref<16x1024xf32, #tpu.memory_space<hbm>>) dst(%arg7 : memref<16x1024xf32, #tpu.memory_space<vmem>>)
    %parallel_loop3A_263 = arith.constant 0 : i32
    %parallel_loop3A_264 = arith.constant 16 : i32
    %parallel_loop3A_265 = arith.constant 1 : i32
    scf.for %parallel_loop3A_586 = %parallel_loop3A_263 to %parallel_loop3A_264 step %parallel_loop3A_265  : i32 {
      %parallel_loop3A_587 = arith.constant 0 : i32
      %parallel_loop3A_588 = arith.constant 1024 : i32
      %parallel_loop3A_589 = arith.constant 16 : i32
      scf.for %parallel_loop3A_590 = %parallel_loop3A_587 to %parallel_loop3A_588 step %parallel_loop3A_589  : i32 {
        %parallel_loop3A_591 = arith.index_cast %parallel_loop3A_586 : i32 to index
        %parallel_loop3A_592 = arith.index_cast %parallel_loop3A_590 : i32 to index
        %parallel_loop3A_593 = tpu.vector_load %arg7[%parallel_loop3A_591, %parallel_loop3A_592] {strides = array<i32>} : memref<16x1024xf32, #tpu.memory_space<vmem>>, vector<1x16xf32>,
        %parallel_loop3A_594 = vector.shape_cast %parallel_loop3A_593 : vector<1x16xf32> to vector<16xf32>
        %parallel_loop3A_595 = arith.index_cast %parallel_loop3A_586 : i32 to index
        %parallel_loop3A_596 = arith.index_cast %parallel_loop3A_590 : i32 to index
        %parallel_loop3A_597 = tpu.vector_load %arg10[%parallel_loop3A_595, %parallel_loop3A_596] {strides = array<i32>} : memref<16x1024xf32, #tpu.memory_space<vmem>>, vector<1x16xf32>,
        %parallel_loop3A_598 = vector.shape_cast %parallel_loop3A_597 : vector<1x16xf32> to vector<16xf32>
        %parallel_loop3A_599 = arith.addf %parallel_loop3A_594, %parallel_loop3A_598 : vector<16xf32>
        %parallel_loop3A_600 = arith.index_cast %parallel_loop3A_586 : i32 to index
        %parallel_loop3A_601 = arith.index_cast %parallel_loop3A_590 : i32 to index
        %parallel_loop3A_602 = tpu.vector_load %arg7[%parallel_loop3A_600, %parallel_loop3A_601] {strides = array<i32>} : memref<16x1024xf32, #tpu.memory_space<vmem>>, vector<1x16xf32>,
        %parallel_loop3A_603 = vector.shape_cast %parallel_loop3A_602 : vector<1x16xf32> to vector<16xf32>
        %parallel_loop3A_604 = vector.shape_cast %parallel_loop3A_599 : vector<16xf32> to vector<1x16xf32>
        tpu.vector_store %arg7[%parallel_loop3A_600, %parallel_loop3A_601], %parallel_loop3A_604 {strides = array<i32>} : memref<16x1024xf32, #tpu.memory_space<vmem>>, vector<1x16xf32>,
      } {sc.loop_unroll_factor = 8 : i64, sc.parallel_access}
    } {sc.loop_unroll_factor = 1 : i64, sc.parallel_access}
    %add3A_266 = arith.constant 16 : i32
    %add3A_267 = arith.addi %mul3A_2, %add3A_266 : i32
    %dma_start3A_268 = arith.constant 2 : i32
    %dma_start3A_269 = arith.constant 0 : i32
    %dma_start3A_270 = tpu.memref_slice %arg4[%dma_start3A_268, %add3A_267, %dma_start3A_269] : memref<4x2048x1024xf32, #tpu.memory_space<hbm>> -> memref<1x16x1024xf32, #tpu.memory_space<hbm>>
    %dma_start3A_271 = tpu.memref_squeeze %dma_start3A_270 : memref<1x16x1024xf32, #tpu.memory_space<hbm>> -> memref<16x1024xf32, #tpu.memory_space<hbm>>
    %dma_start3A_272 = arith.constant 0 : i32
    %dma_start3A_273 = tpu.memref_slice %arg4[%dma_start3A_268, %add3A_267, %dma_start3A_272] : memref<4x2048x1024xf32, #tpu.memory_space<hbm>> -> memref<1x16x1024xf32, #tpu.memory_space<hbm>>
    %dma_start3A_274 = tpu.memref_squeeze %dma_start3A_273 : memref<1x16x1024xf32, #tpu.memory_space<hbm>> -> memref<16x1024xf32, #tpu.memory_space<hbm>>
    tpu.enqueue_dma source(%arg7 : memref<16x1024xf32, #tpu.memory_space<vmem>>) target(%dma_start3A_274 : memref<16x1024xf32, #tpu.memory_space<hbm>>) target_semaphore(%arg17 : memref<!tpu.dma_semaphore, #tpu.memory_space<semaphore_mem>>)
    %dma_wait3A_275 = arith.constant 1 : i32
    %dma_wait3A_276 = arith.constant 0 : i32
    %dma_wait3A_277 = tpu.memref_slice %arg4[%dma_wait3A_275, %add3A_232, %dma_wait3A_276] : memref<4x2048x1024xf32, #tpu.memory_space<hbm>> -> memref<1x16x1024xf32, #tpu.memory_space<hbm>>
    %dma_wait3A_278 = tpu.memref_squeeze %dma_wait3A_277 : memref<1x16x1024xf32, #tpu.memory_space<hbm>> -> memref<16x1024xf32, #tpu.memory_space<hbm>>
    %dma_wait3A_279 = arith.constant 0 : i32
    %dma_wait3A_280 = tpu.memref_slice %arg4[%dma_wait3A_275, %add3A_232, %dma_wait3A_279] : memref<4x2048x1024xf32, #tpu.memory_space<hbm>> -> memref<1x16x1024xf32, #tpu.memory_space<hbm>>
    %dma_wait3A_281 = tpu.memref_squeeze %dma_wait3A_280 : memref<1x16x1024xf32, #tpu.memory_space<hbm>> -> memref<16x1024xf32, #tpu.memory_space<hbm>>
    tpu.wait_dma2 semaphore(%arg16 : memref<!tpu.dma_semaphore, #tpu.memory_space<semaphore_mem>>) src(%arg6 : memref<16x1024xf32, #tpu.memory_space<vmem>>) dst(%dma_wait3A_281 : memref<16x1024xf32, #tpu.memory_space<hbm>>)
    %add3A_282 = arith.constant 32 : i32
    %add3A_283 = arith.addi %mul3A_2, %add3A_282 : i32
    %dma_start3A_284 = arith.constant 1 : i32
    %dma_start3A_285 = arith.constant 0 : i32
    %dma_start3A_286 = tpu.memref_slice %arg2[%dma_start3A_284, %add3A_283, %dma_start3A_285] : memref<4x2048x1024xf32, #tpu.memory_space<hbm>> -> memref<1x16x1024xf32, #tpu.memory_space<hbm>>
    %dma_start3A_287 = tpu.memref_squeeze %dma_start3A_286 : memref<1x16x1024xf32, #tpu.memory_space<hbm>> -> memref<16x1024xf32, #tpu.memory_space<hbm>>
    %dma_start3A_288 = arith.constant 0 : i32
    %dma_start3A_289 = tpu.memref_slice %arg2[%dma_start3A_284, %add3A_283, %dma_start3A_288] : memref<4x2048x1024xf32, #tpu.memory_space<hbm>> -> memref<1x16x1024xf32, #tpu.memory_space<hbm>>
    %dma_start3A_290 = tpu.memref_squeeze %dma_start3A_289 : memref<1x16x1024xf32, #tpu.memory_space<hbm>> -> memref<16x1024xf32, #tpu.memory_space<hbm>>
    tpu.enqueue_dma source(%dma_start3A_290 : memref<16x1024xf32, #tpu.memory_space<hbm>>) target(%arg6 : memref<16x1024xf32, #tpu.memory_space<vmem>>) target_semaphore(%arg12 : memref<!tpu.dma_semaphore, #tpu.memory_space<semaphore_mem>>)
    %dma_wait3A_291 = arith.constant 3 : i32
    %dma_wait3A_292 = arith.constant 0 : i32
    %dma_wait3A_293 = tpu.memref_slice %arg2[%dma_wait3A_291, %add3A_213, %dma_wait3A_292] : memref<4x2048x1024xf32, #tpu.memory_space<hbm>> -> memref<1x16x1024xf32, #tpu.memory_space<hbm>>
    %dma_wait3A_294 = tpu.memref_squeeze %dma_wait3A_293 : memref<1x16x1024xf32, #tpu.memory_space<hbm>> -> memref<16x1024xf32, #tpu.memory_space<hbm>>
    %dma_wait3A_295 = arith.constant 0 : i32
    %dma_wait3A_296 = tpu.memref_slice %arg2[%dma_wait3A_291, %add3A_213, %dma_wait3A_295] : memref<4x2048x1024xf32, #tpu.memory_space<hbm>> -> memref<1x16x1024xf32, #tpu.memory_space<hbm>>
    %dma_wait3A_297 = tpu.memref_squeeze %dma_wait3A_296 : memref<1x16x1024xf32, #tpu.memory_space<hbm>> -> memref<16x1024xf32, #tpu.memory_space<hbm>>
    tpu.wait_dma2 semaphore(%arg14 : memref<!tpu.dma_semaphore, #tpu.memory_space<semaphore_mem>>) src(%dma_wait3A_297 : memref<16x1024xf32, #tpu.memory_space<hbm>>) dst(%arg8 : memref<16x1024xf32, #tpu.memory_space<vmem>>)
    %parallel_loop3A_298 = arith.constant 0 : i32
    %parallel_loop3A_299 = arith.constant 16 : i32
    %parallel_loop3A_300 = arith.constant 1 : i32
    scf.for %parallel_loop3A_586 = %parallel_loop3A_298 to %parallel_loop3A_299 step %parallel_loop3A_300  : i32 {
      %parallel_loop3A_587 = arith.constant 0 : i32
      %parallel_loop3A_588 = arith.constant 1024 : i32
      %parallel_loop3A_589 = arith.constant 16 : i32
      scf.for %parallel_loop3A_590 = %parallel_loop3A_587 to %parallel_loop3A_588 step %parallel_loop3A_589  : i32 {
        %parallel_loop3A_591 = arith.index_cast %parallel_loop3A_586 : i32 to index
        %parallel_loop3A_592 = arith.index_cast %parallel_loop3A_590 : i32 to index
        %parallel_loop3A_593 = tpu.vector_load %arg8[%parallel_loop3A_591, %parallel_loop3A_592] {strides = array<i32>} : memref<16x1024xf32, #tpu.memory_space<vmem>>, vector<1x16xf32>,
        %parallel_loop3A_594 = vector.shape_cast %parallel_loop3A_593 : vector<1x16xf32> to vector<16xf32>
        %parallel_loop3A_595 = arith.index_cast %parallel_loop3A_586 : i32 to index
        %parallel_loop3A_596 = arith.index_cast %parallel_loop3A_590 : i32 to index
        %parallel_loop3A_597 = tpu.vector_load %arg10[%parallel_loop3A_595, %parallel_loop3A_596] {strides = array<i32>} : memref<16x1024xf32, #tpu.memory_space<vmem>>, vector<1x16xf32>,
        %parallel_loop3A_598 = vector.shape_cast %parallel_loop3A_597 : vector<1x16xf32> to vector<16xf32>
        %parallel_loop3A_599 = arith.addf %parallel_loop3A_594, %parallel_loop3A_598 : vector<16xf32>
        %parallel_loop3A_600 = arith.index_cast %parallel_loop3A_586 : i32 to index
        %parallel_loop3A_601 = arith.index_cast %parallel_loop3A_590 : i32 to index
        %parallel_loop3A_602 = tpu.vector_load %arg8[%parallel_loop3A_600, %parallel_loop3A_601] {strides = array<i32>} : memref<16x1024xf32, #tpu.memory_space<vmem>>, vector<1x16xf32>,
        %parallel_loop3A_603 = vector.shape_cast %parallel_loop3A_602 : vector<1x16xf32> to vector<16xf32>
        %parallel_loop3A_604 = vector.shape_cast %parallel_loop3A_599 : vector<16xf32> to vector<1x16xf32>
        tpu.vector_store %arg8[%parallel_loop3A_600, %parallel_loop3A_601], %parallel_loop3A_604 {strides = array<i32>} : memref<16x1024xf32, #tpu.memory_space<vmem>>, vector<1x16xf32>,
      } {sc.loop_unroll_factor = 8 : i64, sc.parallel_access}
    } {sc.loop_unroll_factor = 1 : i64, sc.parallel_access}
    %add3A_301 = arith.constant 16 : i32
    %add3A_302 = arith.addi %mul3A_2, %add3A_301 : i32
    %dma_start3A_303 = arith.constant 3 : i32
    %dma_start3A_304 = arith.constant 0 : i32
    %dma_start3A_305 = tpu.memref_slice %arg4[%dma_start3A_303, %add3A_302, %dma_start3A_304] : memref<4x2048x1024xf32, #tpu.memory_space<hbm>> -> memref<1x16x1024xf32, #tpu.memory_space<hbm>>
    %dma_start3A_306 = tpu.memref_squeeze %dma_start3A_305 : memref<1x16x1024xf32, #tpu.memory_space<hbm>> -> memref<16x1024xf32, #tpu.memory_space<hbm>>
    %dma_start3A_307 = arith.constant 0 : i32
    %dma_start3A_308 = tpu.memref_slice %arg4[%dma_start3A_303, %add3A_302, %dma_start3A_307] : memref<4x2048x1024xf32, #tpu.memory_space<hbm>> -> memref<1x16x1024xf32, #tpu.memory_space<hbm>>
    %dma_start3A_309 = tpu.memref_squeeze %dma_start3A_308 : memref<1x16x1024xf32, #tpu.memory_space<hbm>> -> memref<16x1024xf32, #tpu.memory_space<hbm>>
    tpu.enqueue_dma source(%arg8 : memref<16x1024xf32, #tpu.memory_space<vmem>>) target(%dma_start3A_309 : memref<16x1024xf32, #tpu.memory_space<hbm>>) target_semaphore(%arg18 : memref<!tpu.dma_semaphore, #tpu.memory_space<semaphore_mem>>)
    %add3A_310 = arith.constant 48 : i32
    %add3A_311 = arith.addi %mul3A_2, %add3A_310 : i32
    %dma_start3A_312 = arith.constant 0 : i32
    %dma_start3A_313 = tpu.memref_slice %arg3[%add3A_311, %dma_start3A_312] : memref<2048x1024xf32, #tpu.memory_space<hbm>> -> memref<16x1024xf32, #tpu.memory_space<hbm>>
    %dma_start3A_314 = arith.constant 0 : i32
    %dma_start3A_315 = tpu.memref_slice %arg3[%add3A_311, %dma_start3A_314] : memref<2048x1024xf32, #tpu.memory_space<hbm>> -> memref<16x1024xf32, #tpu.memory_space<hbm>>
    tpu.enqueue_dma source(%dma_start3A_315 : memref<16x1024xf32, #tpu.memory_space<hbm>>) target(%arg10 : memref<16x1024xf32, #tpu.memory_space<vmem>>) target_semaphore(%arg20 : memref<!tpu.dma_semaphore, #tpu.memory_space<semaphore_mem>>)
    %dma_wait3A_316 = arith.constant 2 : i32
    %dma_wait3A_317 = arith.constant 0 : i32
    %dma_wait3A_318 = tpu.memref_slice %arg4[%dma_wait3A_316, %add3A_267, %dma_wait3A_317] : memref<4x2048x1024xf32, #tpu.memory_space<hbm>> -> memref<1x16x1024xf32, #tpu.memory_space<hbm>>
    %dma_wait3A_319 = tpu.memref_squeeze %dma_wait3A_318 : memref<1x16x1024xf32, #tpu.memory_space<hbm>> -> memref<16x1024xf32, #tpu.memory_space<hbm>>
    %dma_wait3A_320 = arith.constant 0 : i32
    %dma_wait3A_321 = tpu.memref_slice %arg4[%dma_wait3A_316, %add3A_267, %dma_wait3A_320] : memref<4x2048x1024xf32, #tpu.memory_space<hbm>> -> memref<1x16x1024xf32, #tpu.memory_space<hbm>>
    %dma_wait3A_322 = tpu.memref_squeeze %dma_wait3A_321 : memref<1x16x1024xf32, #tpu.memory_space<hbm>> -> memref<16x1024xf32, #tpu.memory_space<hbm>>
    tpu.wait_dma2 semaphore(%arg17 : memref<!tpu.dma_semaphore, #tpu.memory_space<semaphore_mem>>) src(%arg7 : memref<16x1024xf32, #tpu.memory_space<vmem>>) dst(%dma_wait3A_322 : memref<16x1024xf32, #tpu.memory_space<hbm>>)
    %add3A_323 = arith.constant 32 : i32
    %add3A_324 = arith.addi %mul3A_2, %add3A_323 : i32
    %dma_start3A_325 = arith.constant 2 : i32
    %dma_start3A_326 = arith.constant 0 : i32
    %dma_start3A_327 = tpu.memref_slice %arg2[%dma_start3A_325, %add3A_324, %dma_start3A_326] : memref<4x2048x1024xf32, #tpu.memory_space<hbm>> -> memref<1x16x1024xf32, #tpu.memory_space<hbm>>
    %dma_start3A_328 = tpu.memref_squeeze %dma_start3A_327 : memref<1x16x1024xf32, #tpu.memory_space<hbm>> -> memref<16x1024xf32, #tpu.memory_space<hbm>>
    %dma_start3A_329 = arith.constant 0 : i32
    %dma_start3A_330 = tpu.memref_slice %arg2[%dma_start3A_325, %add3A_324, %dma_start3A_329] : memref<4x2048x1024xf32, #tpu.memory_space<hbm>> -> memref<1x16x1024xf32, #tpu.memory_space<hbm>>
    %dma_start3A_331 = tpu.memref_squeeze %dma_start3A_330 : memref<1x16x1024xf32, #tpu.memory_space<hbm>> -> memref<16x1024xf32, #tpu.memory_space<hbm>>
    tpu.enqueue_dma source(%dma_start3A_331 : memref<16x1024xf32, #tpu.memory_space<hbm>>) target(%arg7 : memref<16x1024xf32, #tpu.memory_space<vmem>>) target_semaphore(%arg13 : memref<!tpu.dma_semaphore, #tpu.memory_space<semaphore_mem>>)
    %dma_wait3A_332 = arith.constant 0 : i32
    %dma_wait3A_333 = tpu.memref_slice %arg3[%add3A_161, %dma_wait3A_332] : memref<2048x1024xf32, #tpu.memory_space<hbm>> -> memref<16x1024xf32, #tpu.memory_space<hbm>>
    %dma_wait3A_334 = arith.constant 0 : i32
    %dma_wait3A_335 = tpu.memref_slice %arg3[%add3A_161, %dma_wait3A_334] : memref<2048x1024xf32, #tpu.memory_space<hbm>> -> memref<16x1024xf32, #tpu.memory_space<hbm>>
    tpu.wait_dma2 semaphore(%arg19 : memref<!tpu.dma_semaphore, #tpu.memory_space<semaphore_mem>>) src(%dma_wait3A_335 : memref<16x1024xf32, #tpu.memory_space<hbm>>) dst(%arg9 : memref<16x1024xf32, #tpu.memory_space<vmem>>)
    %dma_wait3A_336 = arith.constant 0 : i32
    %dma_wait3A_337 = arith.constant 0 : i32
    %dma_wait3A_338 = tpu.memref_slice %arg2[%dma_wait3A_336, %add3A_248, %dma_wait3A_337] : memref<4x2048x1024xf32, #tpu.memory_space<hbm>> -> memref<1x16x1024xf32, #tpu.memory_space<hbm>>
    %dma_wait3A_339 = tpu.memref_squeeze %dma_wait3A_338 : memref<1x16x1024xf32, #tpu.memory_space<hbm>> -> memref<16x1024xf32, #tpu.memory_space<hbm>>
    %dma_wait3A_340 = arith.constant 0 : i32
    %dma_wait3A_341 = tpu.memref_slice %arg2[%dma_wait3A_336, %add3A_248, %dma_wait3A_340] : memref<4x2048x1024xf32, #tpu.memory_space<hbm>> -> memref<1x16x1024xf32, #tpu.memory_space<hbm>>
    %dma_wait3A_342 = tpu.memref_squeeze %dma_wait3A_341 : memref<1x16x1024xf32, #tpu.memory_space<hbm>> -> memref<16x1024xf32, #tpu.memory_space<hbm>>
    tpu.wait_dma2 semaphore(%arg11 : memref<!tpu.dma_semaphore, #tpu.memory_space<semaphore_mem>>) src(%dma_wait3A_342 : memref<16x1024xf32, #tpu.memory_space<hbm>>) dst(%arg5 : memref<16x1024xf32, #tpu.memory_space<vmem>>)
    %parallel_loop3A_343 = arith.constant 0 : i32
    %parallel_loop3A_344 = arith.constant 16 : i32
    %parallel_loop3A_345 = arith.constant 1 : i32
    scf.for %parallel_loop3A_586 = %parallel_loop3A_343 to %parallel_loop3A_344 step %parallel_loop3A_345  : i32 {
      %parallel_loop3A_587 = arith.constant 0 : i32
      %parallel_loop3A_588 = arith.constant 1024 : i32
      %parallel_loop3A_589 = arith.constant 16 : i32
      scf.for %parallel_loop3A_590 = %parallel_loop3A_587 to %parallel_loop3A_588 step %parallel_loop3A_589  : i32 {
        %parallel_loop3A_591 = arith.index_cast %parallel_loop3A_586 : i32 to index
        %parallel_loop3A_592 = arith.index_cast %parallel_loop3A_590 : i32 to index
        %parallel_loop3A_593 = tpu.vector_load %arg5[%parallel_loop3A_591, %parallel_loop3A_592] {strides = array<i32>} : memref<16x1024xf32, #tpu.memory_space<vmem>>, vector<1x16xf32>,
        %parallel_loop3A_594 = vector.shape_cast %parallel_loop3A_593 : vector<1x16xf32> to vector<16xf32>
        %parallel_loop3A_595 = arith.index_cast %parallel_loop3A_586 : i32 to index
        %parallel_loop3A_596 = arith.index_cast %parallel_loop3A_590 : i32 to index
        %parallel_loop3A_597 = tpu.vector_load %arg9[%parallel_loop3A_595, %parallel_loop3A_596] {strides = array<i32>} : memref<16x1024xf32, #tpu.memory_space<vmem>>, vector<1x16xf32>,
        %parallel_loop3A_598 = vector.shape_cast %parallel_loop3A_597 : vector<1x16xf32> to vector<16xf32>
        %parallel_loop3A_599 = arith.addf %parallel_loop3A_594, %parallel_loop3A_598 : vector<16xf32>
        %parallel_loop3A_600 = arith.index_cast %parallel_loop3A_586 : i32 to index
        %parallel_loop3A_601 = arith.index_cast %parallel_loop3A_590 : i32 to index
        %parallel_loop3A_602 = tpu.vector_load %arg5[%parallel_loop3A_600, %parallel_loop3A_601] {strides = array<i32>} : memref<16x1024xf32, #tpu.memory_space<vmem>>, vector<1x16xf32>,
        %parallel_loop3A_603 = vector.shape_cast %parallel_loop3A_602 : vector<1x16xf32> to vector<16xf32>
        %parallel_loop3A_604 = vector.shape_cast %parallel_loop3A_599 : vector<16xf32> to vector<1x16xf32>
        tpu.vector_store %arg5[%parallel_loop3A_600, %parallel_loop3A_601], %parallel_loop3A_604 {strides = array<i32>} : memref<16x1024xf32, #tpu.memory_space<vmem>>, vector<1x16xf32>,
      } {sc.loop_unroll_factor = 8 : i64, sc.parallel_access}
    } {sc.loop_unroll_factor = 1 : i64, sc.parallel_access}
    %add3A_346 = arith.constant 32 : i32
    %add3A_347 = arith.addi %mul3A_2, %add3A_346 : i32
    %dma_start3A_348 = arith.constant 0 : i32
    %dma_start3A_349 = arith.constant 0 : i32
    %dma_start3A_350 = tpu.memref_slice %arg4[%dma_start3A_348, %add3A_347, %dma_start3A_349] : memref<4x2048x1024xf32, #tpu.memory_space<hbm>> -> memref<1x16x1024xf32, #tpu.memory_space<hbm>>
    %dma_start3A_351 = tpu.memref_squeeze %dma_start3A_350 : memref<1x16x1024xf32, #tpu.memory_space<hbm>> -> memref<16x1024xf32, #tpu.memory_space<hbm>>
    %dma_start3A_352 = arith.constant 0 : i32
    %dma_start3A_353 = tpu.memref_slice %arg4[%dma_start3A_348, %add3A_347, %dma_start3A_352] : memref<4x2048x1024xf32, #tpu.memory_space<hbm>> -> memref<1x16x1024xf32, #tpu.memory_space<hbm>>
    %dma_start3A_354 = tpu.memref_squeeze %dma_start3A_353 : memref<1x16x1024xf32, #tpu.memory_space<hbm>> -> memref<16x1024xf32, #tpu.memory_space<hbm>>
    tpu.enqueue_dma source(%arg5 : memref<16x1024xf32, #tpu.memory_space<vmem>>) target(%dma_start3A_354 : memref<16x1024xf32, #tpu.memory_space<hbm>>) target_semaphore(%arg15 : memref<!tpu.dma_semaphore, #tpu.memory_space<semaphore_mem>>)
    %dma_wait3A_355 = arith.constant 3 : i32
    %dma_wait3A_356 = arith.constant 0 : i32
    %dma_wait3A_357 = tpu.memref_slice %arg4[%dma_wait3A_355, %add3A_302, %dma_wait3A_356] : memref<4x2048x1024xf32, #tpu.memory_space<hbm>> -> memref<1x16x1024xf32, #tpu.memory_space<hbm>>
    %dma_wait3A_358 = tpu.memref_squeeze %dma_wait3A_357 : memref<1x16x1024xf32, #tpu.memory_space<hbm>> -> memref<16x1024xf32, #tpu.memory_space<hbm>>
    %dma_wait3A_359 = arith.constant 0 : i32
    %dma_wait3A_360 = tpu.memref_slice %arg4[%dma_wait3A_355, %add3A_302, %dma_wait3A_359] : memref<4x2048x1024xf32, #tpu.memory_space<hbm>> -> memref<1x16x1024xf32, #tpu.memory_space<hbm>>
    %dma_wait3A_361 = tpu.memref_squeeze %dma_wait3A_360 : memref<1x16x1024xf32, #tpu.memory_space<hbm>> -> memref<16x1024xf32, #tpu.memory_space<hbm>>
    tpu.wait_dma2 semaphore(%arg18 : memref<!tpu.dma_semaphore, #tpu.memory_space<semaphore_mem>>) src(%arg8 : memref<16x1024xf32, #tpu.memory_space<vmem>>) dst(%dma_wait3A_361 : memref<16x1024xf32, #tpu.memory_space<hbm>>)
    %add3A_362 = arith.constant 32 : i32
    %add3A_363 = arith.addi %mul3A_2, %add3A_362 : i32
    %dma_start3A_364 = arith.constant 3 : i32
    %dma_start3A_365 = arith.constant 0 : i32
    %dma_start3A_366 = tpu.memref_slice %arg2[%dma_start3A_364, %add3A_363, %dma_start3A_365] : memref<4x2048x1024xf32, #tpu.memory_space<hbm>> -> memref<1x16x1024xf32, #tpu.memory_space<hbm>>
    %dma_start3A_367 = tpu.memref_squeeze %dma_start3A_366 : memref<1x16x1024xf32, #tpu.memory_space<hbm>> -> memref<16x1024xf32, #tpu.memory_space<hbm>>
    %dma_start3A_368 = arith.constant 0 : i32
    %dma_start3A_369 = tpu.memref_slice %arg2[%dma_start3A_364, %add3A_363, %dma_start3A_368] : memref<4x2048x1024xf32, #tpu.memory_space<hbm>> -> memref<1x16x1024xf32, #tpu.memory_space<hbm>>
    %dma_start3A_370 = tpu.memref_squeeze %dma_start3A_369 : memref<1x16x1024xf32, #tpu.memory_space<hbm>> -> memref<16x1024xf32, #tpu.memory_space<hbm>>
    tpu.enqueue_dma source(%dma_start3A_370 : memref<16x1024xf32, #tpu.memory_space<hbm>>) target(%arg8 : memref<16x1024xf32, #tpu.memory_space<vmem>>) target_semaphore(%arg14 : memref<!tpu.dma_semaphore, #tpu.memory_space<semaphore_mem>>)
    %dma_wait3A_371 = arith.constant 1 : i32
    %dma_wait3A_372 = arith.constant 0 : i32
    %dma_wait3A_373 = tpu.memref_slice %arg2[%dma_wait3A_371, %add3A_283, %dma_wait3A_372] : memref<4x2048x1024xf32, #tpu.memory_space<hbm>> -> memref<1x16x1024xf32, #tpu.memory_space<hbm>>
    %dma_wait3A_374 = tpu.memref_squeeze %dma_wait3A_373 : memref<1x16x1024xf32, #tpu.memory_space<hbm>> -> memref<16x1024xf32, #tpu.memory_space<hbm>>
    %dma_wait3A_375 = arith.constant 0 : i32
    %dma_wait3A_376 = tpu.memref_slice %arg2[%dma_wait3A_371, %add3A_283, %dma_wait3A_375] : memref<4x2048x1024xf32, #tpu.memory_space<hbm>> -> memref<1x16x1024xf32, #tpu.memory_space<hbm>>
    %dma_wait3A_377 = tpu.memref_squeeze %dma_wait3A_376 : memref<1x16x1024xf32, #tpu.memory_space<hbm>> -> memref<16x1024xf32, #tpu.memory_space<hbm>>
    tpu.wait_dma2 semaphore(%arg12 : memref<!tpu.dma_semaphore, #tpu.memory_space<semaphore_mem>>) src(%dma_wait3A_377 : memref<16x1024xf32, #tpu.memory_space<hbm>>) dst(%arg6 : memref<16x1024xf32, #tpu.memory_space<vmem>>)
    %parallel_loop3A_378 = arith.constant 0 : i32
    %parallel_loop3A_379 = arith.constant 16 : i32
    %parallel_loop3A_380 = arith.constant 1 : i32
    scf.for %parallel_loop3A_586 = %parallel_loop3A_378 to %parallel_loop3A_379 step %parallel_loop3A_380  : i32 {
      %parallel_loop3A_587 = arith.constant 0 : i32
      %parallel_loop3A_588 = arith.constant 1024 : i32
      %parallel_loop3A_589 = arith.constant 16 : i32
      scf.for %parallel_loop3A_590 = %parallel_loop3A_587 to %parallel_loop3A_588 step %parallel_loop3A_589  : i32 {
        %parallel_loop3A_591 = arith.index_cast %parallel_loop3A_586 : i32 to index
        %parallel_loop3A_592 = arith.index_cast %parallel_loop3A_590 : i32 to index
        %parallel_loop3A_593 = tpu.vector_load %arg6[%parallel_loop3A_591, %parallel_loop3A_592] {strides = array<i32>} : memref<16x1024xf32, #tpu.memory_space<vmem>>, vector<1x16xf32>,
        %parallel_loop3A_594 = vector.shape_cast %parallel_loop3A_593 : vector<1x16xf32> to vector<16xf32>
        %parallel_loop3A_595 = arith.index_cast %parallel_loop3A_586 : i32 to index
        %parallel_loop3A_596 = arith.index_cast %parallel_loop3A_590 : i32 to index
        %parallel_loop3A_597 = tpu.vector_load %arg9[%parallel_loop3A_595, %parallel_loop3A_596] {strides = array<i32>} : memref<16x1024xf32, #tpu.memory_space<vmem>>, vector<1x16xf32>,
        %parallel_loop3A_598 = vector.shape_cast %parallel_loop3A_597 : vector<1x16xf32> to vector<16xf32>
        %parallel_loop3A_599 = arith.addf %parallel_loop3A_594, %parallel_loop3A_598 : vector<16xf32>
        %parallel_loop3A_600 = arith.index_cast %parallel_loop3A_586 : i32 to index
        %parallel_loop3A_601 = arith.index_cast %parallel_loop3A_590 : i32 to index
        %parallel_loop3A_602 = tpu.vector_load %arg6[%parallel_loop3A_600, %parallel_loop3A_601] {strides = array<i32>} : memref<16x1024xf32, #tpu.memory_space<vmem>>, vector<1x16xf32>,
        %parallel_loop3A_603 = vector.shape_cast %parallel_loop3A_602 : vector<1x16xf32> to vector<16xf32>
        %parallel_loop3A_604 = vector.shape_cast %parallel_loop3A_599 : vector<16xf32> to vector<1x16xf32>
        tpu.vector_store %arg6[%parallel_loop3A_600, %parallel_loop3A_601], %parallel_loop3A_604 {strides = array<i32>} : memref<16x1024xf32, #tpu.memory_space<vmem>>, vector<1x16xf32>,
      } {sc.loop_unroll_factor = 8 : i64, sc.parallel_access}
    } {sc.loop_unroll_factor = 1 : i64, sc.parallel_access}
    %add3A_381 = arith.constant 32 : i32
    %add3A_382 = arith.addi %mul3A_2, %add3A_381 : i32
    %dma_start3A_383 = arith.constant 1 : i32
    %dma_start3A_384 = arith.constant 0 : i32
    %dma_start3A_385 = tpu.memref_slice %arg4[%dma_start3A_383, %add3A_382, %dma_start3A_384] : memref<4x2048x1024xf32, #tpu.memory_space<hbm>> -> memref<1x16x1024xf32, #tpu.memory_space<hbm>>
    %dma_start3A_386 = tpu.memref_squeeze %dma_start3A_385 : memref<1x16x1024xf32, #tpu.memory_space<hbm>> -> memref<16x1024xf32, #tpu.memory_space<hbm>>
    %dma_start3A_387 = arith.constant 0 : i32
    %dma_start3A_388 = tpu.memref_slice %arg4[%dma_start3A_383, %add3A_382, %dma_start3A_387] : memref<4x2048x1024xf32, #tpu.memory_space<hbm>> -> memref<1x16x1024xf32, #tpu.memory_space<hbm>>
    %dma_start3A_389 = tpu.memref_squeeze %dma_start3A_388 : memref<1x16x1024xf32, #tpu.memory_space<hbm>> -> memref<16x1024xf32, #tpu.memory_space<hbm>>
    tpu.enqueue_dma source(%arg6 : memref<16x1024xf32, #tpu.memory_space<vmem>>) target(%dma_start3A_389 : memref<16x1024xf32, #tpu.memory_space<hbm>>) target_semaphore(%arg16 : memref<!tpu.dma_semaphore, #tpu.memory_space<semaphore_mem>>)
    %dma_wait3A_390 = arith.constant 0 : i32
    %dma_wait3A_391 = arith.constant 0 : i32
    %dma_wait3A_392 = tpu.memref_slice %arg4[%dma_wait3A_390, %add3A_347, %dma_wait3A_391] : memref<4x2048x1024xf32, #tpu.memory_space<hbm>> -> memref<1x16x1024xf32, #tpu.memory_space<hbm>>
    %dma_wait3A_393 = tpu.memref_squeeze %dma_wait3A_392 : memref<1x16x1024xf32, #tpu.memory_space<hbm>> -> memref<16x1024xf32, #tpu.memory_space<hbm>>
    %dma_wait3A_394 = arith.constant 0 : i32
    %dma_wait3A_395 = tpu.memref_slice %arg4[%dma_wait3A_390, %add3A_347, %dma_wait3A_394] : memref<4x2048x1024xf32, #tpu.memory_space<hbm>> -> memref<1x16x1024xf32, #tpu.memory_space<hbm>>
    %dma_wait3A_396 = tpu.memref_squeeze %dma_wait3A_395 : memref<1x16x1024xf32, #tpu.memory_space<hbm>> -> memref<16x1024xf32, #tpu.memory_space<hbm>>
    tpu.wait_dma2 semaphore(%arg15 : memref<!tpu.dma_semaphore, #tpu.memory_space<semaphore_mem>>) src(%arg5 : memref<16x1024xf32, #tpu.memory_space<vmem>>) dst(%dma_wait3A_396 : memref<16x1024xf32, #tpu.memory_space<hbm>>)
    %add3A_397 = arith.constant 48 : i32
    %add3A_398 = arith.addi %mul3A_2, %add3A_397 : i32
    %dma_start3A_399 = arith.constant 0 : i32
    %dma_start3A_400 = arith.constant 0 : i32
    %dma_start3A_401 = tpu.memref_slice %arg2[%dma_start3A_399, %add3A_398, %dma_start3A_400] : memref<4x2048x1024xf32, #tpu.memory_space<hbm>> -> memref<1x16x1024xf32, #tpu.memory_space<hbm>>
    %dma_start3A_402 = tpu.memref_squeeze %dma_start3A_401 : memref<1x16x1024xf32, #tpu.memory_space<hbm>> -> memref<16x1024xf32, #tpu.memory_space<hbm>>
    %dma_start3A_403 = arith.constant 0 : i32
    %dma_start3A_404 = tpu.memref_slice %arg2[%dma_start3A_399, %add3A_398, %dma_start3A_403] : memref<4x2048x1024xf32, #tpu.memory_space<hbm>> -> memref<1x16x1024xf32, #tpu.memory_space<hbm>>
    %dma_start3A_405 = tpu.memref_squeeze %dma_start3A_404 : memref<1x16x1024xf32, #tpu.memory_space<hbm>> -> memref<16x1024xf32, #tpu.memory_space<hbm>>
    tpu.enqueue_dma source(%dma_start3A_405 : memref<16x1024xf32, #tpu.memory_space<hbm>>) target(%arg5 : memref<16x1024xf32, #tpu.memory_space<vmem>>) target_semaphore(%arg11 : memref<!tpu.dma_semaphore, #tpu.memory_space<semaphore_mem>>)
    %dma_wait3A_406 = arith.constant 2 : i32
    %dma_wait3A_407 = arith.constant 0 : i32
    %dma_wait3A_408 = tpu.memref_slice %arg2[%dma_wait3A_406, %add3A_324, %dma_wait3A_407] : memref<4x2048x1024xf32, #tpu.memory_space<hbm>> -> memref<1x16x1024xf32, #tpu.memory_space<hbm>>
    %dma_wait3A_409 = tpu.memref_squeeze %dma_wait3A_408 : memref<1x16x1024xf32, #tpu.memory_space<hbm>> -> memref<16x1024xf32, #tpu.memory_space<hbm>>
    %dma_wait3A_410 = arith.constant 0 : i32
    %dma_wait3A_411 = tpu.memref_slice %arg2[%dma_wait3A_406, %add3A_324, %dma_wait3A_410] : memref<4x2048x1024xf32, #tpu.memory_space<hbm>> -> memref<1x16x1024xf32, #tpu.memory_space<hbm>>
    %dma_wait3A_412 = tpu.memref_squeeze %dma_wait3A_411 : memref<1x16x1024xf32, #tpu.memory_space<hbm>> -> memref<16x1024xf32, #tpu.memory_space<hbm>>
    tpu.wait_dma2 semaphore(%arg13 : memref<!tpu.dma_semaphore, #tpu.memory_space<semaphore_mem>>) src(%dma_wait3A_412 : memref<16x1024xf32, #tpu.memory_space<hbm>>) dst(%arg7 : memref<16x1024xf32, #tpu.memory_space<vmem>>)
    %parallel_loop3A_413 = arith.constant 0 : i32
    %parallel_loop3A_414 = arith.constant 16 : i32
    %parallel_loop3A_415 = arith.constant 1 : i32
    scf.for %parallel_loop3A_586 = %parallel_loop3A_413 to %parallel_loop3A_414 step %parallel_loop3A_415  : i32 {
      %parallel_loop3A_587 = arith.constant 0 : i32
      %parallel_loop3A_588 = arith.constant 1024 : i32
      %parallel_loop3A_589 = arith.constant 16 : i32
      scf.for %parallel_loop3A_590 = %parallel_loop3A_587 to %parallel_loop3A_588 step %parallel_loop3A_589  : i32 {
        %parallel_loop3A_591 = arith.index_cast %parallel_loop3A_586 : i32 to index
        %parallel_loop3A_592 = arith.index_cast %parallel_loop3A_590 : i32 to index
        %parallel_loop3A_593 = tpu.vector_load %arg7[%parallel_loop3A_591, %parallel_loop3A_592] {strides = array<i32>} : memref<16x1024xf32, #tpu.memory_space<vmem>>, vector<1x16xf32>,
        %parallel_loop3A_594 = vector.shape_cast %parallel_loop3A_593 : vector<1x16xf32> to vector<16xf32>
        %parallel_loop3A_595 = arith.index_cast %parallel_loop3A_586 : i32 to index
        %parallel_loop3A_596 = arith.index_cast %parallel_loop3A_590 : i32 to index
        %parallel_loop3A_597 = tpu.vector_load %arg9[%parallel_loop3A_595, %parallel_loop3A_596] {strides = array<i32>} : memref<16x1024xf32, #tpu.memory_space<vmem>>, vector<1x16xf32>,
        %parallel_loop3A_598 = vector.shape_cast %parallel_loop3A_597 : vector<1x16xf32> to vector<16xf32>
        %parallel_loop3A_599 = arith.addf %parallel_loop3A_594, %parallel_loop3A_598 : vector<16xf32>
        %parallel_loop3A_600 = arith.index_cast %parallel_loop3A_586 : i32 to index
        %parallel_loop3A_601 = arith.index_cast %parallel_loop3A_590 : i32 to index
        %parallel_loop3A_602 = tpu.vector_load %arg7[%parallel_loop3A_600, %parallel_loop3A_601] {strides = array<i32>} : memref<16x1024xf32, #tpu.memory_space<vmem>>, vector<1x16xf32>,
        %parallel_loop3A_603 = vector.shape_cast %parallel_loop3A_602 : vector<1x16xf32> to vector<16xf32>
        %parallel_loop3A_604 = vector.shape_cast %parallel_loop3A_599 : vector<16xf32> to vector<1x16xf32>
        tpu.vector_store %arg7[%parallel_loop3A_600, %parallel_loop3A_601], %parallel_loop3A_604 {strides = array<i32>} : memref<16x1024xf32, #tpu.memory_space<vmem>>, vector<1x16xf32>,
      } {sc.loop_unroll_factor = 8 : i64, sc.parallel_access}
    } {sc.loop_unroll_factor = 1 : i64, sc.parallel_access}
    %add3A_416 = arith.constant 32 : i32
    %add3A_417 = arith.addi %mul3A_2, %add3A_416 : i32
    %dma_start3A_418 = arith.constant 2 : i32
    %dma_start3A_419 = arith.constant 0 : i32
    %dma_start3A_420 = tpu.memref_slice %arg4[%dma_start3A_418, %add3A_417, %dma_start3A_419] : memref<4x2048x1024xf32, #tpu.memory_space<hbm>> -> memref<1x16x1024xf32, #tpu.memory_space<hbm>>
    %dma_start3A_421 = tpu.memref_squeeze %dma_start3A_420 : memref<1x16x1024xf32, #tpu.memory_space<hbm>> -> memref<16x1024xf32, #tpu.memory_space<hbm>>
    %dma_start3A_422 = arith.constant 0 : i32
    %dma_start3A_423 = tpu.memref_slice %arg4[%dma_start3A_418, %add3A_417, %dma_start3A_422] : memref<4x2048x1024xf32, #tpu.memory_space<hbm>> -> memref<1x16x1024xf32, #tpu.memory_space<hbm>>
    %dma_start3A_424 = tpu.memref_squeeze %dma_start3A_423 : memref<1x16x1024xf32, #tpu.memory_space<hbm>> -> memref<16x1024xf32, #tpu.memory_space<hbm>>
    tpu.enqueue_dma source(%arg7 : memref<16x1024xf32, #tpu.memory_space<vmem>>) target(%dma_start3A_424 : memref<16x1024xf32, #tpu.memory_space<hbm>>) target_semaphore(%arg17 : memref<!tpu.dma_semaphore, #tpu.memory_space<semaphore_mem>>)
    %dma_wait3A_425 = arith.constant 1 : i32
    %dma_wait3A_426 = arith.constant 0 : i32
    %dma_wait3A_427 = tpu.memref_slice %arg4[%dma_wait3A_425, %add3A_382, %dma_wait3A_426] : memref<4x2048x1024xf32, #tpu.memory_space<hbm>> -> memref<1x16x1024xf32, #tpu.memory_space<hbm>>
    %dma_wait3A_428 = tpu.memref_squeeze %dma_wait3A_427 : memref<1x16x1024xf32, #tpu.memory_space<hbm>> -> memref<16x1024xf32, #tpu.memory_space<hbm>>
    %dma_wait3A_429 = arith.constant 0 : i32
    %dma_wait3A_430 = tpu.memref_slice %arg4[%dma_wait3A_425, %add3A_382, %dma_wait3A_429] : memref<4x2048x1024xf32, #tpu.memory_space<hbm>> -> memref<1x16x1024xf32, #tpu.memory_space<hbm>>
    %dma_wait3A_431 = tpu.memref_squeeze %dma_wait3A_430 : memref<1x16x1024xf32, #tpu.memory_space<hbm>> -> memref<16x1024xf32, #tpu.memory_space<hbm>>
    tpu.wait_dma2 semaphore(%arg16 : memref<!tpu.dma_semaphore, #tpu.memory_space<semaphore_mem>>) src(%arg6 : memref<16x1024xf32, #tpu.memory_space<vmem>>) dst(%dma_wait3A_431 : memref<16x1024xf32, #tpu.memory_space<hbm>>)
    %add3A_432 = arith.constant 48 : i32
    %add3A_433 = arith.addi %mul3A_2, %add3A_432 : i32
    %dma_start3A_434 = arith.constant 1 : i32
    %dma_start3A_435 = arith.constant 0 : i32
    %dma_start3A_436 = tpu.memref_slice %arg2[%dma_start3A_434, %add3A_433, %dma_start3A_435] : memref<4x2048x1024xf32, #tpu.memory_space<hbm>> -> memref<1x16x1024xf32, #tpu.memory_space<hbm>>
    %dma_start3A_437 = tpu.memref_squeeze %dma_start3A_436 : memref<1x16x1024xf32, #tpu.memory_space<hbm>> -> memref<16x1024xf32, #tpu.memory_space<hbm>>
    %dma_start3A_438 = arith.constant 0 : i32
    %dma_start3A_439 = tpu.memref_slice %arg2[%dma_start3A_434, %add3A_433, %dma_start3A_438] : memref<4x2048x1024xf32, #tpu.memory_space<hbm>> -> memref<1x16x1024xf32, #tpu.memory_space<hbm>>
    %dma_start3A_440 = tpu.memref_squeeze %dma_start3A_439 : memref<1x16x1024xf32, #tpu.memory_space<hbm>> -> memref<16x1024xf32, #tpu.memory_space<hbm>>
    tpu.enqueue_dma source(%dma_start3A_440 : memref<16x1024xf32, #tpu.memory_space<hbm>>) target(%arg6 : memref<16x1024xf32, #tpu.memory_space<vmem>>) target_semaphore(%arg12 : memref<!tpu.dma_semaphore, #tpu.memory_space<semaphore_mem>>)
    %dma_wait3A_441 = arith.constant 3 : i32
    %dma_wait3A_442 = arith.constant 0 : i32
    %dma_wait3A_443 = tpu.memref_slice %arg2[%dma_wait3A_441, %add3A_363, %dma_wait3A_442] : memref<4x2048x1024xf32, #tpu.memory_space<hbm>> -> memref<1x16x1024xf32, #tpu.memory_space<hbm>>
    %dma_wait3A_444 = tpu.memref_squeeze %dma_wait3A_443 : memref<1x16x1024xf32, #tpu.memory_space<hbm>> -> memref<16x1024xf32, #tpu.memory_space<hbm>>
    %dma_wait3A_445 = arith.constant 0 : i32
    %dma_wait3A_446 = tpu.memref_slice %arg2[%dma_wait3A_441, %add3A_363, %dma_wait3A_445] : memref<4x2048x1024xf32, #tpu.memory_space<hbm>> -> memref<1x16x1024xf32, #tpu.memory_space<hbm>>
    %dma_wait3A_447 = tpu.memref_squeeze %dma_wait3A_446 : memref<1x16x1024xf32, #tpu.memory_space<hbm>> -> memref<16x1024xf32, #tpu.memory_space<hbm>>
    tpu.wait_dma2 semaphore(%arg14 : memref<!tpu.dma_semaphore, #tpu.memory_space<semaphore_mem>>) src(%dma_wait3A_447 : memref<16x1024xf32, #tpu.memory_space<hbm>>) dst(%arg8 : memref<16x1024xf32, #tpu.memory_space<vmem>>)
    %parallel_loop3A_448 = arith.constant 0 : i32
    %parallel_loop3A_449 = arith.constant 16 : i32
    %parallel_loop3A_450 = arith.constant 1 : i32
    scf.for %parallel_loop3A_586 = %parallel_loop3A_448 to %parallel_loop3A_449 step %parallel_loop3A_450  : i32 {
      %parallel_loop3A_587 = arith.constant 0 : i32
      %parallel_loop3A_588 = arith.constant 1024 : i32
      %parallel_loop3A_589 = arith.constant 16 : i32
      scf.for %parallel_loop3A_590 = %parallel_loop3A_587 to %parallel_loop3A_588 step %parallel_loop3A_589  : i32 {
        %parallel_loop3A_591 = arith.index_cast %parallel_loop3A_586 : i32 to index
        %parallel_loop3A_592 = arith.index_cast %parallel_loop3A_590 : i32 to index
        %parallel_loop3A_593 = tpu.vector_load %arg8[%parallel_loop3A_591, %parallel_loop3A_592] {strides = array<i32>} : memref<16x1024xf32, #tpu.memory_space<vmem>>, vector<1x16xf32>,
        %parallel_loop3A_594 = vector.shape_cast %parallel_loop3A_593 : vector<1x16xf32> to vector<16xf32>
        %parallel_loop3A_595 = arith.index_cast %parallel_loop3A_586 : i32 to index
        %parallel_loop3A_596 = arith.index_cast %parallel_loop3A_590 : i32 to index
        %parallel_loop3A_597 = tpu.vector_load %arg9[%parallel_loop3A_595, %parallel_loop3A_596] {strides = array<i32>} : memref<16x1024xf32, #tpu.memory_space<vmem>>, vector<1x16xf32>,
        %parallel_loop3A_598 = vector.shape_cast %parallel_loop3A_597 : vector<1x16xf32> to vector<16xf32>
        %parallel_loop3A_599 = arith.addf %parallel_loop3A_594, %parallel_loop3A_598 : vector<16xf32>
        %parallel_loop3A_600 = arith.index_cast %parallel_loop3A_586 : i32 to index
        %parallel_loop3A_601 = arith.index_cast %parallel_loop3A_590 : i32 to index
        %parallel_loop3A_602 = tpu.vector_load %arg8[%parallel_loop3A_600, %parallel_loop3A_601] {strides = array<i32>} : memref<16x1024xf32, #tpu.memory_space<vmem>>, vector<1x16xf32>,
        %parallel_loop3A_603 = vector.shape_cast %parallel_loop3A_602 : vector<1x16xf32> to vector<16xf32>
        %parallel_loop3A_604 = vector.shape_cast %parallel_loop3A_599 : vector<16xf32> to vector<1x16xf32>
        tpu.vector_store %arg8[%parallel_loop3A_600, %parallel_loop3A_601], %parallel_loop3A_604 {strides = array<i32>} : memref<16x1024xf32, #tpu.memory_space<vmem>>, vector<1x16xf32>,
      } {sc.loop_unroll_factor = 8 : i64, sc.parallel_access}
    } {sc.loop_unroll_factor = 1 : i64, sc.parallel_access}
    %add3A_451 = arith.constant 32 : i32
    %add3A_452 = arith.addi %mul3A_2, %add3A_451 : i32
    %dma_start3A_453 = arith.constant 3 : i32
    %dma_start3A_454 = arith.constant 0 : i32
    %dma_start3A_455 = tpu.memref_slice %arg4[%dma_start3A_453, %add3A_452, %dma_start3A_454] : memref<4x2048x1024xf32, #tpu.memory_space<hbm>> -> memref<1x16x1024xf32, #tpu.memory_space<hbm>>
    %dma_start3A_456 = tpu.memref_squeeze %dma_start3A_455 : memref<1x16x1024xf32, #tpu.memory_space<hbm>> -> memref<16x1024xf32, #tpu.memory_space<hbm>>
    %dma_start3A_457 = arith.constant 0 : i32
    %dma_start3A_458 = tpu.memref_slice %arg4[%dma_start3A_453, %add3A_452, %dma_start3A_457] : memref<4x2048x1024xf32, #tpu.memory_space<hbm>> -> memref<1x16x1024xf32, #tpu.memory_space<hbm>>
    %dma_start3A_459 = tpu.memref_squeeze %dma_start3A_458 : memref<1x16x1024xf32, #tpu.memory_space<hbm>> -> memref<16x1024xf32, #tpu.memory_space<hbm>>
    tpu.enqueue_dma source(%arg8 : memref<16x1024xf32, #tpu.memory_space<vmem>>) target(%dma_start3A_459 : memref<16x1024xf32, #tpu.memory_space<hbm>>) target_semaphore(%arg18 : memref<!tpu.dma_semaphore, #tpu.memory_space<semaphore_mem>>)
    %dma_wait3A_460 = arith.constant 2 : i32
    %dma_wait3A_461 = arith.constant 0 : i32
    %dma_wait3A_462 = tpu.memref_slice %arg4[%dma_wait3A_460, %add3A_417, %dma_wait3A_461] : memref<4x2048x1024xf32, #tpu.memory_space<hbm>> -> memref<1x16x1024xf32, #tpu.memory_space<hbm>>
    %dma_wait3A_463 = tpu.memref_squeeze %dma_wait3A_462 : memref<1x16x1024xf32, #tpu.memory_space<hbm>> -> memref<16x1024xf32, #tpu.memory_space<hbm>>
    %dma_wait3A_464 = arith.constant 0 : i32
    %dma_wait3A_465 = tpu.memref_slice %arg4[%dma_wait3A_460, %add3A_417, %dma_wait3A_464] : memref<4x2048x1024xf32, #tpu.memory_space<hbm>> -> memref<1x16x1024xf32, #tpu.memory_space<hbm>>
    %dma_wait3A_466 = tpu.memref_squeeze %dma_wait3A_465 : memref<1x16x1024xf32, #tpu.memory_space<hbm>> -> memref<16x1024xf32, #tpu.memory_space<hbm>>
    tpu.wait_dma2 semaphore(%arg17 : memref<!tpu.dma_semaphore, #tpu.memory_space<semaphore_mem>>) src(%arg7 : memref<16x1024xf32, #tpu.memory_space<vmem>>) dst(%dma_wait3A_466 : memref<16x1024xf32, #tpu.memory_space<hbm>>)
    %add3A_467 = arith.constant 48 : i32
    %add3A_468 = arith.addi %mul3A_2, %add3A_467 : i32
    %dma_start3A_469 = arith.constant 2 : i32
    %dma_start3A_470 = arith.constant 0 : i32
    %dma_start3A_471 = tpu.memref_slice %arg2[%dma_start3A_469, %add3A_468, %dma_start3A_470] : memref<4x2048x1024xf32, #tpu.memory_space<hbm>> -> memref<1x16x1024xf32, #tpu.memory_space<hbm>>
    %dma_start3A_472 = tpu.memref_squeeze %dma_start3A_471 : memref<1x16x1024xf32, #tpu.memory_space<hbm>> -> memref<16x1024xf32, #tpu.memory_space<hbm>>
    %dma_start3A_473 = arith.constant 0 : i32
    %dma_start3A_474 = tpu.memref_slice %arg2[%dma_start3A_469, %add3A_468, %dma_start3A_473] : memref<4x2048x1024xf32, #tpu.memory_space<hbm>> -> memref<1x16x1024xf32, #tpu.memory_space<hbm>>
    %dma_start3A_475 = tpu.memref_squeeze %dma_start3A_474 : memref<1x16x1024xf32, #tpu.memory_space<hbm>> -> memref<16x1024xf32, #tpu.memory_space<hbm>>
    tpu.enqueue_dma source(%dma_start3A_475 : memref<16x1024xf32, #tpu.memory_space<hbm>>) target(%arg7 : memref<16x1024xf32, #tpu.memory_space<vmem>>) target_semaphore(%arg13 : memref<!tpu.dma_semaphore, #tpu.memory_space<semaphore_mem>>)
    %dma_wait3A_476 = arith.constant 0 : i32
    %dma_wait3A_477 = tpu.memref_slice %arg3[%add3A_311, %dma_wait3A_476] : memref<2048x1024xf32, #tpu.memory_space<hbm>> -> memref<16x1024xf32, #tpu.memory_space<hbm>>
    %dma_wait3A_478 = arith.constant 0 : i32
    %dma_wait3A_479 = tpu.memref_slice %arg3[%add3A_311, %dma_wait3A_478] : memref<2048x1024xf32, #tpu.memory_space<hbm>> -> memref<16x1024xf32, #tpu.memory_space<hbm>>
    tpu.wait_dma2 semaphore(%arg20 : memref<!tpu.dma_semaphore, #tpu.memory_space<semaphore_mem>>) src(%dma_wait3A_479 : memref<16x1024xf32, #tpu.memory_space<hbm>>) dst(%arg10 : memref<16x1024xf32, #tpu.memory_space<vmem>>)
    %dma_wait3A_480 = arith.constant 0 : i32
    %dma_wait3A_481 = arith.constant 0 : i32
    %dma_wait3A_482 = tpu.memref_slice %arg2[%dma_wait3A_480, %add3A_398, %dma_wait3A_481] : memref<4x2048x1024xf32, #tpu.memory_space<hbm>> -> memref<1x16x1024xf32, #tpu.memory_space<hbm>>
    %dma_wait3A_483 = tpu.memref_squeeze %dma_wait3A_482 : memref<1x16x1024xf32, #tpu.memory_space<hbm>> -> memref<16x1024xf32, #tpu.memory_space<hbm>>
    %dma_wait3A_484 = arith.constant 0 : i32
    %dma_wait3A_485 = tpu.memref_slice %arg2[%dma_wait3A_480, %add3A_398, %dma_wait3A_484] : memref<4x2048x1024xf32, #tpu.memory_space<hbm>> -> memref<1x16x1024xf32, #tpu.memory_space<hbm>>
    %dma_wait3A_486 = tpu.memref_squeeze %dma_wait3A_485 : memref<1x16x1024xf32, #tpu.memory_space<hbm>> -> memref<16x1024xf32, #tpu.memory_space<hbm>>
    tpu.wait_dma2 semaphore(%arg11 : memref<!tpu.dma_semaphore, #tpu.memory_space<semaphore_mem>>) src(%dma_wait3A_486 : memref<16x1024xf32, #tpu.memory_space<hbm>>) dst(%arg5 : memref<16x1024xf32, #tpu.memory_space<vmem>>)
    %parallel_loop3A_487 = arith.constant 0 : i32
    %parallel_loop3A_488 = arith.constant 16 : i32
    %parallel_loop3A_489 = arith.constant 1 : i32
    scf.for %parallel_loop3A_586 = %parallel_loop3A_487 to %parallel_loop3A_488 step %parallel_loop3A_489  : i32 {
      %parallel_loop3A_587 = arith.constant 0 : i32
      %parallel_loop3A_588 = arith.constant 1024 : i32
      %parallel_loop3A_589 = arith.constant 16 : i32
      scf.for %parallel_loop3A_590 = %parallel_loop3A_587 to %parallel_loop3A_588 step %parallel_loop3A_589  : i32 {
        %parallel_loop3A_591 = arith.index_cast %parallel_loop3A_586 : i32 to index
        %parallel_loop3A_592 = arith.index_cast %parallel_loop3A_590 : i32 to index
        %parallel_loop3A_593 = tpu.vector_load %arg5[%parallel_loop3A_591, %parallel_loop3A_592] {strides = array<i32>} : memref<16x1024xf32, #tpu.memory_space<vmem>>, vector<1x16xf32>,
        %parallel_loop3A_594 = vector.shape_cast %parallel_loop3A_593 : vector<1x16xf32> to vector<16xf32>
        %parallel_loop3A_595 = arith.index_cast %parallel_loop3A_586 : i32 to index
        %parallel_loop3A_596 = arith.index_cast %parallel_loop3A_590 : i32 to index
        %parallel_loop3A_597 = tpu.vector_load %arg10[%parallel_loop3A_595, %parallel_loop3A_596] {strides = array<i32>} : memref<16x1024xf32, #tpu.memory_space<vmem>>, vector<1x16xf32>,
        %parallel_loop3A_598 = vector.shape_cast %parallel_loop3A_597 : vector<1x16xf32> to vector<16xf32>
        %parallel_loop3A_599 = arith.addf %parallel_loop3A_594, %parallel_loop3A_598 : vector<16xf32>
        %parallel_loop3A_600 = arith.index_cast %parallel_loop3A_586 : i32 to index
        %parallel_loop3A_601 = arith.index_cast %parallel_loop3A_590 : i32 to index
        %parallel_loop3A_602 = tpu.vector_load %arg5[%parallel_loop3A_600, %parallel_loop3A_601] {strides = array<i32>} : memref<16x1024xf32, #tpu.memory_space<vmem>>, vector<1x16xf32>,
        %parallel_loop3A_603 = vector.shape_cast %parallel_loop3A_602 : vector<1x16xf32> to vector<16xf32>
        %parallel_loop3A_604 = vector.shape_cast %parallel_loop3A_599 : vector<16xf32> to vector<1x16xf32>
        tpu.vector_store %arg5[%parallel_loop3A_600, %parallel_loop3A_601], %parallel_loop3A_604 {strides = array<i32>} : memref<16x1024xf32, #tpu.memory_space<vmem>>, vector<1x16xf32>,
      } {sc.loop_unroll_factor = 8 : i64, sc.parallel_access}
    } {sc.loop_unroll_factor = 1 : i64, sc.parallel_access}
    %add3A_490 = arith.constant 48 : i32
    %add3A_491 = arith.addi %mul3A_2, %add3A_490 : i32
    %dma_start3A_492 = arith.constant 0 : i32
    %dma_start3A_493 = arith.constant 0 : i32
    %dma_start3A_494 = tpu.memref_slice %arg4[%dma_start3A_492, %add3A_491, %dma_start3A_493] : memref<4x2048x1024xf32, #tpu.memory_space<hbm>> -> memref<1x16x1024xf32, #tpu.memory_space<hbm>>
    %dma_start3A_495 = tpu.memref_squeeze %dma_start3A_494 : memref<1x16x1024xf32, #tpu.memory_space<hbm>> -> memref<16x1024xf32, #tpu.memory_space<hbm>>
    %dma_start3A_496 = arith.constant 0 : i32
    %dma_start3A_497 = tpu.memref_slice %arg4[%dma_start3A_492, %add3A_491, %dma_start3A_496] : memref<4x2048x1024xf32, #tpu.memory_space<hbm>> -> memref<1x16x1024xf32, #tpu.memory_space<hbm>>
    %dma_start3A_498 = tpu.memref_squeeze %dma_start3A_497 : memref<1x16x1024xf32, #tpu.memory_space<hbm>> -> memref<16x1024xf32, #tpu.memory_space<hbm>>
    tpu.enqueue_dma source(%arg5 : memref<16x1024xf32, #tpu.memory_space<vmem>>) target(%dma_start3A_498 : memref<16x1024xf32, #tpu.memory_space<hbm>>) target_semaphore(%arg15 : memref<!tpu.dma_semaphore, #tpu.memory_space<semaphore_mem>>)
    %dma_wait3A_499 = arith.constant 3 : i32
    %dma_wait3A_500 = arith.constant 0 : i32
    %dma_wait3A_501 = tpu.memref_slice %arg4[%dma_wait3A_499, %add3A_452, %dma_wait3A_500] : memref<4x2048x1024xf32, #tpu.memory_space<hbm>> -> memref<1x16x1024xf32, #tpu.memory_space<hbm>>
    %dma_wait3A_502 = tpu.memref_squeeze %dma_wait3A_501 : memref<1x16x1024xf32, #tpu.memory_space<hbm>> -> memref<16x1024xf32, #tpu.memory_space<hbm>>
    %dma_wait3A_503 = arith.constant 0 : i32
    %dma_wait3A_504 = tpu.memref_slice %arg4[%dma_wait3A_499, %add3A_452, %dma_wait3A_503] : memref<4x2048x1024xf32, #tpu.memory_space<hbm>> -> memref<1x16x1024xf32, #tpu.memory_space<hbm>>
    %dma_wait3A_505 = tpu.memref_squeeze %dma_wait3A_504 : memref<1x16x1024xf32, #tpu.memory_space<hbm>> -> memref<16x1024xf32, #tpu.memory_space<hbm>>
    tpu.wait_dma2 semaphore(%arg18 : memref<!tpu.dma_semaphore, #tpu.memory_space<semaphore_mem>>) src(%arg8 : memref<16x1024xf32, #tpu.memory_space<vmem>>) dst(%dma_wait3A_505 : memref<16x1024xf32, #tpu.memory_space<hbm>>)
    %add3A_506 = arith.constant 48 : i32
    %add3A_507 = arith.addi %mul3A_2, %add3A_506 : i32
    %dma_start3A_508 = arith.constant 3 : i32
    %dma_start3A_509 = arith.constant 0 : i32
    %dma_start3A_510 = tpu.memref_slice %arg2[%dma_start3A_508, %add3A_507, %dma_start3A_509] : memref<4x2048x1024xf32, #tpu.memory_space<hbm>> -> memref<1x16x1024xf32, #tpu.memory_space<hbm>>
    %dma_start3A_511 = tpu.memref_squeeze %dma_start3A_510 : memref<1x16x1024xf32, #tpu.memory_space<hbm>> -> memref<16x1024xf32, #tpu.memory_space<hbm>>
    %dma_start3A_512 = arith.constant 0 : i32
    %dma_start3A_513 = tpu.memref_slice %arg2[%dma_start3A_508, %add3A_507, %dma_start3A_512] : memref<4x2048x1024xf32, #tpu.memory_space<hbm>> -> memref<1x16x1024xf32, #tpu.memory_space<hbm>>
    %dma_start3A_514 = tpu.memref_squeeze %dma_start3A_513 : memref<1x16x1024xf32, #tpu.memory_space<hbm>> -> memref<16x1024xf32, #tpu.memory_space<hbm>>
    tpu.enqueue_dma source(%dma_start3A_514 : memref<16x1024xf32, #tpu.memory_space<hbm>>) target(%arg8 : memref<16x1024xf32, #tpu.memory_space<vmem>>) target_semaphore(%arg14 : memref<!tpu.dma_semaphore, #tpu.memory_space<semaphore_mem>>)
    %dma_wait3A_515 = arith.constant 1 : i32
    %dma_wait3A_516 = arith.constant 0 : i32
    %dma_wait3A_517 = tpu.memref_slice %arg2[%dma_wait3A_515, %add3A_433, %dma_wait3A_516] : memref<4x2048x1024xf32, #tpu.memory_space<hbm>> -> memref<1x16x1024xf32, #tpu.memory_space<hbm>>
    %dma_wait3A_518 = tpu.memref_squeeze %dma_wait3A_517 : memref<1x16x1024xf32, #tpu.memory_space<hbm>> -> memref<16x1024xf32, #tpu.memory_space<hbm>>
    %dma_wait3A_519 = arith.constant 0 : i32
    %dma_wait3A_520 = tpu.memref_slice %arg2[%dma_wait3A_515, %add3A_433, %dma_wait3A_519] : memref<4x2048x1024xf32, #tpu.memory_space<hbm>> -> memref<1x16x1024xf32, #tpu.memory_space<hbm>>
    %dma_wait3A_521 = tpu.memref_squeeze %dma_wait3A_520 : memref<1x16x1024xf32, #tpu.memory_space<hbm>> -> memref<16x1024xf32, #tpu.memory_space<hbm>>
    tpu.wait_dma2 semaphore(%arg12 : memref<!tpu.dma_semaphore, #tpu.memory_space<semaphore_mem>>) src(%dma_wait3A_521 : memref<16x1024xf32, #tpu.memory_space<hbm>>) dst(%arg6 : memref<16x1024xf32, #tpu.memory_space<vmem>>)
    %parallel_loop3A_522 = arith.constant 0 : i32
    %parallel_loop3A_523 = arith.constant 16 : i32
    %parallel_loop3A_524 = arith.constant 1 : i32
    scf.for %parallel_loop3A_586 = %parallel_loop3A_522 to %parallel_loop3A_523 step %parallel_loop3A_524  : i32 {
      %parallel_loop3A_587 = arith.constant 0 : i32
      %parallel_loop3A_588 = arith.constant 1024 : i32
      %parallel_loop3A_589 = arith.constant 16 : i32
      scf.for %parallel_loop3A_590 = %parallel_loop3A_587 to %parallel_loop3A_588 step %parallel_loop3A_589  : i32 {
        %parallel_loop3A_591 = arith.index_cast %parallel_loop3A_586 : i32 to index
        %parallel_loop3A_592 = arith.index_cast %parallel_loop3A_590 : i32 to index
        %parallel_loop3A_593 = tpu.vector_load %arg6[%parallel_loop3A_591, %parallel_loop3A_592] {strides = array<i32>} : memref<16x1024xf32, #tpu.memory_space<vmem>>, vector<1x16xf32>,
        %parallel_loop3A_594 = vector.shape_cast %parallel_loop3A_593 : vector<1x16xf32> to vector<16xf32>
        %parallel_loop3A_595 = arith.index_cast %parallel_loop3A_586 : i32 to index
        %parallel_loop3A_596 = arith.index_cast %parallel_loop3A_590 : i32 to index
        %parallel_loop3A_597 = tpu.vector_load %arg10[%parallel_loop3A_595, %parallel_loop3A_596] {strides = array<i32>} : memref<16x1024xf32, #tpu.memory_space<vmem>>, vector<1x16xf32>,
        %parallel_loop3A_598 = vector.shape_cast %parallel_loop3A_597 : vector<1x16xf32> to vector<16xf32>
        %parallel_loop3A_599 = arith.addf %parallel_loop3A_594, %parallel_loop3A_598 : vector<16xf32>
        %parallel_loop3A_600 = arith.index_cast %parallel_loop3A_586 : i32 to index
        %parallel_loop3A_601 = arith.index_cast %parallel_loop3A_590 : i32 to index
        %parallel_loop3A_602 = tpu.vector_load %arg6[%parallel_loop3A_600, %parallel_loop3A_601] {strides = array<i32>} : memref<16x1024xf32, #tpu.memory_space<vmem>>, vector<1x16xf32>,
        %parallel_loop3A_603 = vector.shape_cast %parallel_loop3A_602 : vector<1x16xf32> to vector<16xf32>
        %parallel_loop3A_604 = vector.shape_cast %parallel_loop3A_599 : vector<16xf32> to vector<1x16xf32>
        tpu.vector_store %arg6[%parallel_loop3A_600, %parallel_loop3A_601], %parallel_loop3A_604 {strides = array<i32>} : memref<16x1024xf32, #tpu.memory_space<vmem>>, vector<1x16xf32>,
      } {sc.loop_unroll_factor = 8 : i64, sc.parallel_access}
    } {sc.loop_unroll_factor = 1 : i64, sc.parallel_access}
    %add3A_525 = arith.constant 48 : i32
    %add3A_526 = arith.addi %mul3A_2, %add3A_525 : i32
    %dma_start3A_527 = arith.constant 1 : i32
    %dma_start3A_528 = arith.constant 0 : i32
    %dma_start3A_529 = tpu.memref_slice %arg4[%dma_start3A_527, %add3A_526, %dma_start3A_528] : memref<4x2048x1024xf32, #tpu.memory_space<hbm>> -> memref<1x16x1024xf32, #tpu.memory_space<hbm>>
    %dma_start3A_530 = tpu.memref_squeeze %dma_start3A_529 : memref<1x16x1024xf32, #tpu.memory_space<hbm>> -> memref<16x1024xf32, #tpu.memory_space<hbm>>
    %dma_start3A_531 = arith.constant 0 : i32
    %dma_start3A_532 = tpu.memref_slice %arg4[%dma_start3A_527, %add3A_526, %dma_start3A_531] : memref<4x2048x1024xf32, #tpu.memory_space<hbm>> -> memref<1x16x1024xf32, #tpu.memory_space<hbm>>
    %dma_start3A_533 = tpu.memref_squeeze %dma_start3A_532 : memref<1x16x1024xf32, #tpu.memory_space<hbm>> -> memref<16x1024xf32, #tpu.memory_space<hbm>>
    tpu.enqueue_dma source(%arg6 : memref<16x1024xf32, #tpu.memory_space<vmem>>) target(%dma_start3A_533 : memref<16x1024xf32, #tpu.memory_space<hbm>>) target_semaphore(%arg16 : memref<!tpu.dma_semaphore, #tpu.memory_space<semaphore_mem>>)
    %dma_wait3A_534 = arith.constant 2 : i32
    %dma_wait3A_535 = arith.constant 0 : i32
    %dma_wait3A_536 = tpu.memref_slice %arg2[%dma_wait3A_534, %add3A_468, %dma_wait3A_535] : memref<4x2048x1024xf32, #tpu.memory_space<hbm>> -> memref<1x16x1024xf32, #tpu.memory_space<hbm>>
    %dma_wait3A_537 = tpu.memref_squeeze %dma_wait3A_536 : memref<1x16x1024xf32, #tpu.memory_space<hbm>> -> memref<16x1024xf32, #tpu.memory_space<hbm>>
    %dma_wait3A_538 = arith.constant 0 : i32
    %dma_wait3A_539 = tpu.memref_slice %arg2[%dma_wait3A_534, %add3A_468, %dma_wait3A_538] : memref<4x2048x1024xf32, #tpu.memory_space<hbm>> -> memref<1x16x1024xf32, #tpu.memory_space<hbm>>
    %dma_wait3A_540 = tpu.memref_squeeze %dma_wait3A_539 : memref<1x16x1024xf32, #tpu.memory_space<hbm>> -> memref<16x1024xf32, #tpu.memory_space<hbm>>
    tpu.wait_dma2 semaphore(%arg13 : memref<!tpu.dma_semaphore, #tpu.memory_space<semaphore_mem>>) src(%dma_wait3A_540 : memref<16x1024xf32, #tpu.memory_space<hbm>>) dst(%arg7 : memref<16x1024xf32, #tpu.memory_space<vmem>>)
    %parallel_loop3A_541 = arith.constant 0 : i32
    %parallel_loop3A_542 = arith.constant 16 : i32
    %parallel_loop3A_543 = arith.constant 1 : i32
    scf.for %parallel_loop3A_586 = %parallel_loop3A_541 to %parallel_loop3A_542 step %parallel_loop3A_543  : i32 {
      %parallel_loop3A_587 = arith.constant 0 : i32
      %parallel_loop3A_588 = arith.constant 1024 : i32
      %parallel_loop3A_589 = arith.constant 16 : i32
      scf.for %parallel_loop3A_590 = %parallel_loop3A_587 to %parallel_loop3A_588 step %parallel_loop3A_589  : i32 {
        %parallel_loop3A_591 = arith.index_cast %parallel_loop3A_586 : i32 to index
        %parallel_loop3A_592 = arith.index_cast %parallel_loop3A_590 : i32 to index
        %parallel_loop3A_593 = tpu.vector_load %arg7[%parallel_loop3A_591, %parallel_loop3A_592] {strides = array<i32>} : memref<16x1024xf32, #tpu.memory_space<vmem>>, vector<1x16xf32>,
        %parallel_loop3A_594 = vector.shape_cast %parallel_loop3A_593 : vector<1x16xf32> to vector<16xf32>
        %parallel_loop3A_595 = arith.index_cast %parallel_loop3A_586 : i32 to index
        %parallel_loop3A_596 = arith.index_cast %parallel_loop3A_590 : i32 to index
        %parallel_loop3A_597 = tpu.vector_load %arg10[%parallel_loop3A_595, %parallel_loop3A_596] {strides = array<i32>} : memref<16x1024xf32, #tpu.memory_space<vmem>>, vector<1x16xf32>,
        %parallel_loop3A_598 = vector.shape_cast %parallel_loop3A_597 : vector<1x16xf32> to vector<16xf32>
        %parallel_loop3A_599 = arith.addf %parallel_loop3A_594, %parallel_loop3A_598 : vector<16xf32>
        %parallel_loop3A_600 = arith.index_cast %parallel_loop3A_586 : i32 to index
        %parallel_loop3A_601 = arith.index_cast %parallel_loop3A_590 : i32 to index
        %parallel_loop3A_602 = tpu.vector_load %arg7[%parallel_loop3A_600, %parallel_loop3A_601] {strides = array<i32>} : memref<16x1024xf32, #tpu.memory_space<vmem>>, vector<1x16xf32>,
        %parallel_loop3A_603 = vector.shape_cast %parallel_loop3A_602 : vector<1x16xf32> to vector<16xf32>
        %parallel_loop3A_604 = vector.shape_cast %parallel_loop3A_599 : vector<16xf32> to vector<1x16xf32>
        tpu.vector_store %arg7[%parallel_loop3A_600, %parallel_loop3A_601], %parallel_loop3A_604 {strides = array<i32>} : memref<16x1024xf32, #tpu.memory_space<vmem>>, vector<1x16xf32>,
      } {sc.loop_unroll_factor = 8 : i64, sc.parallel_access}
    } {sc.loop_unroll_factor = 1 : i64, sc.parallel_access}
    %add3A_544 = arith.constant 48 : i32
    %add3A_545 = arith.addi %mul3A_2, %add3A_544 : i32
    %dma_start3A_546 = arith.constant 2 : i32
    %dma_start3A_547 = arith.constant 0 : i32
    %dma_start3A_548 = tpu.memref_slice %arg4[%dma_start3A_546, %add3A_545, %dma_start3A_547] : memref<4x2048x1024xf32, #tpu.memory_space<hbm>> -> memref<1x16x1024xf32, #tpu.memory_space<hbm>>
    %dma_start3A_549 = tpu.memref_squeeze %dma_start3A_548 : memref<1x16x1024xf32, #tpu.memory_space<hbm>> -> memref<16x1024xf32, #tpu.memory_space<hbm>>
    %dma_start3A_550 = arith.constant 0 : i32
    %dma_start3A_551 = tpu.memref_slice %arg4[%dma_start3A_546, %add3A_545, %dma_start3A_550] : memref<4x2048x1024xf32, #tpu.memory_space<hbm>> -> memref<1x16x1024xf32, #tpu.memory_space<hbm>>
    %dma_start3A_552 = tpu.memref_squeeze %dma_start3A_551 : memref<1x16x1024xf32, #tpu.memory_space<hbm>> -> memref<16x1024xf32, #tpu.memory_space<hbm>>
    tpu.enqueue_dma source(%arg7 : memref<16x1024xf32, #tpu.memory_space<vmem>>) target(%dma_start3A_552 : memref<16x1024xf32, #tpu.memory_space<hbm>>) target_semaphore(%arg17 : memref<!tpu.dma_semaphore, #tpu.memory_space<semaphore_mem>>)
    %dma_wait3A_553 = arith.constant 3 : i32
    %dma_wait3A_554 = arith.constant 0 : i32
    %dma_wait3A_555 = tpu.memref_slice %arg2[%dma_wait3A_553, %add3A_507, %dma_wait3A_554] : memref<4x2048x1024xf32, #tpu.memory_space<hbm>> -> memref<1x16x1024xf32, #tpu.memory_space<hbm>>
    %dma_wait3A_556 = tpu.memref_squeeze %dma_wait3A_555 : memref<1x16x1024xf32, #tpu.memory_space<hbm>> -> memref<16x1024xf32, #tpu.memory_space<hbm>>
    %dma_wait3A_557 = arith.constant 0 : i32
    %dma_wait3A_558 = tpu.memref_slice %arg2[%dma_wait3A_553, %add3A_507, %dma_wait3A_557] : memref<4x2048x1024xf32, #tpu.memory_space<hbm>> -> memref<1x16x1024xf32, #tpu.memory_space<hbm>>
    %dma_wait3A_559 = tpu.memref_squeeze %dma_wait3A_558 : memref<1x16x1024xf32, #tpu.memory_space<hbm>> -> memref<16x1024xf32, #tpu.memory_space<hbm>>
    tpu.wait_dma2 semaphore(%arg14 : memref<!tpu.dma_semaphore, #tpu.memory_space<semaphore_mem>>) src(%dma_wait3A_559 : memref<16x1024xf32, #tpu.memory_space<hbm>>) dst(%arg8 : memref<16x1024xf32, #tpu.memory_space<vmem>>)
    %parallel_loop3A_560 = arith.constant 0 : i32
    %parallel_loop3A_561 = arith.constant 16 : i32
    %parallel_loop3A_562 = arith.constant 1 : i32
    scf.for %parallel_loop3A_586 = %parallel_loop3A_560 to %parallel_loop3A_561 step %parallel_loop3A_562  : i32 {
      %parallel_loop3A_587 = arith.constant 0 : i32
      %parallel_loop3A_588 = arith.constant 1024 : i32
      %parallel_loop3A_589 = arith.constant 16 : i32
      scf.for %parallel_loop3A_590 = %parallel_loop3A_587 to %parallel_loop3A_588 step %parallel_loop3A_589  : i32 {
        %parallel_loop3A_591 = arith.index_cast %parallel_loop3A_586 : i32 to index
        %parallel_loop3A_592 = arith.index_cast %parallel_loop3A_590 : i32 to index
        %parallel_loop3A_593 = tpu.vector_load %arg8[%parallel_loop3A_591, %parallel_loop3A_592] {strides = array<i32>} : memref<16x1024xf32, #tpu.memory_space<vmem>>, vector<1x16xf32>,
        %parallel_loop3A_594 = vector.shape_cast %parallel_loop3A_593 : vector<1x16xf32> to vector<16xf32>
        %parallel_loop3A_595 = arith.index_cast %parallel_loop3A_586 : i32 to index
        %parallel_loop3A_596 = arith.index_cast %parallel_loop3A_590 : i32 to index
        %parallel_loop3A_597 = tpu.vector_load %arg10[%parallel_loop3A_595, %parallel_loop3A_596] {strides = array<i32>} : memref<16x1024xf32, #tpu.memory_space<vmem>>, vector<1x16xf32>,
        %parallel_loop3A_598 = vector.shape_cast %parallel_loop3A_597 : vector<1x16xf32> to vector<16xf32>
        %parallel_loop3A_599 = arith.addf %parallel_loop3A_594, %parallel_loop3A_598 : vector<16xf32>
        %parallel_loop3A_600 = arith.index_cast %parallel_loop3A_586 : i32 to index
        %parallel_loop3A_601 = arith.index_cast %parallel_loop3A_590 : i32 to index
        %parallel_loop3A_602 = tpu.vector_load %arg8[%parallel_loop3A_600, %parallel_loop3A_601] {strides = array<i32>} : memref<16x1024xf32, #tpu.memory_space<vmem>>, vector<1x16xf32>,
        %parallel_loop3A_603 = vector.shape_cast %parallel_loop3A_602 : vector<1x16xf32> to vector<16xf32>
        %parallel_loop3A_604 = vector.shape_cast %parallel_loop3A_599 : vector<16xf32> to vector<1x16xf32>
        tpu.vector_store %arg8[%parallel_loop3A_600, %parallel_loop3A_601], %parallel_loop3A_604 {strides = array<i32>} : memref<16x1024xf32, #tpu.memory_space<vmem>>, vector<1x16xf32>,
      } {sc.loop_unroll_factor = 8 : i64, sc.parallel_access}
    } {sc.loop_unroll_factor = 1 : i64, sc.parallel_access}
    %add3A_563 = arith.constant 48 : i32
    %add3A_564 = arith.addi %mul3A_2, %add3A_563 : i32
    %dma_start3A_565 = arith.constant 3 : i32
    %dma_start3A_566 = arith.constant 0 : i32
    %dma_start3A_567 = tpu.memref_slice %arg4[%dma_start3A_565, %add3A_564, %dma_start3A_566] : memref<4x2048x1024xf32, #tpu.memory_space<hbm>> -> memref<1x16x1024xf32, #tpu.memory_space<hbm>>
    %dma_start3A_568 = tpu.memref_squeeze %dma_start3A_567 : memref<1x16x1024xf32, #tpu.memory_space<hbm>> -> memref<16x1024xf32, #tpu.memory_space<hbm>>
    %dma_start3A_569 = arith.constant 0 : i32
    %dma_start3A_570 = tpu.memref_slice %arg4[%dma_start3A_565, %add3A_564, %dma_start3A_569] : memref<4x2048x1024xf32, #tpu.memory_space<hbm>> -> memref<1x16x1024xf32, #tpu.memory_space<hbm>>
    %dma_start3A_571 = tpu.memref_squeeze %dma_start3A_570 : memref<1x16x1024xf32, #tpu.memory_space<hbm>> -> memref<16x1024xf32, #tpu.memory_space<hbm>>
    tpu.enqueue_dma source(%arg8 : memref<16x1024xf32, #tpu.memory_space<vmem>>) target(%dma_start3A_571 : memref<16x1024xf32, #tpu.memory_space<hbm>>) target_semaphore(%arg18 : memref<!tpu.dma_semaphore, #tpu.memory_space<semaphore_mem>>)
    %dma_wait3A_572 = arith.constant 2 : i32
    %dma_wait3A_573 = arith.constant 0 : i32
    %dma_wait3A_574 = tpu.memref_slice %arg4[%dma_wait3A_572, %add3A_545, %dma_wait3A_573] : memref<4x2048x1024xf32, #tpu.memory_space<hbm>> -> memref<1x16x1024xf32, #tpu.memory_space<hbm>>
    %dma_wait3A_575 = tpu.memref_squeeze %dma_wait3A_574 : memref<1x16x1024xf32, #tpu.memory_space<hbm>> -> memref<16x1024xf32, #tpu.memory_space<hbm>>
    %dma_wait3A_576 = arith.constant 0 : i32
    %dma_wait3A_577 = tpu.memref_slice %arg4[%dma_wait3A_572, %add3A_545, %dma_wait3A_576] : memref<4x2048x1024xf32, #tpu.memory_space<hbm>> -> memref<1x16x1024xf32, #tpu.memory_space<hbm>>
    %dma_wait3A_578 = tpu.memref_squeeze %dma_wait3A_577 : memref<1x16x1024xf32, #tpu.memory_space<hbm>> -> memref<16x1024xf32, #tpu.memory_space<hbm>>
    tpu.wait_dma2 semaphore(%arg17 : memref<!tpu.dma_semaphore, #tpu.memory_space<semaphore_mem>>) src(%arg7 : memref<16x1024xf32, #tpu.memory_space<vmem>>) dst(%dma_wait3A_578 : memref<16x1024xf32, #tpu.memory_space<hbm>>)
    %dma_wait3A_579 = arith.constant 3 : i32
    %dma_wait3A_580 = arith.constant 0 : i32
    %dma_wait3A_581 = tpu.memref_slice %arg4[%dma_wait3A_579, %add3A_564, %dma_wait3A_580] : memref<4x2048x1024xf32, #tpu.memory_space<hbm>> -> memref<1x16x1024xf32, #tpu.memory_space<hbm>>
    %dma_wait3A_582 = tpu.memref_squeeze %dma_wait3A_581 : memref<1x16x1024xf32, #tpu.memory_space<hbm>> -> memref<16x1024xf32, #tpu.memory_space<hbm>>
    %dma_wait3A_583 = arith.constant 0 : i32
    %dma_wait3A_584 = tpu.memref_slice %arg4[%dma_wait3A_579, %add3A_564, %dma_wait3A_583] : memref<4x2048x1024xf32, #tpu.memory_space<hbm>> -> memref<1x16x1024xf32, #tpu.memory_space<hbm>>
    %dma_wait3A_585 = tpu.memref_squeeze %dma_wait3A_584 : memref<1x16x1024xf32, #tpu.memory_space<hbm>> -> memref<16x1024xf32, #tpu.memory_space<hbm>>
    tpu.wait_dma2 semaphore(%arg18 : memref<!tpu.dma_semaphore, #tpu.memory_space<semaphore_mem>>) src(%arg8 : memref<16x1024xf32, #tpu.memory_space<vmem>>) dst(%dma_wait3A_585 : memref<16x1024xf32, #tpu.memory_space<hbm>>)
    return
  }
}

</mosaic_0001>

<sc_bundles>
// kernel: kernel.3.cloned.1.call-start
scs
__scs_entry_jumppad:
0x0: {  	(pc) =	sbr.rel $0x88, $3  }
0x1: {  	(tag) =	ssettag $0x0;
	lr =	simm.s32 $0x1  }
0x2: {  	[smem:$0x3F9F] =	sst lr;
	_ =	strace $0xD0000000  }
0x3: {  	_ = 	snop  }
0x4: {  	_ = 	snop  }
0x5: {  	_ = 	snop  }
0x6: {  	_ = 	snop  }
0x7: {  	_ = 	snop  }
__scs_overlays_trampoline_lowered:
0x8: {  	[smem:$0x3FAE] =	sst s0  }
0x9: {  	[smem:$0x3FAF] =	sst s1  }
0xa: {  	[smem:$0x3FB0] =	sst s2  }
0xb: {  	[smem:$0x3FB1] =	sst s3  }
0xc: {  	[smem:$0x3FB2] =	sst s4  }
0xd: {  	[smem:$0x3FB3] =	sst s5  }
0xe: {  	[smem:$0x3FB4] =	sst s6  }
0xf: {  	[smem:$0x3FB5] =	sst s7  }
0x10: {  	[smem:$0x3FB6] =	sst s8  }
0x11: {  	[smem:$0x3FB7] =	sst s9;
	s0 =	simm.s32 @!p0 $0x0  }
0x12: {  	s1 =	sld [smem:$0x3F9D];
	s0 =	simm.s32 @p0 $0x1  }
0x13: {  	[smem:$0x3FB8] =	sst s0;
	s0 =	simm.s32 @!p1 $0x0  }
0x14: {  	s2 =	sld [smem:$0x3F9C];
	s0 =	simm.s32 @p1 $0x1  }
0x15: {  	[smem:$0x3FB9] =	sst s0;
	s0 =	simm.s32 @!p2 $0x0  }
0x16: {  	s3 =	sld [smem:$0x3FDB];
	s0 =	simm.s32 @p2 $0x1  }
0x17: {  	s4 =	simm.s32 $0x1BF5;
	[smem:$0x3FBB] =	sst s0  }
0x18: {  	s0 =	sld [smem:$0x3F9E];
	_ =	swait.ge [sflag:s4], $0x0  }
0x19: {  	s7 =	sld [smem:$0x3F9F]  }
0x1a: {  	s8 =	sadd.s32 $0xFFFFE003, lr  }
0x1b: {  	s9 =	sadd.s32 $0xFFFFFEF7, lr;
	s5 =	simm.s32 $0xFFFFFFFF;
	p2 =	slt.u32 s8, $0xFFFFF086  }
0x1c: {  	p1 =	slt.u32 s9, $0xF7A;
	s5 =	simm.s32 @!p2 $0x0  }
0x1d: {  	s5 =	simm.s32 @p1 $0x1;
	p0 =	seq.s32 s7, s2  }
0x1e: {  	s7 =	smul.u32 @!p0 $0xF7A, s2;
	p2 =	seq.s32 @!p0 s5, $0x0  }
0x1f: {  	s9 =	smul.u32 $0xF7A, s1;
	s8 =	simm.s32 @!p0 $0x1BF5;
	p2 =	por !p2, p0  }
0x20: {  	[sflag:s8] =	ssyncset.s32 @!p0 $0xFFFFF086;
	s6 =	sadd.s32 @!p0 s3, s7;
	s7 =	simm.s32 @!p0 $0x108  }
0x21: {  	s3 =	sadd.s32 s3, s9;
	s6 =	sadd.s32 @!p0 $0x88, s6;
	s7 =	simm.s32 @p2 $0x1082  }
0x22: {  	[simem:s7], [sflag:s8] =	dma.local @!p0 [hbm:s6], $0xF7A  }
0x23: {  	s9 =	sor.u32 $0xD0000000, s2;
	s6 =	simm.s32 $0x108;
	_ =	swait.ge @!p0 [sflag:s8], $0x0  }
0x24: {  	s3 =	sadd.s32 $0x88, s3;
	s6 =	simm.s32 @!p1 $0x1082;
	[sflag:s4] =	ssyncset.s32 $0xFFFFF086  }
0x25: {  	[simem:s6], [sflag:s4] =	dma.local [hbm:s3], $0xF7A  }
0x26: {  	[smem:$0x3F9F] =	sst s1;
	(tag) =	ssettag s2;
	_ =	strace s9  }
0x27: {  	s1 =	sld [smem:$0x3FAF]  }
0x28: {  	s2 =	sld [smem:$0x3FB0]  }
0x29: {  	s4 =	sld [smem:$0x3FB2]  }
0x2a: {  	p0 =	seq.s32 s5, $0x0;
	s5 =	sld [smem:$0x3FB3]  }
0x2b: {  	s6 =	sld [smem:$0x3FB4]  }
0x2c: {  	s7 =	sld [smem:$0x3FB5]  }
0x2d: {  	s3 =	simm.s32 $0x108;
	s8 =	sld [smem:$0x3FB6]  }
0x2e: {  	s3 =	simm.s32 @!p0 $0x1082;
	s9 =	sld [smem:$0x3FB7]  }
0x2f: {  	lr =	sadd.s32 s0, s3;
	s0 =	sld [smem:$0x3FAE]  }
0x30: {  	s3 =	sld [smem:$0x3FB1]  }
0x31: {  	[smem:$0x3FBA] =	sst s10  }
0x32: {  	s10 =	sld [smem:$0x3FB8];
	_ =	sdelay $0x3  }
0x33: {  	p0 =	seq.s32 s10, $0x1;
	s10 =	sld [smem:$0x3FBA];
	_ =	sdelay $0x3  }
0x34: {  	[smem:$0x3FBA] =	sst s10  }
0x35: {  	s10 =	sld [smem:$0x3FB9];
	_ =	sdelay $0x3  }
0x36: {  	p1 =	seq.s32 s10, $0x1;
	s10 =	sld [smem:$0x3FBA];
	_ =	sdelay $0x3  }
0x37: {  	[smem:$0x3FBA] =	sst s10  }
0x38: {  	s10 =	sld [smem:$0x3FBB]  }
0x39: {  	_ = 	snop;
	(pc) =	sbr.ind lr, $3  }
0x3a: {  	_ = 	snop  }
0x3b: {  	_ = 	snop  }
0x3c: {  	p2 =	seq.s32 s10, $0x1;
	s10 =	sld [smem:$0x3FBA]  }
0x3d: {  	_ =	shalt  }
0x3e: {  	_ =	shalt  }
0x3f: {  	_ =	shalt  }
0x40: {  	_ =	shalt  }
0x41: {  	_ =	shalt  }
0x42: {  	_ =	shalt  }
0x43: {  	_ =	shalt  }
0x44: {  	_ =	shalt  }
0x45: {  	_ =	shalt  }
0x46: {  	_ =	shalt  }
0x47: {  	_ =	shalt  }
0x48: {  	_ =	shalt  }
0x49: {  	_ =	shalt  }
0x4a: {  	_ =	shalt  }
0x4b: {  	_ =	shalt  }
0x4c: {  	_ =	shalt  }
0x4d: {  	_ =	shalt  }
0x4e: {  	_ =	shalt  }
0x4f: {  	_ =	shalt  }
0x50: {  	_ =	shalt  }
0x51: {  	_ =	shalt  }
0x52: {  	_ =	shalt  }
0x53: {  	_ =	shalt  }
0x54: {  	_ =	shalt  }
0x55: {  	_ =	shalt  }
0x56: {  	_ =	shalt  }
0x57: {  	_ =	shalt  }
0x58: {  	_ =	shalt  }
0x59: {  	_ =	shalt  }
0x5a: {  	_ =	shalt  }
0x5b: {  	_ =	shalt  }
0x5c: {  	_ =	shalt  }
0x5d: {  	_ =	shalt  }
0x5e: {  	_ =	shalt  }
0x5f: {  	_ =	shalt  }
0x60: {  	_ =	shalt  }
0x61: {  	_ =	shalt  }
0x62: {  	_ =	shalt  }
0x63: {  	_ =	shalt  }
0x64: {  	_ =	shalt  }
0x65: {  	_ =	shalt  }
0x66: {  	_ =	shalt  }
0x67: {  	_ =	shalt  }
0x68: {  	_ =	shalt  }
0x69: {  	_ =	shalt  }
0x6a: {  	_ =	shalt  }
0x6b: {  	_ =	shalt  }
0x6c: {  	_ =	shalt  }
0x6d: {  	_ =	shalt  }
0x6e: {  	_ =	shalt  }
0x6f: {  	_ =	shalt  }
0x70: {  	_ =	shalt  }
0x71: {  	_ =	shalt  }
0x72: {  	_ =	shalt  }
0x73: {  	_ =	shalt  }
0x74: {  	_ =	shalt  }
0x75: {  	_ =	shalt  }
0x76: {  	_ =	shalt  }
0x77: {  	_ =	shalt  }
0x78: {  	_ =	shalt  }
0x79: {  	_ =	shalt  }
0x7a: {  	_ =	shalt  }
0x7b: {  	_ =	shalt  }
0x7c: {  	_ =	shalt  }
0x7d: {  	_ =	shalt  }
0x7e: {  	_ =	shalt  }
0x7f: {  	_ =	shalt  }
0x80: {  	_ =	shalt  }
0x81: {  	_ =	shalt  }
0x82: {  	_ =	shalt  }
0x83: {  	_ =	shalt  }
0x84: {  	_ =	shalt  }
0x85: {  	_ =	shalt  }
0x86: {  	_ =	shalt  }
0x87: {  	_ =	shalt  }
.Lfunc_end0:
.L_simem_size_0:
called_computation_lowered:
.L_overlay_start_0:
0x88: {  	s2 =	sld [smem:$0x3FD9]  }
0x89: {  	s3 =	sld [smem:$0x3FFE];
	_ =	sdelay $0x1  }
0x8a: {  	s1 =	srdreg.scid  }
0x8b: {  	s0 =	sand.u32 $0x1, s1  }
0x8c: {  	s18 =	sshll.u32 s0, $0xA;
	s2 =	sadd.s32 s3, s2  }
0x8d: {  	s2 =	sadd.s32 s2, s18  }
0x8e: {  	[smem:$0x3FC6] =	sst s2  }
0x8f: {  	_ = 	snop  }
0x90: {  	s2 =	sld [smem:$0x3FC9]  }
0x91: {  	s19 =	sld [smem:$0x3FC8]  }
0x92: {  	s4 =	sld [smem:$0x3FD0];
	(tm) =	ssettm $0x1  }
0x93: {  	s5 =	sld [smem:$0x3FFB];
	_ =	sdelay $0x3  }
0x94: {  	_ =	strace s5  }
0x95: {  	s5 =	sld [smem:$0x3FFC];
	_ =	sdelay $0x3  }
0x96: {  	_ =	strace s5  }
0x97: {  	s5 =	sld [smem:$0x3FFD];
	_ =	sdelay $0x3  }
0x98: {  	_ =	strace s5  }
0x99: {  	_ =	strace $0x8FFFFFFF  }
0x9a: {  	s20 =	sld [smem:$0x3FDB];
	_ =	sdelay $0x1  }
0x9b: {  	s6 =	simm.s32 $_scs_section_size  }
0x9c: {  	s7 =	simm.s32 $_size__tile_overlayer_lowered;
	s8 =	simm.s32 $_tile_overlayer_lowered  }
0x9d: {  	s23 =	simm.s32 $0x1BFF;
	s22 =	sshll.u32 s8, $0x1;
	s5 =	sadd.s32 s6, s20  }
0x9e: {  	s9 =	simm.s32 $0x0;
	s21 =	sshll.u32 s7, $0x1;
	s7 =	sadd.s32 s22, s5  }
0x9f: {  	[timem:s9], [sflag:s23] =	dma.local [hbm:s7], s21  }
0xa0: {  	_ =	swait.ge [sflag:s23], s21  }
0xa1: {  	s6 =	ssub.s32 $0x0, s21;
	[sflag:s23] =	ssyncset.done $0x0  }
0xa2: {  	[sflag:s23] =	ssyncadd.s32 s6;
	_ =	sdelay $0x1  }
0xa3: {  	s24 =	simm.s32 $0x1B8B  }
0xa4: {  	_ =	swait.ge [sflag:s24], $0x1  }
0xa5: {  	[sflag:s24] =	ssyncset.done $0x0  }
0xa6: {  	s25 =	simm.s32 $0x1B8E;
	[sflag:s24] =	ssyncadd.s32 $0xFFFFFFFF  }
0xa7: {  	s26 =	simm.s32 $execute0_lowered;
	[smem:$0x3FD2] =	sst s25  }
0xa8: {  	s6 =	sshll.u32 s26, $0x1;
	_ =	strace $0x80000046;
	[dreg:$0x1] =	wrdreg $0xFFFFFFFF  }
0xa9: {  	s28 =	simm.s32 $_size_execute0_lowered;
	s5 =	sadd.s32 s5, s6;
	[dreg:$0x0] =	wrdreg $0x0  }
0xaa: {  	s6 =	sshll.u32 s28, $0x1;
	[dreg:$0x2] =	wrdreg s5  }
0xab: {  	[dreg:$0x3] =	wrdreg s6  }
0xac: {  	[dreg:$0x4] =	wrdreg $0xC0  }
0xad: {  	_ =	task [dreg:s9], $0x5FFFF  }
0xae: {  	[dreg:$0x1] =	wrdreg $0xFFFFFFFF  }
0xaf: {  	[dreg:$0x0] =	wrdreg $0x60  }
0xb0: {  	[dreg:$0x2] =	wrdreg s2  }
0xb1: {  	[dreg:$0x3] =	wrdreg s19  }
0xb2: {  	[dreg:$0x4] =	wrdreg s4  }
0xb3: {  	[dreg:$0x5] =	wrdreg $0x9  }
0xb4: {  	_ =	task.clear_ibuf [dreg:s9], $0x6FFFF;
	_ =	strace $0x90000046  }
0xb5: {  	s29 =	simm.s32 $0x9;
	_ =	strace $0x80000048  }
0xb6: {  	_ =	swait.ge [sflag:s29], $0x1  }
0xb7: {  	[sflag:s29] =	ssyncadd.s32 $0xFFFFFFFF  }
0xb8: {  	_ =	strace $0x90000048  }
0xb9: {  	_ =	sfence  }
0xba: {  	s30 =	sld [smem:$0x0];
	_ =	sdelay $0x2  }
0xbb: {  	s31 =	sshll.u32 s1, $0xD;
	s1 =	sshrl.u32 s1, $0x2  }
0xbc: {  	s3 =	sand.u32 $0x4000, s31;
	s1 =	sadd.s32 s1, s30  }
0xbd: {  	s0 =	sor.u32 s3, s0;
	s1 =	sshll.u32 s1, $0x11  }
0xbe: {  	s0 =	sor.u32 s1, s0  }
0xbf: {  	s0 =	sadd.s32 $0x8F2B, s0  }
0xc0: {  	[sflag:s0] =	ssyncadd.remote.s32 $0x1  }
0xc1: {  	_ =	sfence.sel $0xFFFF  }
0xc2: {  	[dreg:$0x0] =	wrdreg $0xFFFFFFFF;
	(pc) =	sbr.abs _section_cstart, $3  }
0xc3: {  	[dreg:$0x1] =	wrdreg $0xFFFFFFFF  }
0xc4: {  	_ =	task.clear_ibuf [dreg:s9], $0x2FFFF;
	_ =	strace $0x9FFFFFFF  }
0xc5: {  	(tm) =	ssettm $0x7FFFFFFF  }
tec
execute0_lowered:
.L_overlay_start_1:
0x0: {  	(tag) =	ssettag $0x1  }
0x1: {  	s4 =	rddreg [dreg:$0x0];
	s1 =	srdreg.scid  }
0x2: {  	s0 =	rddreg [dreg:$0x1];
	s3 =	stileid.u32;
	s1 =	sand.u32 $0x1, s1  }
0x3: {  	s7 =	rddreg [dreg:$0x2];
	s3 =	sshll.u32 s3, $0xE;
	s5 =	sshll.u32 s1, $0xD  }
0x4: {  	s2 =	ssub.s32 $0x2, s1;
	s1 =	simm.s32 $0x0;
	s3 =	sor.u32 s5, s3  }
0x5: {  	[smem:$0x7FF] =	sst s1;
	s15 =	sor.u32 $0x40000, s3;
	s5 =	sadd.s32 s0, s3  }
0x6: {  	s17 =	sor.u32 $0x800, s3;
	[dreg:$0x4] =	wrdreg s5;
	s16 =	sadd.s32 s4, s15  }
0x7: {  	s19 =	sor.u32 $0x80000, s3;
	s18 =	sadd.s32 s0, s17;
	[dreg:$0x5] =	wrdreg s16  }
0x8: {  	s9 =	sor.u32 $0xC0000, s3;
	s10 =	sadd.s32 s4, s19;
	[dreg:$0x6] =	wrdreg s18  }
0x9: {  	s6 =	sshrl.u32 s2, $0x1;
	s20 =	sadd.s32 s4, s9;
	[dreg:$0x7] =	wrdreg s10  }
0xa: {  	s8 =	ssub.s32 s2, s6;
	s2 =	sadd.s32 s7, s15;
	[dreg:$0x8] =	wrdreg s20  }
0xb: {  	s21 =	sadd.s32 s4, s17;
	[dreg:$0x9] =	wrdreg s2  }
0xc: {  	s23 =	sor.u32 $0x40800, s3;
	s22 =	sadd.s32 s7, s19;
	[dreg:$0xa] =	wrdreg s21  }
0xd: {  	s26 =	sor.u32 $0x1000, s3;
	s24 =	sadd.s32 s4, s23;
	[dreg:$0xb] =	wrdreg s22  }
0xe: {  	s29 =	sor.u32 $0x80800, s3;
	s25 =	sadd.s32 s7, s9;
	[dreg:$0xc] =	wrdreg s24  }
0xf: {  	s30 =	sor.u32 $0xC0800, s3;
	s28 =	sadd.s32 s0, s26;
	[dreg:$0xd] =	wrdreg s25  }
0x10: {  	s14 =	sor.u32 $0x1800, s3;
	s11 =	sadd.s32 s4, s29;
	[dreg:$0xe] =	wrdreg s28  }
0x11: {  	s31 =	sadd.s32 s4, s3;
	s5 =	sadd.s32 s7, s17;
	[dreg:$0xf] =	wrdreg s11  }
0x12: {  	s12 =	sadd.s32 s4, s30;
	s13 =	sadd.s32 s7, s29;
	[dreg:$0x10] =	wrdreg s5  }
0x13: {  	s15 =	sadd.s32 s7, s30;
	s0 =	sadd.s32 s0, s14;
	[dreg:$0x11] =	wrdreg s12  }
0x14: {  	s17 =	sadd.s32 s4, s26;
	s29 =	sor.u32 $0x81800, s3;
	[dreg:$0x13] =	wrdreg s13  }
0x15: {  	s30 =	sor.u32 $0xC1800, s3;
	s8 =	smax.u32 s8, $0x1;
	[dreg:$0x14] =	wrdreg s15  }
0x16: {  	s9 =	simm.s32 $0x3;
	s2 =	sadd.s32 s7, s23;
	[dreg:$0x15] =	wrdreg s0  }
0x17: {  	s16 =	sor.u32 $0x41000, s3;
	[dreg:$0x16] =	wrdreg s17;
	s18 =	sadd.s32 s7, s26  }
0x18: {  	s20 =	sor.u32 $0x81000, s3;
	s21 =	sor.u32 $0xC1000, s3;
	s25 =	sadd.s32 s4, s14  }
0x19: {  	s26 =	sadd.s32 s7, s14;
	s28 =	sor.u32 $0x41800, s3;
	s6 =	sadd.s32 s7, s29  }
0x1a: {  	s10 =	simm.s32 $0x4000;
	s12 =	simm.s32 $0x8000;
	[dreg:$0x12] =	wrdreg s2  }
0x1b: {  	s13 =	simm.s32 $0x9;
	s14 =	simm.s32 $0x1;
	[dreg:$0x17] =	wrdreg s18  }
0x1c: {  	s15 =	simm.s32 $0xC000;
	s17 =	simm.s32 $0x5;
	[dreg:$0x1e] =	wrdreg s25  }
0x1d: {  	s11 =	simm.s32 $0x4;
	s19 =	sadd.s32 s4, s16;
	[dreg:$0x1f] =	wrdreg s26  }
0x1e: {  	s0 =	sadd.s32 s7, s16;
	s22 =	sadd.s32 s4, s20;
	[dreg:$0x18] =	wrdreg s19  }
0x1f: {  	s23 =	sadd.s32 s4, s21;
	s24 =	sadd.s32 s7, s21;
	[dreg:$0x19] =	wrdreg s0  }
0x20: {  	s2 =	sadd.s32 s4, s28;
	s5 =	sadd.s32 s7, s28;
	[dreg:$0x1a] =	wrdreg s22  }
0x21: {  	s16 =	simm.s32 $0x2;
	s18 =	simm.s32 $0x6;
	[dreg:$0x1c] =	wrdreg s23  }
0x22: {  	s21 =	simm.s32 $0x8;
	s0 =	sadd.s32 s7, s20;
	[dreg:$0x1d] =	wrdreg s24  }
0x23: {  	s19 =	simm.s32 $0x7;
	s20 =	simm.s32 $0xA;
	s22 =	simm.s32 $0x0  }
0x24: {  	[dreg:$0x1b] =	wrdreg s0;
	s0 =	sadd.s32 s7, s3;
	s3 =	sadd.s32 s4, s29  }
0x25: {  	s4 =	sadd.s32 s4, s30;
	s7 =	sadd.s32 s7, s30;
	_ =	strace $0x80000047  }
.LBB2_1:
0x26: {  	s23 =	rddreg [dreg:$0x4];
	s24 =	simm.s32 $0x10000  }
0x27: {  	[tilespmem:s24], [sflag:$0x9] =	stream.linear.gather [hbm4b:s23+s1], $0x4000, $0x38;
	[tilespmem:$0x18000] =	vst v63  }
0x28: {  	_ = 	snop  }
0x29: {  	[tilespmem:s1], [sflag:$0x1] =	stream.linear.gather [hbm4b:s31+s1], $0x4000, $0x38;
	[tilespmem:$0x18000] =	vst v63  }
0x2a: {  	s26 =	rddreg [dreg:$0x5]  }
0x2b: {  	[tilespmem:s10], [sflag:$0x2] =	stream.linear.gather [hbm4b:s26+s1], $0x4000, $0x38;
	[tilespmem:$0x18000] =	vst v63  }
0x2c: {  	s28 =	rddreg [dreg:$0x6];
	s29 =	simm.s32 $0x14000  }
0x2d: {  	[tilespmem:s29], [sflag:$0xA] =	stream.linear.gather [hbm4b:s28+s1], $0x4000, $0x38;
	[tilespmem:$0x18000] =	vst v63  }
0x2e: {  	s30 =	rddreg [dreg:$0x7]  }
0x2f: {  	[tilespmem:s12], [sflag:$0x3] =	stream.linear.gather [hbm4b:s30+s1], $0x4000, $0x38;
	[tilespmem:$0x18000] =	vst v63  }
0x30: {  	_ =	swait.ge [sflag:s13], $0x4000  }
0x31: {  	[sflag:s13] =	ssyncset.done $0x0  }
0x32: {  	[sflag:s13] =	ssyncadd.s32 $0xFFFFC000  }
0x33: {  	_ =	swait.ge [sflag:s14], $0x4000  }
0x34: {  	s25 =	simm.s32 $0x0;
	[sflag:s14] =	ssyncset.done $0x0  }
0x35: {  	s23 =	simm.s32 $0x0;
	s24 =	simm.s32 $0x0;
	[sflag:s14] =	ssyncadd.s32 $0xFFFFC000  }
.LBB2_2:
0x36: {  	s26 =	sshll.u32 s24, $0x2;
	s28 =	sand.u32 $0x7, s23  }
0x37: {  	s26 =	sand.u32 $0xFFFF8000, s26;
	s28 =	sshll.u32 s28, $0x9  }
0x38: {  	s26 =	sor.u32 s28, s26  }
0x39: {  	s28 =	sshrl.u32 s26, $0x2  }
0x3a: {  	s26 =	sor.u32 $0x40, s28  }
0x3b: {  	s28 =	sadd.s32 $0x10040, s28;
	v1 =	vld [tilespmem:s26+$0x30]  }
0x3c: {  	v2 =	vld [tilespmem:s28+$0x30]  }
0x3d: {  	v0 =	vld [tilespmem:s28+$0xFFFFFFC0]  }
0x3e: {  	v3 =	vld [tilespmem:s26+$0xFFFFFFD0]  }
0x3f: {  	v4 =	vld [tilespmem:s28+$0xFFFFFFD0]  }
0x40: {  	v5 =	vld [tilespmem:s26+$0xFFFFFFE0]  }
0x41: {  	v6 =	vld [tilespmem:s28+$0xFFFFFFE0]  }
0x42: {  	v7 =	vld [tilespmem:s26+$0xFFFFFFF0]  }
0x43: {  	v8 =	vld [tilespmem:s28+$0xFFFFFFF0]  }
0x44: {  	v9 =	vld [tilespmem:s26+$0x0]  }
0x45: {  	v10 =	vld [tilespmem:s28+$0x0];
	v2 =	vadd.f32 v2, v1  }
0x46: {  	v4 =	vadd.f32 v4, v3;
	v1 =	vld [tilespmem:s26+$0x10]  }
0x47: {  	v5 =	vadd.f32 v6, v5;
	v3 =	vld [tilespmem:s28+$0x10];
	[tilespmem:s26+$0x30] =	vst v2  }
0x48: {  	v6 =	vadd.f32 v8, v7;
	[tilespmem:s26+$0xFFFFFFD0] =	vst v4;
	v2 =	vld [tilespmem:s26+$0x20]  }
0x49: {  	[tilespmem:s26+$0xFFFFFFE0] =	vst v5;
	v5 =	vld [tilespmem:s28+$0x20]  }
0x4a: {  	s29 =	simm.s32 $0x0;
	s30 =	sadd.s32 $0x400, s26;
	v4 =	vld [tilespmem:s26+$0xFFFFFFC0];
	[tilespmem:s26+$0xFFFFFFF0] =	vst v6;
	v6 =	vadd.f32 v10, v9  }
.LBB2_3:
0x4b: {  	v7 =	vld [tilespmem:s30+$0x30];
	s28 =	sadd.s32 $0x400, s28  }
0x4c: {  	s29 =	sadd.s32 $0x80, s29;
	v8 =	vld [tilespmem:s28+$0x30];
	[tilespmem:s26+$0x0] =	vst v6;
	v1 =	vadd.f32 v3, v1  }
0x4d: {  	p0 =	slt.u32 s29, $0x380;
	v3 =	vld [tilespmem:s28+$0xFFFFFFC0]  }
0x4e: {  	v6 =	vld [tilespmem:s30+$0xFFFFFFD0];
	[tilespmem:s26+$0x10] =	vst v1;
	v1 =	vadd.f32 v5, v2  }
0x4f: {  	v2 =	vld [tilespmem:s28+$0xFFFFFFD0];
	v9 =	vadd.f32 v0, v4  }
0x50: {  	v4 =	vld [tilespmem:s30+$0xFFFFFFE0];
	[tilespmem:s26+$0x20] =	vst v1  }
0x51: {  	v1 =	vld [tilespmem:s28+$0xFFFFFFE0];
	v5 =	vadd.f32 v8, v7;
	[tilespmem:s26+$0xFFFFFFC0] =	vst v9;
	s26 =	smov.u32 s30  }
0x52: {  	v7 =	vld [tilespmem:s30+$0xFFFFFFF0];
	v0 =	vmov v3  }
0x53: {  	v8 =	vld [tilespmem:s28+$0xFFFFFFF0];
	[tilespmem:s30+$0x30] =	vst v5  }
0x54: {  	v2 =	vadd.f32 v2, v6;
	v6 =	vld [tilespmem:s30+$0x0]  }
0x55: {  	v9 =	vld [tilespmem:s28+$0x0]  }
.Ltmp0:
0x56: {  	[tilespmem:s30+$0xFFFFFFD0] =	vst v2;
	v2 =	vadd.f32 v1, v4;
	v1 =	vld [tilespmem:s30+$0x10];
	(pc) =	sbr.rel @p0 .LBB2_3-.Ltmp0, $4  }
0x57: {  	v3 =	vld [tilespmem:s28+$0x10]  }
0x58: {  	[tilespmem:s30+$0xFFFFFFE0] =	vst v2;
	v7 =	vadd.f32 v8, v7;
	v2 =	vld [tilespmem:s30+$0x20]  }
0x59: {  	v5 =	vld [tilespmem:s28+$0x20]  }
0x5a: {  	s30 =	sadd.s32 $0x400, s30;
	v4 =	vld [tilespmem:s26+$0xFFFFFFC0];
	[tilespmem:s26+$0xFFFFFFF0] =	vst v7;
	v6 =	vadd.f32 v9, v6  }
0x5b: {  	s25 =	sadd.s32 $0x1, s25  }
0x5c: {  	p0 =	sne.s32 s25, $0x10  }
.Ltmp1:
0x5d: {  	v1 =	vadd.f32 v3, v1;
	(pc) =	sbr.rel @p0 .LBB2_2-.Ltmp1, $4  }
0x5e: {  	[tilespmem:s26+$0x0] =	vst v6;
	v2 =	vadd.f32 v5, v2  }
0x5f: {  	[tilespmem:s26+$0x10] =	vst v1;
	v0 =	vadd.f32 v0, v4  }
0x60: {  	[tilespmem:s26+$0x20] =	vst v2  }
0x61: {  	s24 =	sadd.s32 $0x400, s24;
	s23 =	sadd.s32 $0x1, s23;
	[tilespmem:s26+$0xFFFFFFC0] =	vst v0  }
0x62: {  	s23 =	simm.s32 $0x0  }
0x63: {  	[hbm4b:s0+s23] =	stream.linear.scatter [tilespmem:s23], [sflag:$0x5], $0x4000, $0x38;
	[tilespmem:$0x18000] =	vst v63  }
0x64: {  	s24 =	rddreg [dreg:$0x8]  }
0x65: {  	[tilespmem:s15], [sflag:$0x4] =	stream.linear.gather [hbm4b:s24+s23], $0x4000, $0x38;
	[tilespmem:$0x18000] =	vst v63  }
0x66: {  	_ =	swait.ge [sflag:s16], $0x4000  }
0x67: {  	[sflag:s16] =	ssyncset.done $0x0  }
0x68: {  	s25 =	simm.s32 $0x0;
	s24 =	simm.s32 $0x0;
	[sflag:s16] =	ssyncadd.s32 $0xFFFFC000  }
.LBB2_6:
0x69: {  	s26 =	sshll.u32 s24, $0x2;
	s28 =	sand.u32 $0x7, s23  }
0x6a: {  	s26 =	sand.u32 $0xFFFF8000, s26;
	s28 =	sshll.u32 s28, $0x9  }
0x6b: {  	s26 =	sor.u32 s28, s26  }
0x6c: {  	s28 =	sshrl.u32 s26, $0x2  }
0x6d: {  	s26 =	sadd.s32 $0x4040, s28  }
0x6e: {  	s28 =	sadd.s32 $0x10040, s28;
	v1 =	vld [tilespmem:s26+$0x30]  }
0x6f: {  	v2 =	vld [tilespmem:s28+$0x30]  }
0x70: {  	v0 =	vld [tilespmem:s28+$0xFFFFFFC0]  }
0x71: {  	v3 =	vld [tilespmem:s26+$0xFFFFFFD0]  }
0x72: {  	v4 =	vld [tilespmem:s28+$0xFFFFFFD0]  }
0x73: {  	v5 =	vld [tilespmem:s26+$0xFFFFFFE0]  }
0x74: {  	v6 =	vld [tilespmem:s28+$0xFFFFFFE0]  }
0x75: {  	v7 =	vld [tilespmem:s26+$0xFFFFFFF0]  }
0x76: {  	v8 =	vld [tilespmem:s28+$0xFFFFFFF0]  }
0x77: {  	v9 =	vld [tilespmem:s26+$0x0]  }
0x78: {  	v10 =	vld [tilespmem:s28+$0x0];
	v2 =	vadd.f32 v2, v1  }
0x79: {  	v4 =	vadd.f32 v4, v3;
	v1 =	vld [tilespmem:s26+$0x10]  }
0x7a: {  	v5 =	vadd.f32 v6, v5;
	v3 =	vld [tilespmem:s28+$0x10];
	[tilespmem:s26+$0x30] =	vst v2  }
0x7b: {  	v6 =	vadd.f32 v8, v7;
	[tilespmem:s26+$0xFFFFFFD0] =	vst v4;
	v2 =	vld [tilespmem:s26+$0x20]  }
0x7c: {  	[tilespmem:s26+$0xFFFFFFE0] =	vst v5;
	v5 =	vld [tilespmem:s28+$0x20]  }
0x7d: {  	s29 =	simm.s32 $0x0;
	s30 =	sadd.s32 $0x400, s26;
	v4 =	vld [tilespmem:s26+$0xFFFFFFC0];
	[tilespmem:s26+$0xFFFFFFF0] =	vst v6;
	v6 =	vadd.f32 v10, v9  }
.LBB2_7:
0x7e: {  	v7 =	vld [tilespmem:s30+$0x30];
	s28 =	sadd.s32 $0x400, s28  }
0x7f: {  	s29 =	sadd.s32 $0x80, s29;
	v8 =	vld [tilespmem:s28+$0x30];
	[tilespmem:s26+$0x0] =	vst v6;
	v1 =	vadd.f32 v3, v1  }
0x80: {  	p0 =	slt.u32 s29, $0x380;
	v3 =	vld [tilespmem:s28+$0xFFFFFFC0]  }
0x81: {  	v6 =	vld [tilespmem:s30+$0xFFFFFFD0];
	[tilespmem:s26+$0x10] =	vst v1;
	v1 =	vadd.f32 v5, v2  }
0x82: {  	v2 =	vld [tilespmem:s28+$0xFFFFFFD0];
	v9 =	vadd.f32 v0, v4  }
0x83: {  	v4 =	vld [tilespmem:s30+$0xFFFFFFE0];
	[tilespmem:s26+$0x20] =	vst v1  }
0x84: {  	v1 =	vld [tilespmem:s28+$0xFFFFFFE0];
	v5 =	vadd.f32 v8, v7;
	[tilespmem:s26+$0xFFFFFFC0] =	vst v9;
	s26 =	smov.u32 s30  }
0x85: {  	v7 =	vld [tilespmem:s30+$0xFFFFFFF0];
	v0 =	vmov v3  }
0x86: {  	v8 =	vld [tilespmem:s28+$0xFFFFFFF0];
	[tilespmem:s30+$0x30] =	vst v5  }
0x87: {  	v2 =	vadd.f32 v2, v6;
	v6 =	vld [tilespmem:s30+$0x0]  }
0x88: {  	v9 =	vld [tilespmem:s28+$0x0]  }
.Ltmp2:
0x89: {  	[tilespmem:s30+$0xFFFFFFD0] =	vst v2;
	v2 =	vadd.f32 v1, v4;
	v1 =	vld [tilespmem:s30+$0x10];
	(pc) =	sbr.rel @p0 .LBB2_7-.Ltmp2, $4  }
0x8a: {  	v3 =	vld [tilespmem:s28+$0x10]  }
0x8b: {  	[tilespmem:s30+$0xFFFFFFE0] =	vst v2;
	v7 =	vadd.f32 v8, v7;
	v2 =	vld [tilespmem:s30+$0x20]  }
0x8c: {  	v5 =	vld [tilespmem:s28+$0x20]  }
0x8d: {  	s30 =	sadd.s32 $0x400, s30;
	v4 =	vld [tilespmem:s26+$0xFFFFFFC0];
	[tilespmem:s26+$0xFFFFFFF0] =	vst v7;
	v6 =	vadd.f32 v9, v6  }
0x8e: {  	s25 =	sadd.s32 $0x1, s25  }
0x8f: {  	p0 =	sne.s32 s25, $0x10  }
.Ltmp3:
0x90: {  	v1 =	vadd.f32 v3, v1;
	(pc) =	sbr.rel @p0 .LBB2_6-.Ltmp3, $4  }
0x91: {  	[tilespmem:s26+$0x0] =	vst v6;
	v2 =	vadd.f32 v5, v2  }
0x92: {  	[tilespmem:s26+$0x10] =	vst v1;
	v0 =	vadd.f32 v0, v4  }
0x93: {  	[tilespmem:s26+$0x20] =	vst v2  }
0x94: {  	s24 =	sadd.s32 $0x400, s24;
	s23 =	sadd.s32 $0x1, s23;
	[tilespmem:s26+$0xFFFFFFC0] =	vst v0  }
0x95: {  	s23 =	simm.s32 $0x0;
	s24 =	rddreg [dreg:$0x9]  }
0x96: {  	[hbm4b:s24+s23] =	stream.linear.scatter [tilespmem:s10], [sflag:$0x6], $0x4000, $0x38;
	[tilespmem:$0x18000] =	vst v63  }
0x97: {  	_ =	swait.ge [sflag:s17], $0x4000  }
0x98: {  	[sflag:s17] =	ssyncset.done $0x0  }
0x99: {  	s30 =	rddreg [dreg:$0xa];
	[sflag:s17] =	ssyncadd.s32 $0xFFFFC000  }
0x9a: {  	[tilespmem:s23], [sflag:$0x1] =	stream.linear.gather [hbm4b:s30+s23], $0x4000, $0x38;
	[tilespmem:$0x18000] =	vst v63  }
0x9b: {  	_ =	swait.ge [sflag:s9], $0x4000  }
0x9c: {  	[sflag:s9] =	ssyncset.done $0x0  }
0x9d: {  	s25 =	simm.s32 $0x0;
	s24 =	simm.s32 $0x0;
	[sflag:s9] =	ssyncadd.s32 $0xFFFFC000  }
.LBB2_10:
0x9e: {  	s26 =	sshll.u32 s24, $0x2;
	s28 =	sand.u32 $0x7, s23  }
0x9f: {  	s26 =	sand.u32 $0xFFFF8000, s26;
	s28 =	sshll.u32 s28, $0x9  }
0xa0: {  	s26 =	sor.u32 s28, s26  }
0xa1: {  	s28 =	sshrl.u32 s26, $0x2  }
0xa2: {  	s26 =	sadd.s32 $0x8040, s28  }
0xa3: {  	s28 =	sadd.s32 $0x10040, s28;
	v1 =	vld [tilespmem:s26+$0x30]  }
0xa4: {  	v2 =	vld [tilespmem:s28+$0x30]  }
0xa5: {  	v0 =	vld [tilespmem:s28+$0xFFFFFFC0]  }
0xa6: {  	v3 =	vld [tilespmem:s26+$0xFFFFFFD0]  }
0xa7: {  	v4 =	vld [tilespmem:s28+$0xFFFFFFD0]  }
0xa8: {  	v5 =	vld [tilespmem:s26+$0xFFFFFFE0]  }
0xa9: {  	v6 =	vld [tilespmem:s28+$0xFFFFFFE0]  }
0xaa: {  	v7 =	vld [tilespmem:s26+$0xFFFFFFF0]  }
0xab: {  	v8 =	vld [tilespmem:s28+$0xFFFFFFF0]  }
0xac: {  	v9 =	vld [tilespmem:s26+$0x0]  }
0xad: {  	v10 =	vld [tilespmem:s28+$0x0];
	v2 =	vadd.f32 v2, v1  }
0xae: {  	v4 =	vadd.f32 v4, v3;
	v1 =	vld [tilespmem:s26+$0x10]  }
0xaf: {  	v5 =	vadd.f32 v6, v5;
	v3 =	vld [tilespmem:s28+$0x10];
	[tilespmem:s26+$0x30] =	vst v2  }
0xb0: {  	v6 =	vadd.f32 v8, v7;
	[tilespmem:s26+$0xFFFFFFD0] =	vst v4;
	v2 =	vld [tilespmem:s26+$0x20]  }
0xb1: {  	[tilespmem:s26+$0xFFFFFFE0] =	vst v5;
	v5 =	vld [tilespmem:s28+$0x20]  }
0xb2: {  	s29 =	simm.s32 $0x0;
	s30 =	sadd.s32 $0x400, s26;
	v4 =	vld [tilespmem:s26+$0xFFFFFFC0];
	[tilespmem:s26+$0xFFFFFFF0] =	vst v6;
	v6 =	vadd.f32 v10, v9  }
.LBB2_11:
0xb3: {  	v7 =	vld [tilespmem:s30+$0x30];
	s28 =	sadd.s32 $0x400, s28  }
0xb4: {  	s29 =	sadd.s32 $0x80, s29;
	v8 =	vld [tilespmem:s28+$0x30];
	[tilespmem:s26+$0x0] =	vst v6;
	v1 =	vadd.f32 v3, v1  }
0xb5: {  	p0 =	slt.u32 s29, $0x380;
	v3 =	vld [tilespmem:s28+$0xFFFFFFC0]  }
0xb6: {  	v6 =	vld [tilespmem:s30+$0xFFFFFFD0];
	[tilespmem:s26+$0x10] =	vst v1;
	v1 =	vadd.f32 v5, v2  }
0xb7: {  	v2 =	vld [tilespmem:s28+$0xFFFFFFD0];
	v9 =	vadd.f32 v0, v4  }
0xb8: {  	v4 =	vld [tilespmem:s30+$0xFFFFFFE0];
	[tilespmem:s26+$0x20] =	vst v1  }
0xb9: {  	v1 =	vld [tilespmem:s28+$0xFFFFFFE0];
	v5 =	vadd.f32 v8, v7;
	[tilespmem:s26+$0xFFFFFFC0] =	vst v9;
	s26 =	smov.u32 s30  }
0xba: {  	v7 =	vld [tilespmem:s30+$0xFFFFFFF0];
	v0 =	vmov v3  }
0xbb: {  	v8 =	vld [tilespmem:s28+$0xFFFFFFF0];
	[tilespmem:s30+$0x30] =	vst v5  }
0xbc: {  	v2 =	vadd.f32 v2, v6;
	v6 =	vld [tilespmem:s30+$0x0]  }
0xbd: {  	v9 =	vld [tilespmem:s28+$0x0]  }
.Ltmp4:
0xbe: {  	[tilespmem:s30+$0xFFFFFFD0] =	vst v2;
	v2 =	vadd.f32 v1, v4;
	v1 =	vld [tilespmem:s30+$0x10];
	(pc) =	sbr.rel @p0 .LBB2_11-.Ltmp4, $4  }
0xbf: {  	v3 =	vld [tilespmem:s28+$0x10]  }
0xc0: {  	[tilespmem:s30+$0xFFFFFFE0] =	vst v2;
	v7 =	vadd.f32 v8, v7;
	v2 =	vld [tilespmem:s30+$0x20]  }
0xc1: {  	v5 =	vld [tilespmem:s28+$0x20]  }
0xc2: {  	s30 =	sadd.s32 $0x400, s30;
	v4 =	vld [tilespmem:s26+$0xFFFFFFC0];
	[tilespmem:s26+$0xFFFFFFF0] =	vst v7;
	v6 =	vadd.f32 v9, v6  }
0xc3: {  	s25 =	sadd.s32 $0x1, s25  }
0xc4: {  	p0 =	sne.s32 s25, $0x10  }
.Ltmp5:
0xc5: {  	v1 =	vadd.f32 v3, v1;
	(pc) =	sbr.rel @p0 .LBB2_10-.Ltmp5, $4  }
0xc6: {  	[tilespmem:s26+$0x0] =	vst v6;
	v2 =	vadd.f32 v5, v2  }
0xc7: {  	[tilespmem:s26+$0x10] =	vst v1;
	v0 =	vadd.f32 v0, v4  }
0xc8: {  	[tilespmem:s26+$0x20] =	vst v2  }
0xc9: {  	s24 =	sadd.s32 $0x400, s24;
	s23 =	sadd.s32 $0x1, s23;
	[tilespmem:s26+$0xFFFFFFC0] =	vst v0  }
0xca: {  	s23 =	simm.s32 $0x0;
	s24 =	rddreg [dreg:$0xb]  }
0xcb: {  	[hbm4b:s24+s23] =	stream.linear.scatter [tilespmem:s12], [sflag:$0x7], $0x4000, $0x38;
	[tilespmem:$0x18000] =	vst v63  }
0xcc: {  	_ =	swait.ge [sflag:s18], $0x4000  }
0xcd: {  	[sflag:s18] =	ssyncset.done $0x0  }
0xce: {  	s30 =	rddreg [dreg:$0xc];
	[sflag:s18] =	ssyncadd.s32 $0xFFFFC000  }
0xcf: {  	[tilespmem:s10], [sflag:$0x2] =	stream.linear.gather [hbm4b:s30+s23], $0x4000, $0x38;
	[tilespmem:$0x18000] =	vst v63  }
0xd0: {  	_ =	swait.ge [sflag:s11], $0x4000  }
0xd1: {  	[sflag:s11] =	ssyncset.done $0x0  }
0xd2: {  	s25 =	simm.s32 $0x0;
	s24 =	simm.s32 $0x0;
	[sflag:s11] =	ssyncadd.s32 $0xFFFFC000  }
.LBB2_14:
0xd3: {  	s26 =	sshll.u32 s24, $0x2;
	s28 =	sand.u32 $0x7, s23  }
0xd4: {  	s26 =	sand.u32 $0xFFFF8000, s26;
	s28 =	sshll.u32 s28, $0x9  }
0xd5: {  	s26 =	sor.u32 s28, s26  }
0xd6: {  	s28 =	sshrl.u32 s26, $0x2  }
0xd7: {  	s26 =	sadd.s32 $0xC040, s28  }
0xd8: {  	s28 =	sadd.s32 $0x10040, s28;
	v1 =	vld [tilespmem:s26+$0x30]  }
0xd9: {  	v2 =	vld [tilespmem:s28+$0x30]  }
0xda: {  	v0 =	vld [tilespmem:s28+$0xFFFFFFC0]  }
0xdb: {  	v3 =	vld [tilespmem:s26+$0xFFFFFFD0]  }
0xdc: {  	v4 =	vld [tilespmem:s28+$0xFFFFFFD0]  }
0xdd: {  	v5 =	vld [tilespmem:s26+$0xFFFFFFE0]  }
0xde: {  	v6 =	vld [tilespmem:s28+$0xFFFFFFE0]  }
0xdf: {  	v7 =	vld [tilespmem:s26+$0xFFFFFFF0]  }
0xe0: {  	v8 =	vld [tilespmem:s28+$0xFFFFFFF0]  }
0xe1: {  	v9 =	vld [tilespmem:s26+$0x0]  }
0xe2: {  	v10 =	vld [tilespmem:s28+$0x0];
	v2 =	vadd.f32 v2, v1  }
0xe3: {  	v4 =	vadd.f32 v4, v3;
	v1 =	vld [tilespmem:s26+$0x10]  }
0xe4: {  	v5 =	vadd.f32 v6, v5;
	v3 =	vld [tilespmem:s28+$0x10];
	[tilespmem:s26+$0x30] =	vst v2  }
0xe5: {  	v6 =	vadd.f32 v8, v7;
	[tilespmem:s26+$0xFFFFFFD0] =	vst v4;
	v2 =	vld [tilespmem:s26+$0x20]  }
0xe6: {  	[tilespmem:s26+$0xFFFFFFE0] =	vst v5;
	v5 =	vld [tilespmem:s28+$0x20]  }
0xe7: {  	s29 =	simm.s32 $0x0;
	s30 =	sadd.s32 $0x400, s26;
	v4 =	vld [tilespmem:s26+$0xFFFFFFC0];
	[tilespmem:s26+$0xFFFFFFF0] =	vst v6;
	v6 =	vadd.f32 v10, v9  }
.LBB2_15:
0xe8: {  	v7 =	vld [tilespmem:s30+$0x30];
	s28 =	sadd.s32 $0x400, s28  }
0xe9: {  	s29 =	sadd.s32 $0x80, s29;
	v8 =	vld [tilespmem:s28+$0x30];
	[tilespmem:s26+$0x0] =	vst v6;
	v1 =	vadd.f32 v3, v1  }
0xea: {  	p0 =	slt.u32 s29, $0x380;
	v3 =	vld [tilespmem:s28+$0xFFFFFFC0]  }
0xeb: {  	v6 =	vld [tilespmem:s30+$0xFFFFFFD0];
	[tilespmem:s26+$0x10] =	vst v1;
	v1 =	vadd.f32 v5, v2  }
0xec: {  	v2 =	vld [tilespmem:s28+$0xFFFFFFD0];
	v9 =	vadd.f32 v0, v4  }
0xed: {  	v4 =	vld [tilespmem:s30+$0xFFFFFFE0];
	[tilespmem:s26+$0x20] =	vst v1  }
0xee: {  	v1 =	vld [tilespmem:s28+$0xFFFFFFE0];
	v5 =	vadd.f32 v8, v7;
	[tilespmem:s26+$0xFFFFFFC0] =	vst v9;
	s26 =	smov.u32 s30  }
0xef: {  	v7 =	vld [tilespmem:s30+$0xFFFFFFF0];
	v0 =	vmov v3  }
0xf0: {  	v8 =	vld [tilespmem:s28+$0xFFFFFFF0];
	[tilespmem:s30+$0x30] =	vst v5  }
0xf1: {  	v2 =	vadd.f32 v2, v6;
	v6 =	vld [tilespmem:s30+$0x0]  }
0xf2: {  	v9 =	vld [tilespmem:s28+$0x0]  }
.Ltmp6:
0xf3: {  	[tilespmem:s30+$0xFFFFFFD0] =	vst v2;
	v2 =	vadd.f32 v1, v4;
	v1 =	vld [tilespmem:s30+$0x10];
	(pc) =	sbr.rel @p0 .LBB2_15-.Ltmp6, $4  }
0xf4: {  	v3 =	vld [tilespmem:s28+$0x10]  }
0xf5: {  	[tilespmem:s30+$0xFFFFFFE0] =	vst v2;
	v7 =	vadd.f32 v8, v7;
	v2 =	vld [tilespmem:s30+$0x20]  }
0xf6: {  	v5 =	vld [tilespmem:s28+$0x20]  }
0xf7: {  	s30 =	sadd.s32 $0x400, s30;
	v4 =	vld [tilespmem:s26+$0xFFFFFFC0];
	[tilespmem:s26+$0xFFFFFFF0] =	vst v7;
	v6 =	vadd.f32 v9, v6  }
0xf8: {  	s25 =	sadd.s32 $0x1, s25  }
0xf9: {  	p0 =	sne.s32 s25, $0x10  }
.Ltmp7:
0xfa: {  	v1 =	vadd.f32 v3, v1;
	(pc) =	sbr.rel @p0 .LBB2_14-.Ltmp7, $4  }
0xfb: {  	[tilespmem:s26+$0x0] =	vst v6;
	v2 =	vadd.f32 v5, v2  }
0xfc: {  	[tilespmem:s26+$0x10] =	vst v1;
	v0 =	vadd.f32 v0, v4  }
0xfd: {  	[tilespmem:s26+$0x20] =	vst v2  }
0xfe: {  	s24 =	sadd.s32 $0x400, s24;
	s23 =	sadd.s32 $0x1, s23;
	[tilespmem:s26+$0xFFFFFFC0] =	vst v0  }
0xff: {  	s23 =	simm.s32 $0x0;
	s24 =	rddreg [dreg:$0xd]  }
0x100: {  	[hbm4b:s24+s23] =	stream.linear.scatter [tilespmem:s15], [sflag:$0x8], $0x4000, $0x38;
	[tilespmem:$0x18000] =	vst v63  }
0x101: {  	s29 =	rddreg [dreg:$0xe];
	s25 =	simm.s32 $0x10000  }
0x102: {  	[tilespmem:s25], [sflag:$0x9] =	stream.linear.gather [hbm4b:s29+s23], $0x4000, $0x38;
	[tilespmem:$0x18000] =	vst v63  }
0x103: {  	_ =	swait.ge [sflag:s19], $0x4000  }
0x104: {  	[sflag:s19] =	ssyncset.done $0x0  }
0x105: {  	s30 =	rddreg [dreg:$0xf];
	[sflag:s19] =	ssyncadd.s32 $0xFFFFC000  }
0x106: {  	[tilespmem:s12], [sflag:$0x3] =	stream.linear.gather [hbm4b:s30+s23], $0x4000, $0x38;
	[tilespmem:$0x18000] =	vst v63  }
0x107: {  	_ =	swait.ge [sflag:s20], $0x4000  }
0x108: {  	[sflag:s20] =	ssyncset.done $0x0  }
0x109: {  	[sflag:s20] =	ssyncadd.s32 $0xFFFFC000  }
0x10a: {  	_ =	swait.ge [sflag:s14], $0x4000  }
0x10b: {  	[sflag:s14] =	ssyncset.done $0x0  }
0x10c: {  	s24 =	simm.s32 $0x0;
	s25 =	simm.s32 $0x0;
	[sflag:s14] =	ssyncadd.s32 $0xFFFFC000  }
.LBB2_18:
0x10d: {  	s26 =	sshll.u32 s24, $0x2;
	s28 =	sand.u32 $0x7, s23  }
0x10e: {  	s26 =	sand.u32 $0xFFFF8000, s26;
	s28 =	sshll.u32 s28, $0x9  }
0x10f: {  	s26 =	sor.u32 s28, s26  }
0x110: {  	s28 =	sshrl.u32 s26, $0x2  }
0x111: {  	s26 =	sor.u32 $0x40, s28  }
0x112: {  	s28 =	sadd.s32 $0x14040, s28;
	v1 =	vld [tilespmem:s26+$0x30]  }
0x113: {  	v2 =	vld [tilespmem:s28+$0x30]  }
0x114: {  	v0 =	vld [tilespmem:s28+$0xFFFFFFC0]  }
0x115: {  	v3 =	vld [tilespmem:s26+$0xFFFFFFD0]  }
0x116: {  	v4 =	vld [tilespmem:s28+$0xFFFFFFD0]  }
0x117: {  	v5 =	vld [tilespmem:s26+$0xFFFFFFE0]  }
0x118: {  	v6 =	vld [tilespmem:s28+$0xFFFFFFE0]  }
0x119: {  	v7 =	vld [tilespmem:s26+$0xFFFFFFF0]  }
0x11a: {  	v8 =	vld [tilespmem:s28+$0xFFFFFFF0]  }
0x11b: {  	v9 =	vld [tilespmem:s26+$0x0]  }
0x11c: {  	v10 =	vld [tilespmem:s28+$0x0];
	v2 =	vadd.f32 v2, v1  }
0x11d: {  	v4 =	vadd.f32 v4, v3;
	v1 =	vld [tilespmem:s26+$0x10]  }
0x11e: {  	v5 =	vadd.f32 v6, v5;
	v3 =	vld [tilespmem:s28+$0x10];
	[tilespmem:s26+$0x30] =	vst v2  }
0x11f: {  	v6 =	vadd.f32 v8, v7;
	[tilespmem:s26+$0xFFFFFFD0] =	vst v4;
	v2 =	vld [tilespmem:s26+$0x20]  }
0x120: {  	[tilespmem:s26+$0xFFFFFFE0] =	vst v5;
	v5 =	vld [tilespmem:s28+$0x20]  }
0x121: {  	s29 =	simm.s32 $0x0;
	s30 =	sadd.s32 $0x400, s26;
	v4 =	vld [tilespmem:s26+$0xFFFFFFC0];
	[tilespmem:s26+$0xFFFFFFF0] =	vst v6;
	v6 =	vadd.f32 v10, v9  }
.LBB2_19:
0x122: {  	v7 =	vld [tilespmem:s30+$0x30];
	s28 =	sadd.s32 $0x400, s28  }
0x123: {  	s29 =	sadd.s32 $0x80, s29;
	v8 =	vld [tilespmem:s28+$0x30];
	[tilespmem:s26+$0x0] =	vst v6;
	v1 =	vadd.f32 v3, v1  }
0x124: {  	p0 =	slt.u32 s29, $0x380;
	v3 =	vld [tilespmem:s28+$0xFFFFFFC0]  }
0x125: {  	v6 =	vld [tilespmem:s30+$0xFFFFFFD0];
	[tilespmem:s26+$0x10] =	vst v1;
	v1 =	vadd.f32 v5, v2  }
0x126: {  	v2 =	vld [tilespmem:s28+$0xFFFFFFD0];
	v9 =	vadd.f32 v0, v4  }
0x127: {  	v4 =	vld [tilespmem:s30+$0xFFFFFFE0];
	[tilespmem:s26+$0x20] =	vst v1  }
0x128: {  	v1 =	vld [tilespmem:s28+$0xFFFFFFE0];
	v5 =	vadd.f32 v8, v7;
	[tilespmem:s26+$0xFFFFFFC0] =	vst v9;
	s26 =	smov.u32 s30  }
0x129: {  	v7 =	vld [tilespmem:s30+$0xFFFFFFF0];
	v0 =	vmov v3  }
0x12a: {  	v8 =	vld [tilespmem:s28+$0xFFFFFFF0];
	[tilespmem:s30+$0x30] =	vst v5  }
0x12b: {  	v2 =	vadd.f32 v2, v6;
	v6 =	vld [tilespmem:s30+$0x0]  }
0x12c: {  	v9 =	vld [tilespmem:s28+$0x0]  }
.Ltmp8:
0x12d: {  	[tilespmem:s30+$0xFFFFFFD0] =	vst v2;
	v2 =	vadd.f32 v1, v4;
	v1 =	vld [tilespmem:s30+$0x10];
	(pc) =	sbr.rel @p0 .LBB2_19-.Ltmp8, $4  }
0x12e: {  	v3 =	vld [tilespmem:s28+$0x10]  }
0x12f: {  	[tilespmem:s30+$0xFFFFFFE0] =	vst v2;
	v7 =	vadd.f32 v8, v7;
	v2 =	vld [tilespmem:s30+$0x20]  }
0x130: {  	v5 =	vld [tilespmem:s28+$0x20]  }
0x131: {  	s30 =	sadd.s32 $0x400, s30;
	v4 =	vld [tilespmem:s26+$0xFFFFFFC0];
	[tilespmem:s26+$0xFFFFFFF0] =	vst v7;
	v6 =	vadd.f32 v9, v6  }
0x132: {  	s25 =	sadd.s32 $0x1, s25  }
0x133: {  	p0 =	sne.s32 s25, $0x10  }
.Ltmp9:
0x134: {  	v1 =	vadd.f32 v3, v1;
	(pc) =	sbr.rel @p0 .LBB2_18-.Ltmp9, $4  }
0x135: {  	[tilespmem:s26+$0x0] =	vst v6;
	v2 =	vadd.f32 v5, v2  }
0x136: {  	[tilespmem:s26+$0x10] =	vst v1;
	v0 =	vadd.f32 v0, v4  }
0x137: {  	[tilespmem:s26+$0x20] =	vst v2  }
0x138: {  	s24 =	sadd.s32 $0x400, s24;
	s23 =	sadd.s32 $0x1, s23;
	[tilespmem:s26+$0xFFFFFFC0] =	vst v0  }
0x139: {  	s23 =	simm.s32 $0x0;
	s24 =	rddreg [dreg:$0x10]  }
0x13a: {  	[hbm4b:s24+s23] =	stream.linear.scatter [tilespmem:s23], [sflag:$0x5], $0x4000, $0x38;
	[tilespmem:$0x18000] =	vst v63  }
0x13b: {  	_ =	swait.ge [sflag:s21], $0x4000  }
0x13c: {  	[sflag:s21] =	ssyncset.done $0x0  }
0x13d: {  	s30 =	rddreg [dreg:$0x11];
	[sflag:s21] =	ssyncadd.s32 $0xFFFFC000  }
0x13e: {  	[tilespmem:s15], [sflag:$0x4] =	stream.linear.gather [hbm4b:s30+s23], $0x4000, $0x38;
	[tilespmem:$0x18000] =	vst v63  }
0x13f: {  	_ =	swait.ge [sflag:s16], $0x4000  }
0x140: {  	[sflag:s16] =	ssyncset.done $0x0  }
0x141: {  	s25 =	simm.s32 $0x0;
	s24 =	simm.s32 $0x0;
	[sflag:s16] =	ssyncadd.s32 $0xFFFFC000  }
.LBB2_22:
0x142: {  	s26 =	sshll.u32 s24, $0x2;
	s28 =	sand.u32 $0x7, s23  }
0x143: {  	s26 =	sand.u32 $0xFFFF8000, s26;
	s28 =	sshll.u32 s28, $0x9  }
0x144: {  	s26 =	sor.u32 s28, s26  }
0x145: {  	s28 =	sshrl.u32 s26, $0x2  }
0x146: {  	s26 =	sadd.s32 $0x4040, s28  }
0x147: {  	s28 =	sadd.s32 $0x14040, s28;
	v1 =	vld [tilespmem:s26+$0x30]  }
0x148: {  	v2 =	vld [tilespmem:s28+$0x30]  }
0x149: {  	v0 =	vld [tilespmem:s28+$0xFFFFFFC0]  }
0x14a: {  	v3 =	vld [tilespmem:s26+$0xFFFFFFD0]  }
0x14b: {  	v4 =	vld [tilespmem:s28+$0xFFFFFFD0]  }
0x14c: {  	v5 =	vld [tilespmem:s26+$0xFFFFFFE0]  }
0x14d: {  	v6 =	vld [tilespmem:s28+$0xFFFFFFE0]  }
0x14e: {  	v7 =	vld [tilespmem:s26+$0xFFFFFFF0]  }
0x14f: {  	v8 =	vld [tilespmem:s28+$0xFFFFFFF0]  }
0x150: {  	v9 =	vld [tilespmem:s26+$0x0]  }
0x151: {  	v10 =	vld [tilespmem:s28+$0x0];
	v2 =	vadd.f32 v2, v1  }
0x152: {  	v4 =	vadd.f32 v4, v3;
	v1 =	vld [tilespmem:s26+$0x10]  }
0x153: {  	v5 =	vadd.f32 v6, v5;
	v3 =	vld [tilespmem:s28+$0x10];
	[tilespmem:s26+$0x30] =	vst v2  }
0x154: {  	v6 =	vadd.f32 v8, v7;
	[tilespmem:s26+$0xFFFFFFD0] =	vst v4;
	v2 =	vld [tilespmem:s26+$0x20]  }
0x155: {  	[tilespmem:s26+$0xFFFFFFE0] =	vst v5;
	v5 =	vld [tilespmem:s28+$0x20]  }
0x156: {  	s29 =	simm.s32 $0x0;
	s30 =	sadd.s32 $0x400, s26;
	v4 =	vld [tilespmem:s26+$0xFFFFFFC0];
	[tilespmem:s26+$0xFFFFFFF0] =	vst v6;
	v6 =	vadd.f32 v10, v9  }
.LBB2_23:
0x157: {  	v7 =	vld [tilespmem:s30+$0x30];
	s28 =	sadd.s32 $0x400, s28  }
0x158: {  	s29 =	sadd.s32 $0x80, s29;
	v8 =	vld [tilespmem:s28+$0x30];
	[tilespmem:s26+$0x0] =	vst v6;
	v1 =	vadd.f32 v3, v1  }
0x159: {  	p0 =	slt.u32 s29, $0x380;
	v3 =	vld [tilespmem:s28+$0xFFFFFFC0]  }
0x15a: {  	v6 =	vld [tilespmem:s30+$0xFFFFFFD0];
	[tilespmem:s26+$0x10] =	vst v1;
	v1 =	vadd.f32 v5, v2  }
0x15b: {  	v2 =	vld [tilespmem:s28+$0xFFFFFFD0];
	v9 =	vadd.f32 v0, v4  }
0x15c: {  	v4 =	vld [tilespmem:s30+$0xFFFFFFE0];
	[tilespmem:s26+$0x20] =	vst v1  }
0x15d: {  	v1 =	vld [tilespmem:s28+$0xFFFFFFE0];
	v5 =	vadd.f32 v8, v7;
	[tilespmem:s26+$0xFFFFFFC0] =	vst v9;
	s26 =	smov.u32 s30  }
0x15e: {  	v7 =	vld [tilespmem:s30+$0xFFFFFFF0];
	v0 =	vmov v3  }
0x15f: {  	v8 =	vld [tilespmem:s28+$0xFFFFFFF0];
	[tilespmem:s30+$0x30] =	vst v5  }
0x160: {  	v2 =	vadd.f32 v2, v6;
	v6 =	vld [tilespmem:s30+$0x0]  }
0x161: {  	v9 =	vld [tilespmem:s28+$0x0]  }
.Ltmp10:
0x162: {  	[tilespmem:s30+$0xFFFFFFD0] =	vst v2;
	v2 =	vadd.f32 v1, v4;
	v1 =	vld [tilespmem:s30+$0x10];
	(pc) =	sbr.rel @p0 .LBB2_23-.Ltmp10, $4  }
0x163: {  	v3 =	vld [tilespmem:s28+$0x10]  }
0x164: {  	[tilespmem:s30+$0xFFFFFFE0] =	vst v2;
	v7 =	vadd.f32 v8, v7;
	v2 =	vld [tilespmem:s30+$0x20]  }
0x165: {  	v5 =	vld [tilespmem:s28+$0x20]  }
0x166: {  	s30 =	sadd.s32 $0x400, s30;
	v4 =	vld [tilespmem:s26+$0xFFFFFFC0];
	[tilespmem:s26+$0xFFFFFFF0] =	vst v7;
	v6 =	vadd.f32 v9, v6  }
0x167: {  	s25 =	sadd.s32 $0x1, s25  }
0x168: {  	p0 =	sne.s32 s25, $0x10  }
.Ltmp11:
0x169: {  	v1 =	vadd.f32 v3, v1;
	(pc) =	sbr.rel @p0 .LBB2_22-.Ltmp11, $4  }
0x16a: {  	[tilespmem:s26+$0x0] =	vst v6;
	v2 =	vadd.f32 v5, v2  }
0x16b: {  	[tilespmem:s26+$0x10] =	vst v1;
	v0 =	vadd.f32 v0, v4  }
0x16c: {  	[tilespmem:s26+$0x20] =	vst v2  }
0x16d: {  	s24 =	sadd.s32 $0x400, s24;
	s23 =	sadd.s32 $0x1, s23;
	[tilespmem:s26+$0xFFFFFFC0] =	vst v0  }
0x16e: {  	s23 =	simm.s32 $0x0;
	s24 =	rddreg [dreg:$0x12]  }
0x16f: {  	[hbm4b:s24+s23] =	stream.linear.scatter [tilespmem:s10], [sflag:$0x6], $0x4000, $0x38;
	[tilespmem:$0x18000] =	vst v63  }
0x170: {  	_ =	swait.ge [sflag:s17], $0x4000  }
0x171: {  	[sflag:s17] =	ssyncset.done $0x0  }
0x172: {  	s30 =	rddreg [dreg:$0x16];
	[sflag:s17] =	ssyncadd.s32 $0xFFFFC000  }
0x173: {  	[tilespmem:s23], [sflag:$0x1] =	stream.linear.gather [hbm4b:s30+s23], $0x4000, $0x38;
	[tilespmem:$0x18000] =	vst v63  }
0x174: {  	_ =	swait.ge [sflag:s9], $0x4000  }
0x175: {  	[sflag:s9] =	ssyncset.done $0x0  }
0x176: {  	s25 =	simm.s32 $0x0;
	s24 =	simm.s32 $0x0;
	[sflag:s9] =	ssyncadd.s32 $0xFFFFC000  }
.LBB2_26:
0x177: {  	s26 =	sshll.u32 s24, $0x2;
	s28 =	sand.u32 $0x7, s23  }
0x178: {  	s26 =	sand.u32 $0xFFFF8000, s26;
	s28 =	sshll.u32 s28, $0x9  }
0x179: {  	s26 =	sor.u32 s28, s26  }
0x17a: {  	s28 =	sshrl.u32 s26, $0x2  }
0x17b: {  	s26 =	sadd.s32 $0x8040, s28  }
0x17c: {  	s28 =	sadd.s32 $0x14040, s28;
	v1 =	vld [tilespmem:s26+$0x30]  }
0x17d: {  	v2 =	vld [tilespmem:s28+$0x30]  }
0x17e: {  	v0 =	vld [tilespmem:s28+$0xFFFFFFC0]  }
0x17f: {  	v3 =	vld [tilespmem:s26+$0xFFFFFFD0]  }
0x180: {  	v4 =	vld [tilespmem:s28+$0xFFFFFFD0]  }
0x181: {  	v5 =	vld [tilespmem:s26+$0xFFFFFFE0]  }
0x182: {  	v6 =	vld [tilespmem:s28+$0xFFFFFFE0]  }
0x183: {  	v7 =	vld [tilespmem:s26+$0xFFFFFFF0]  }
0x184: {  	v8 =	vld [tilespmem:s28+$0xFFFFFFF0]  }
0x185: {  	v9 =	vld [tilespmem:s26+$0x0]  }
0x186: {  	v10 =	vld [tilespmem:s28+$0x0];
	v2 =	vadd.f32 v2, v1  }
0x187: {  	v4 =	vadd.f32 v4, v3;
	v1 =	vld [tilespmem:s26+$0x10]  }
0x188: {  	v5 =	vadd.f32 v6, v5;
	v3 =	vld [tilespmem:s28+$0x10];
	[tilespmem:s26+$0x30] =	vst v2  }
0x189: {  	v6 =	vadd.f32 v8, v7;
	[tilespmem:s26+$0xFFFFFFD0] =	vst v4;
	v2 =	vld [tilespmem:s26+$0x20]  }
0x18a: {  	[tilespmem:s26+$0xFFFFFFE0] =	vst v5;
	v5 =	vld [tilespmem:s28+$0x20]  }
0x18b: {  	s29 =	simm.s32 $0x0;
	s30 =	sadd.s32 $0x400, s26;
	v4 =	vld [tilespmem:s26+$0xFFFFFFC0];
	[tilespmem:s26+$0xFFFFFFF0] =	vst v6;
	v6 =	vadd.f32 v10, v9  }
.LBB2_27:
0x18c: {  	v7 =	vld [tilespmem:s30+$0x30];
	s28 =	sadd.s32 $0x400, s28  }
0x18d: {  	s29 =	sadd.s32 $0x80, s29;
	v8 =	vld [tilespmem:s28+$0x30];
	[tilespmem:s26+$0x0] =	vst v6;
	v1 =	vadd.f32 v3, v1  }
0x18e: {  	p0 =	slt.u32 s29, $0x380;
	v3 =	vld [tilespmem:s28+$0xFFFFFFC0]  }
0x18f: {  	v6 =	vld [tilespmem:s30+$0xFFFFFFD0];
	[tilespmem:s26+$0x10] =	vst v1;
	v1 =	vadd.f32 v5, v2  }
0x190: {  	v2 =	vld [tilespmem:s28+$0xFFFFFFD0];
	v9 =	vadd.f32 v0, v4  }
0x191: {  	v4 =	vld [tilespmem:s30+$0xFFFFFFE0];
	[tilespmem:s26+$0x20] =	vst v1  }
0x192: {  	v1 =	vld [tilespmem:s28+$0xFFFFFFE0];
	v5 =	vadd.f32 v8, v7;
	[tilespmem:s26+$0xFFFFFFC0] =	vst v9;
	s26 =	smov.u32 s30  }
0x193: {  	v7 =	vld [tilespmem:s30+$0xFFFFFFF0];
	v0 =	vmov v3  }
0x194: {  	v8 =	vld [tilespmem:s28+$0xFFFFFFF0];
	[tilespmem:s30+$0x30] =	vst v5  }
0x195: {  	v2 =	vadd.f32 v2, v6;
	v6 =	vld [tilespmem:s30+$0x0]  }
0x196: {  	v9 =	vld [tilespmem:s28+$0x0]  }
.Ltmp12:
0x197: {  	[tilespmem:s30+$0xFFFFFFD0] =	vst v2;
	v2 =	vadd.f32 v1, v4;
	v1 =	vld [tilespmem:s30+$0x10];
	(pc) =	sbr.rel @p0 .LBB2_27-.Ltmp12, $4  }
0x198: {  	v3 =	vld [tilespmem:s28+$0x10]  }
0x199: {  	[tilespmem:s30+$0xFFFFFFE0] =	vst v2;
	v7 =	vadd.f32 v8, v7;
	v2 =	vld [tilespmem:s30+$0x20]  }
0x19a: {  	v5 =	vld [tilespmem:s28+$0x20]  }
0x19b: {  	s30 =	sadd.s32 $0x400, s30;
	v4 =	vld [tilespmem:s26+$0xFFFFFFC0];
	[tilespmem:s26+$0xFFFFFFF0] =	vst v7;
	v6 =	vadd.f32 v9, v6  }
0x19c: {  	s25 =	sadd.s32 $0x1, s25  }
0x19d: {  	p0 =	sne.s32 s25, $0x10  }
.Ltmp13:
0x19e: {  	v1 =	vadd.f32 v3, v1;
	(pc) =	sbr.rel @p0 .LBB2_26-.Ltmp13, $4  }
0x19f: {  	[tilespmem:s26+$0x0] =	vst v6;
	v2 =	vadd.f32 v5, v2  }
0x1a0: {  	[tilespmem:s26+$0x10] =	vst v1;
	v0 =	vadd.f32 v0, v4  }
0x1a1: {  	[tilespmem:s26+$0x20] =	vst v2  }
0x1a2: {  	s24 =	sadd.s32 $0x400, s24;
	s23 =	sadd.s32 $0x1, s23;
	[tilespmem:s26+$0xFFFFFFC0] =	vst v0  }
0x1a3: {  	s23 =	simm.s32 $0x0;
	s24 =	rddreg [dreg:$0x13]  }
0x1a4: {  	[hbm4b:s24+s23] =	stream.linear.scatter [tilespmem:s12], [sflag:$0x7], $0x4000, $0x38;
	[tilespmem:$0x18000] =	vst v63  }
0x1a5: {  	_ =	swait.ge [sflag:s18], $0x4000  }
0x1a6: {  	[sflag:s18] =	ssyncset.done $0x0  }
0x1a7: {  	s30 =	rddreg [dreg:$0x18];
	[sflag:s18] =	ssyncadd.s32 $0xFFFFC000  }
0x1a8: {  	[tilespmem:s10], [sflag:$0x2] =	stream.linear.gather [hbm4b:s30+s23], $0x4000, $0x38;
	[tilespmem:$0x18000] =	vst v63  }
0x1a9: {  	_ =	swait.ge [sflag:s11], $0x4000  }
0x1aa: {  	[sflag:s11] =	ssyncset.done $0x0  }
0x1ab: {  	s25 =	simm.s32 $0x0;
	s24 =	simm.s32 $0x0;
	[sflag:s11] =	ssyncadd.s32 $0xFFFFC000  }
.LBB2_30:
0x1ac: {  	s26 =	sshll.u32 s24, $0x2;
	s28 =	sand.u32 $0x7, s23  }
0x1ad: {  	s26 =	sand.u32 $0xFFFF8000, s26;
	s28 =	sshll.u32 s28, $0x9  }
0x1ae: {  	s26 =	sor.u32 s28, s26  }
0x1af: {  	s28 =	sshrl.u32 s26, $0x2  }
0x1b0: {  	s26 =	sadd.s32 $0xC040, s28  }
0x1b1: {  	s28 =	sadd.s32 $0x14040, s28;
	v1 =	vld [tilespmem:s26+$0x30]  }
0x1b2: {  	v2 =	vld [tilespmem:s28+$0x30]  }
0x1b3: {  	v0 =	vld [tilespmem:s28+$0xFFFFFFC0]  }
0x1b4: {  	v3 =	vld [tilespmem:s26+$0xFFFFFFD0]  }
0x1b5: {  	v4 =	vld [tilespmem:s28+$0xFFFFFFD0]  }
0x1b6: {  	v5 =	vld [tilespmem:s26+$0xFFFFFFE0]  }
0x1b7: {  	v6 =	vld [tilespmem:s28+$0xFFFFFFE0]  }
0x1b8: {  	v7 =	vld [tilespmem:s26+$0xFFFFFFF0]  }
0x1b9: {  	v8 =	vld [tilespmem:s28+$0xFFFFFFF0]  }
0x1ba: {  	v9 =	vld [tilespmem:s26+$0x0]  }
0x1bb: {  	v10 =	vld [tilespmem:s28+$0x0];
	v2 =	vadd.f32 v2, v1  }
0x1bc: {  	v4 =	vadd.f32 v4, v3;
	v1 =	vld [tilespmem:s26+$0x10]  }
0x1bd: {  	v5 =	vadd.f32 v6, v5;
	v3 =	vld [tilespmem:s28+$0x10];
	[tilespmem:s26+$0x30] =	vst v2  }
0x1be: {  	v6 =	vadd.f32 v8, v7;
	[tilespmem:s26+$0xFFFFFFD0] =	vst v4;
	v2 =	vld [tilespmem:s26+$0x20]  }
0x1bf: {  	[tilespmem:s26+$0xFFFFFFE0] =	vst v5;
	v5 =	vld [tilespmem:s28+$0x20]  }
0x1c0: {  	s29 =	simm.s32 $0x0;
	s30 =	sadd.s32 $0x400, s26;
	v4 =	vld [tilespmem:s26+$0xFFFFFFC0];
	[tilespmem:s26+$0xFFFFFFF0] =	vst v6;
	v6 =	vadd.f32 v10, v9  }
.LBB2_31:
0x1c1: {  	v7 =	vld [tilespmem:s30+$0x30];
	s28 =	sadd.s32 $0x400, s28  }
0x1c2: {  	s29 =	sadd.s32 $0x80, s29;
	v8 =	vld [tilespmem:s28+$0x30];
	[tilespmem:s26+$0x0] =	vst v6;
	v1 =	vadd.f32 v3, v1  }
0x1c3: {  	p0 =	slt.u32 s29, $0x380;
	v3 =	vld [tilespmem:s28+$0xFFFFFFC0]  }
0x1c4: {  	v6 =	vld [tilespmem:s30+$0xFFFFFFD0];
	[tilespmem:s26+$0x10] =	vst v1;
	v1 =	vadd.f32 v5, v2  }
0x1c5: {  	v2 =	vld [tilespmem:s28+$0xFFFFFFD0];
	v9 =	vadd.f32 v0, v4  }
0x1c6: {  	v4 =	vld [tilespmem:s30+$0xFFFFFFE0];
	[tilespmem:s26+$0x20] =	vst v1  }
0x1c7: {  	v1 =	vld [tilespmem:s28+$0xFFFFFFE0];
	v5 =	vadd.f32 v8, v7;
	[tilespmem:s26+$0xFFFFFFC0] =	vst v9;
	s26 =	smov.u32 s30  }
0x1c8: {  	v7 =	vld [tilespmem:s30+$0xFFFFFFF0];
	v0 =	vmov v3  }
0x1c9: {  	v8 =	vld [tilespmem:s28+$0xFFFFFFF0];
	[tilespmem:s30+$0x30] =	vst v5  }
0x1ca: {  	v2 =	vadd.f32 v2, v6;
	v6 =	vld [tilespmem:s30+$0x0]  }
0x1cb: {  	v9 =	vld [tilespmem:s28+$0x0]  }
.Ltmp14:
0x1cc: {  	[tilespmem:s30+$0xFFFFFFD0] =	vst v2;
	v2 =	vadd.f32 v1, v4;
	v1 =	vld [tilespmem:s30+$0x10];
	(pc) =	sbr.rel @p0 .LBB2_31-.Ltmp14, $4  }
0x1cd: {  	v3 =	vld [tilespmem:s28+$0x10]  }
0x1ce: {  	[tilespmem:s30+$0xFFFFFFE0] =	vst v2;
	v7 =	vadd.f32 v8, v7;
	v2 =	vld [tilespmem:s30+$0x20]  }
0x1cf: {  	v5 =	vld [tilespmem:s28+$0x20]  }
0x1d0: {  	s30 =	sadd.s32 $0x400, s30;
	v4 =	vld [tilespmem:s26+$0xFFFFFFC0];
	[tilespmem:s26+$0xFFFFFFF0] =	vst v7;
	v6 =	vadd.f32 v9, v6  }
0x1d1: {  	s25 =	sadd.s32 $0x1, s25  }
0x1d2: {  	p0 =	sne.s32 s25, $0x10  }
.Ltmp15:
0x1d3: {  	v1 =	vadd.f32 v3, v1;
	(pc) =	sbr.rel @p0 .LBB2_30-.Ltmp15, $4  }
0x1d4: {  	[tilespmem:s26+$0x0] =	vst v6;
	v2 =	vadd.f32 v5, v2  }
0x1d5: {  	[tilespmem:s26+$0x10] =	vst v1;
	v0 =	vadd.f32 v0, v4  }
0x1d6: {  	[tilespmem:s26+$0x20] =	vst v2  }
0x1d7: {  	s24 =	sadd.s32 $0x400, s24;
	s23 =	sadd.s32 $0x1, s23;
	[tilespmem:s26+$0xFFFFFFC0] =	vst v0  }
0x1d8: {  	s23 =	simm.s32 $0x0;
	s24 =	rddreg [dreg:$0x14]  }
0x1d9: {  	[hbm4b:s24+s23] =	stream.linear.scatter [tilespmem:s15], [sflag:$0x8], $0x4000, $0x38;
	[tilespmem:$0x18000] =	vst v63  }
0x1da: {  	s29 =	rddreg [dreg:$0x15];
	s25 =	simm.s32 $0x14000  }
0x1db: {  	[tilespmem:s25], [sflag:$0xA] =	stream.linear.gather [hbm4b:s29+s23], $0x4000, $0x38;
	[tilespmem:$0x18000] =	vst v63  }
0x1dc: {  	_ =	swait.ge [sflag:s19], $0x4000  }
0x1dd: {  	[sflag:s19] =	ssyncset.done $0x0  }
0x1de: {  	s30 =	rddreg [dreg:$0x1a];
	[sflag:s19] =	ssyncadd.s32 $0xFFFFC000  }
0x1df: {  	[tilespmem:s12], [sflag:$0x3] =	stream.linear.gather [hbm4b:s30+s23], $0x4000, $0x38;
	[tilespmem:$0x18000] =	vst v63  }
0x1e0: {  	_ =	swait.ge [sflag:s13], $0x4000  }
0x1e1: {  	[sflag:s13] =	ssyncset.done $0x0  }
0x1e2: {  	[sflag:s13] =	ssyncadd.s32 $0xFFFFC000  }
0x1e3: {  	_ =	swait.ge [sflag:s14], $0x4000  }
0x1e4: {  	[sflag:s14] =	ssyncset.done $0x0  }
0x1e5: {  	s24 =	simm.s32 $0x0;
	s25 =	simm.s32 $0x0;
	[sflag:s14] =	ssyncadd.s32 $0xFFFFC000  }
.LBB2_34:
0x1e6: {  	s26 =	sshll.u32 s24, $0x2;
	s28 =	sand.u32 $0x7, s23  }
0x1e7: {  	s26 =	sand.u32 $0xFFFF8000, s26;
	s28 =	sshll.u32 s28, $0x9  }
0x1e8: {  	s26 =	sor.u32 s28, s26  }
0x1e9: {  	s28 =	sshrl.u32 s26, $0x2  }
0x1ea: {  	s26 =	sor.u32 $0x40, s28  }
0x1eb: {  	s28 =	sadd.s32 $0x10040, s28;
	v1 =	vld [tilespmem:s26+$0x30]  }
0x1ec: {  	v2 =	vld [tilespmem:s28+$0x30]  }
0x1ed: {  	v0 =	vld [tilespmem:s28+$0xFFFFFFC0]  }
0x1ee: {  	v3 =	vld [tilespmem:s26+$0xFFFFFFD0]  }
0x1ef: {  	v4 =	vld [tilespmem:s28+$0xFFFFFFD0]  }
0x1f0: {  	v5 =	vld [tilespmem:s26+$0xFFFFFFE0]  }
0x1f1: {  	v6 =	vld [tilespmem:s28+$0xFFFFFFE0]  }
0x1f2: {  	v7 =	vld [tilespmem:s26+$0xFFFFFFF0]  }
0x1f3: {  	v8 =	vld [tilespmem:s28+$0xFFFFFFF0]  }
0x1f4: {  	v9 =	vld [tilespmem:s26+$0x0]  }
0x1f5: {  	v10 =	vld [tilespmem:s28+$0x0];
	v2 =	vadd.f32 v2, v1  }
0x1f6: {  	v4 =	vadd.f32 v4, v3;
	v1 =	vld [tilespmem:s26+$0x10]  }
0x1f7: {  	v5 =	vadd.f32 v6, v5;
	v3 =	vld [tilespmem:s28+$0x10];
	[tilespmem:s26+$0x30] =	vst v2  }
0x1f8: {  	v6 =	vadd.f32 v8, v7;
	[tilespmem:s26+$0xFFFFFFD0] =	vst v4;
	v2 =	vld [tilespmem:s26+$0x20]  }
0x1f9: {  	[tilespmem:s26+$0xFFFFFFE0] =	vst v5;
	v5 =	vld [tilespmem:s28+$0x20]  }
0x1fa: {  	s29 =	simm.s32 $0x0;
	s30 =	sadd.s32 $0x400, s26;
	v4 =	vld [tilespmem:s26+$0xFFFFFFC0];
	[tilespmem:s26+$0xFFFFFFF0] =	vst v6;
	v6 =	vadd.f32 v10, v9  }
.LBB2_35:
0x1fb: {  	v7 =	vld [tilespmem:s30+$0x30];
	s28 =	sadd.s32 $0x400, s28  }
0x1fc: {  	s29 =	sadd.s32 $0x80, s29;
	v8 =	vld [tilespmem:s28+$0x30];
	[tilespmem:s26+$0x0] =	vst v6;
	v1 =	vadd.f32 v3, v1  }
0x1fd: {  	p0 =	slt.u32 s29, $0x380;
	v3 =	vld [tilespmem:s28+$0xFFFFFFC0]  }
0x1fe: {  	v6 =	vld [tilespmem:s30+$0xFFFFFFD0];
	[tilespmem:s26+$0x10] =	vst v1;
	v1 =	vadd.f32 v5, v2  }
0x1ff: {  	v2 =	vld [tilespmem:s28+$0xFFFFFFD0];
	v9 =	vadd.f32 v0, v4  }
0x200: {  	v4 =	vld [tilespmem:s30+$0xFFFFFFE0];
	[tilespmem:s26+$0x20] =	vst v1  }
0x201: {  	v1 =	vld [tilespmem:s28+$0xFFFFFFE0];
	v5 =	vadd.f32 v8, v7;
	[tilespmem:s26+$0xFFFFFFC0] =	vst v9;
	s26 =	smov.u32 s30  }
0x202: {  	v7 =	vld [tilespmem:s30+$0xFFFFFFF0];
	v0 =	vmov v3  }
0x203: {  	v8 =	vld [tilespmem:s28+$0xFFFFFFF0];
	[tilespmem:s30+$0x30] =	vst v5  }
0x204: {  	v2 =	vadd.f32 v2, v6;
	v6 =	vld [tilespmem:s30+$0x0]  }
0x205: {  	v9 =	vld [tilespmem:s28+$0x0]  }
.Ltmp16:
0x206: {  	[tilespmem:s30+$0xFFFFFFD0] =	vst v2;
	v2 =	vadd.f32 v1, v4;
	v1 =	vld [tilespmem:s30+$0x10];
	(pc) =	sbr.rel @p0 .LBB2_35-.Ltmp16, $4  }
0x207: {  	v3 =	vld [tilespmem:s28+$0x10]  }
0x208: {  	[tilespmem:s30+$0xFFFFFFE0] =	vst v2;
	v7 =	vadd.f32 v8, v7;
	v2 =	vld [tilespmem:s30+$0x20]  }
0x209: {  	v5 =	vld [tilespmem:s28+$0x20]  }
0x20a: {  	s30 =	sadd.s32 $0x400, s30;
	v4 =	vld [tilespmem:s26+$0xFFFFFFC0];
	[tilespmem:s26+$0xFFFFFFF0] =	vst v7;
	v6 =	vadd.f32 v9, v6  }
0x20b: {  	s25 =	sadd.s32 $0x1, s25  }
0x20c: {  	p0 =	sne.s32 s25, $0x10  }
.Ltmp17:
0x20d: {  	v1 =	vadd.f32 v3, v1;
	(pc) =	sbr.rel @p0 .LBB2_34-.Ltmp17, $4  }
0x20e: {  	[tilespmem:s26+$0x0] =	vst v6;
	v2 =	vadd.f32 v5, v2  }
0x20f: {  	[tilespmem:s26+$0x10] =	vst v1;
	v0 =	vadd.f32 v0, v4  }
0x210: {  	[tilespmem:s26+$0x20] =	vst v2  }
0x211: {  	s24 =	sadd.s32 $0x400, s24;
	s23 =	sadd.s32 $0x1, s23;
	[tilespmem:s26+$0xFFFFFFC0] =	vst v0  }
0x212: {  	s23 =	simm.s32 $0x0;
	s24 =	rddreg [dreg:$0x17]  }
0x213: {  	[hbm4b:s24+s23] =	stream.linear.scatter [tilespmem:s23], [sflag:$0x5], $0x4000, $0x38;
	[tilespmem:$0x18000] =	vst v63  }
0x214: {  	_ =	swait.ge [sflag:s21], $0x4000  }
0x215: {  	[sflag:s21] =	ssyncset.done $0x0  }
0x216: {  	s30 =	rddreg [dreg:$0x1c];
	[sflag:s21] =	ssyncadd.s32 $0xFFFFC000  }
0x217: {  	[tilespmem:s15], [sflag:$0x4] =	stream.linear.gather [hbm4b:s30+s23], $0x4000, $0x38;
	[tilespmem:$0x18000] =	vst v63  }
0x218: {  	_ =	swait.ge [sflag:s16], $0x4000  }
0x219: {  	[sflag:s16] =	ssyncset.done $0x0  }
0x21a: {  	s25 =	simm.s32 $0x0;
	s24 =	simm.s32 $0x0;
	[sflag:s16] =	ssyncadd.s32 $0xFFFFC000  }
.LBB2_38:
0x21b: {  	s26 =	sshll.u32 s24, $0x2;
	s28 =	sand.u32 $0x7, s23  }
0x21c: {  	s26 =	sand.u32 $0xFFFF8000, s26;
	s28 =	sshll.u32 s28, $0x9  }
0x21d: {  	s26 =	sor.u32 s28, s26  }
0x21e: {  	s28 =	sshrl.u32 s26, $0x2  }
0x21f: {  	s26 =	sadd.s32 $0x4040, s28  }
0x220: {  	s28 =	sadd.s32 $0x10040, s28;
	v1 =	vld [tilespmem:s26+$0x30]  }
0x221: {  	v2 =	vld [tilespmem:s28+$0x30]  }
0x222: {  	v0 =	vld [tilespmem:s28+$0xFFFFFFC0]  }
0x223: {  	v3 =	vld [tilespmem:s26+$0xFFFFFFD0]  }
0x224: {  	v4 =	vld [tilespmem:s28+$0xFFFFFFD0]  }
0x225: {  	v5 =	vld [tilespmem:s26+$0xFFFFFFE0]  }
0x226: {  	v6 =	vld [tilespmem:s28+$0xFFFFFFE0]  }
0x227: {  	v7 =	vld [tilespmem:s26+$0xFFFFFFF0]  }
0x228: {  	v8 =	vld [tilespmem:s28+$0xFFFFFFF0]  }
0x229: {  	v9 =	vld [tilespmem:s26+$0x0]  }
0x22a: {  	v10 =	vld [tilespmem:s28+$0x0];
	v2 =	vadd.f32 v2, v1  }
0x22b: {  	v4 =	vadd.f32 v4, v3;
	v1 =	vld [tilespmem:s26+$0x10]  }
0x22c: {  	v5 =	vadd.f32 v6, v5;
	v3 =	vld [tilespmem:s28+$0x10];
	[tilespmem:s26+$0x30] =	vst v2  }
0x22d: {  	v6 =	vadd.f32 v8, v7;
	[tilespmem:s26+$0xFFFFFFD0] =	vst v4;
	v2 =	vld [tilespmem:s26+$0x20]  }
0x22e: {  	[tilespmem:s26+$0xFFFFFFE0] =	vst v5;
	v5 =	vld [tilespmem:s28+$0x20]  }
0x22f: {  	s29 =	simm.s32 $0x0;
	s30 =	sadd.s32 $0x400, s26;
	v4 =	vld [tilespmem:s26+$0xFFFFFFC0];
	[tilespmem:s26+$0xFFFFFFF0] =	vst v6;
	v6 =	vadd.f32 v10, v9  }
.LBB2_39:
0x230: {  	v7 =	vld [tilespmem:s30+$0x30];
	s28 =	sadd.s32 $0x400, s28  }
0x231: {  	s29 =	sadd.s32 $0x80, s29;
	v8 =	vld [tilespmem:s28+$0x30];
	[tilespmem:s26+$0x0] =	vst v6;
	v1 =	vadd.f32 v3, v1  }
0x232: {  	p0 =	slt.u32 s29, $0x380;
	v3 =	vld [tilespmem:s28+$0xFFFFFFC0]  }
0x233: {  	v6 =	vld [tilespmem:s30+$0xFFFFFFD0];
	[tilespmem:s26+$0x10] =	vst v1;
	v1 =	vadd.f32 v5, v2  }
0x234: {  	v2 =	vld [tilespmem:s28+$0xFFFFFFD0];
	v9 =	vadd.f32 v0, v4  }
0x235: {  	v4 =	vld [tilespmem:s30+$0xFFFFFFE0];
	[tilespmem:s26+$0x20] =	vst v1  }
0x236: {  	v1 =	vld [tilespmem:s28+$0xFFFFFFE0];
	v5 =	vadd.f32 v8, v7;
	[tilespmem:s26+$0xFFFFFFC0] =	vst v9;
	s26 =	smov.u32 s30  }
0x237: {  	v7 =	vld [tilespmem:s30+$0xFFFFFFF0];
	v0 =	vmov v3  }
0x238: {  	v8 =	vld [tilespmem:s28+$0xFFFFFFF0];
	[tilespmem:s30+$0x30] =	vst v5  }
0x239: {  	v2 =	vadd.f32 v2, v6;
	v6 =	vld [tilespmem:s30+$0x0]  }
0x23a: {  	v9 =	vld [tilespmem:s28+$0x0]  }
.Ltmp18:
0x23b: {  	[tilespmem:s30+$0xFFFFFFD0] =	vst v2;
	v2 =	vadd.f32 v1, v4;
	v1 =	vld [tilespmem:s30+$0x10];
	(pc) =	sbr.rel @p0 .LBB2_39-.Ltmp18, $4  }
0x23c: {  	v3 =	vld [tilespmem:s28+$0x10]  }
0x23d: {  	[tilespmem:s30+$0xFFFFFFE0] =	vst v2;
	v7 =	vadd.f32 v8, v7;
	v2 =	vld [tilespmem:s30+$0x20]  }
0x23e: {  	v5 =	vld [tilespmem:s28+$0x20]  }
0x23f: {  	s30 =	sadd.s32 $0x400, s30;
	v4 =	vld [tilespmem:s26+$0xFFFFFFC0];
	[tilespmem:s26+$0xFFFFFFF0] =	vst v7;
	v6 =	vadd.f32 v9, v6  }
0x240: {  	s25 =	sadd.s32 $0x1, s25  }
0x241: {  	p0 =	sne.s32 s25, $0x10  }
.Ltmp19:
0x242: {  	v1 =	vadd.f32 v3, v1;
	(pc) =	sbr.rel @p0 .LBB2_38-.Ltmp19, $4  }
0x243: {  	[tilespmem:s26+$0x0] =	vst v6;
	v2 =	vadd.f32 v5, v2  }
0x244: {  	[tilespmem:s26+$0x10] =	vst v1;
	v0 =	vadd.f32 v0, v4  }
0x245: {  	[tilespmem:s26+$0x20] =	vst v2  }
0x246: {  	s24 =	sadd.s32 $0x400, s24;
	s23 =	sadd.s32 $0x1, s23;
	[tilespmem:s26+$0xFFFFFFC0] =	vst v0  }
0x247: {  	s23 =	simm.s32 $0x0;
	s24 =	rddreg [dreg:$0x19]  }
0x248: {  	[hbm4b:s24+s23] =	stream.linear.scatter [tilespmem:s10], [sflag:$0x6], $0x4000, $0x38;
	[tilespmem:$0x18000] =	vst v63  }
0x249: {  	_ =	swait.ge [sflag:s17], $0x4000  }
0x24a: {  	[sflag:s17] =	ssyncset.done $0x0  }
0x24b: {  	s30 =	rddreg [dreg:$0x1e];
	[sflag:s17] =	ssyncadd.s32 $0xFFFFC000  }
0x24c: {  	[tilespmem:s23], [sflag:$0x1] =	stream.linear.gather [hbm4b:s30+s23], $0x4000, $0x38;
	[tilespmem:$0x18000] =	vst v63  }
0x24d: {  	_ =	swait.ge [sflag:s9], $0x4000  }
0x24e: {  	[sflag:s9] =	ssyncset.done $0x0  }
0x24f: {  	s25 =	simm.s32 $0x0;
	s24 =	simm.s32 $0x0;
	[sflag:s9] =	ssyncadd.s32 $0xFFFFC000  }
.LBB2_42:
0x250: {  	s26 =	sshll.u32 s24, $0x2;
	s28 =	sand.u32 $0x7, s23  }
0x251: {  	s26 =	sand.u32 $0xFFFF8000, s26;
	s28 =	sshll.u32 s28, $0x9  }
0x252: {  	s26 =	sor.u32 s28, s26  }
0x253: {  	s28 =	sshrl.u32 s26, $0x2  }
0x254: {  	s26 =	sadd.s32 $0x8040, s28  }
0x255: {  	s28 =	sadd.s32 $0x10040, s28;
	v1 =	vld [tilespmem:s26+$0x30]  }
0x256: {  	v2 =	vld [tilespmem:s28+$0x30]  }
0x257: {  	v0 =	vld [tilespmem:s28+$0xFFFFFFC0]  }
0x258: {  	v3 =	vld [tilespmem:s26+$0xFFFFFFD0]  }
0x259: {  	v4 =	vld [tilespmem:s28+$0xFFFFFFD0]  }
0x25a: {  	v5 =	vld [tilespmem:s26+$0xFFFFFFE0]  }
0x25b: {  	v6 =	vld [tilespmem:s28+$0xFFFFFFE0]  }
0x25c: {  	v7 =	vld [tilespmem:s26+$0xFFFFFFF0]  }
0x25d: {  	v8 =	vld [tilespmem:s28+$0xFFFFFFF0]  }
0x25e: {  	v9 =	vld [tilespmem:s26+$0x0]  }
0x25f: {  	v10 =	vld [tilespmem:s28+$0x0];
	v2 =	vadd.f32 v2, v1  }
0x260: {  	v4 =	vadd.f32 v4, v3;
	v1 =	vld [tilespmem:s26+$0x10]  }
0x261: {  	v5 =	vadd.f32 v6, v5;
	v3 =	vld [tilespmem:s28+$0x10];
	[tilespmem:s26+$0x30] =	vst v2  }
0x262: {  	v6 =	vadd.f32 v8, v7;
	[tilespmem:s26+$0xFFFFFFD0] =	vst v4;
	v2 =	vld [tilespmem:s26+$0x20]  }
0x263: {  	[tilespmem:s26+$0xFFFFFFE0] =	vst v5;
	v5 =	vld [tilespmem:s28+$0x20]  }
0x264: {  	s29 =	simm.s32 $0x0;
	s30 =	sadd.s32 $0x400, s26;
	v4 =	vld [tilespmem:s26+$0xFFFFFFC0];
	[tilespmem:s26+$0xFFFFFFF0] =	vst v6;
	v6 =	vadd.f32 v10, v9  }
.LBB2_43:
0x265: {  	v7 =	vld [tilespmem:s30+$0x30];
	s28 =	sadd.s32 $0x400, s28  }
0x266: {  	s29 =	sadd.s32 $0x80, s29;
	v8 =	vld [tilespmem:s28+$0x30];
	[tilespmem:s26+$0x0] =	vst v6;
	v1 =	vadd.f32 v3, v1  }
0x267: {  	p0 =	slt.u32 s29, $0x380;
	v3 =	vld [tilespmem:s28+$0xFFFFFFC0]  }
0x268: {  	v6 =	vld [tilespmem:s30+$0xFFFFFFD0];
	[tilespmem:s26+$0x10] =	vst v1;
	v1 =	vadd.f32 v5, v2  }
0x269: {  	v2 =	vld [tilespmem:s28+$0xFFFFFFD0];
	v9 =	vadd.f32 v0, v4  }
0x26a: {  	v4 =	vld [tilespmem:s30+$0xFFFFFFE0];
	[tilespmem:s26+$0x20] =	vst v1  }
0x26b: {  	v1 =	vld [tilespmem:s28+$0xFFFFFFE0];
	v5 =	vadd.f32 v8, v7;
	[tilespmem:s26+$0xFFFFFFC0] =	vst v9;
	s26 =	smov.u32 s30  }
0x26c: {  	v7 =	vld [tilespmem:s30+$0xFFFFFFF0];
	v0 =	vmov v3  }
0x26d: {  	v8 =	vld [tilespmem:s28+$0xFFFFFFF0];
	[tilespmem:s30+$0x30] =	vst v5  }
0x26e: {  	v2 =	vadd.f32 v2, v6;
	v6 =	vld [tilespmem:s30+$0x0]  }
0x26f: {  	v9 =	vld [tilespmem:s28+$0x0]  }
.Ltmp20:
0x270: {  	[tilespmem:s30+$0xFFFFFFD0] =	vst v2;
	v2 =	vadd.f32 v1, v4;
	v1 =	vld [tilespmem:s30+$0x10];
	(pc) =	sbr.rel @p0 .LBB2_43-.Ltmp20, $4  }
0x271: {  	v3 =	vld [tilespmem:s28+$0x10]  }
0x272: {  	[tilespmem:s30+$0xFFFFFFE0] =	vst v2;
	v7 =	vadd.f32 v8, v7;
	v2 =	vld [tilespmem:s30+$0x20]  }
0x273: {  	v5 =	vld [tilespmem:s28+$0x20]  }
0x274: {  	s30 =	sadd.s32 $0x400, s30;
	v4 =	vld [tilespmem:s26+$0xFFFFFFC0];
	[tilespmem:s26+$0xFFFFFFF0] =	vst v7;
	v6 =	vadd.f32 v9, v6  }
0x275: {  	s25 =	sadd.s32 $0x1, s25  }
0x276: {  	p0 =	sne.s32 s25, $0x10  }
.Ltmp21:
0x277: {  	v1 =	vadd.f32 v3, v1;
	(pc) =	sbr.rel @p0 .LBB2_42-.Ltmp21, $4  }
0x278: {  	[tilespmem:s26+$0x0] =	vst v6;
	v2 =	vadd.f32 v5, v2  }
0x279: {  	[tilespmem:s26+$0x10] =	vst v1;
	v0 =	vadd.f32 v0, v4  }
0x27a: {  	[tilespmem:s26+$0x20] =	vst v2  }
0x27b: {  	s24 =	sadd.s32 $0x400, s24;
	s23 =	sadd.s32 $0x1, s23;
	[tilespmem:s26+$0xFFFFFFC0] =	vst v0  }
0x27c: {  	s23 =	simm.s32 $0x0;
	s24 =	rddreg [dreg:$0x1b]  }
0x27d: {  	[hbm4b:s24+s23] =	stream.linear.scatter [tilespmem:s12], [sflag:$0x7], $0x4000, $0x38;
	[tilespmem:$0x18000] =	vst v63  }
0x27e: {  	_ =	swait.ge [sflag:s18], $0x4000  }
0x27f: {  	[sflag:s18] =	ssyncset.done $0x0  }
0x280: {  	[sflag:s18] =	ssyncadd.s32 $0xFFFFC000  }
0x281: {  	[tilespmem:s10], [sflag:$0x2] =	stream.linear.gather [hbm4b:s2+s23], $0x4000, $0x38;
	[tilespmem:$0x18000] =	vst v63  }
0x282: {  	_ =	swait.ge [sflag:s11], $0x4000  }
0x283: {  	[sflag:s11] =	ssyncset.done $0x0  }
0x284: {  	s25 =	simm.s32 $0x0;
	s24 =	simm.s32 $0x0;
	[sflag:s11] =	ssyncadd.s32 $0xFFFFC000  }
.LBB2_46:
0x285: {  	s26 =	sshll.u32 s24, $0x2;
	s28 =	sand.u32 $0x7, s23  }
0x286: {  	s26 =	sand.u32 $0xFFFF8000, s26;
	s28 =	sshll.u32 s28, $0x9  }
0x287: {  	s26 =	sor.u32 s28, s26  }
0x288: {  	s28 =	sshrl.u32 s26, $0x2  }
0x289: {  	s26 =	sadd.s32 $0xC040, s28  }
0x28a: {  	s28 =	sadd.s32 $0x10040, s28;
	v1 =	vld [tilespmem:s26+$0x30]  }
0x28b: {  	v2 =	vld [tilespmem:s28+$0x30]  }
0x28c: {  	v0 =	vld [tilespmem:s28+$0xFFFFFFC0]  }
0x28d: {  	v3 =	vld [tilespmem:s26+$0xFFFFFFD0]  }
0x28e: {  	v4 =	vld [tilespmem:s28+$0xFFFFFFD0]  }
0x28f: {  	v5 =	vld [tilespmem:s26+$0xFFFFFFE0]  }
0x290: {  	v6 =	vld [tilespmem:s28+$0xFFFFFFE0]  }
0x291: {  	v7 =	vld [tilespmem:s26+$0xFFFFFFF0]  }
0x292: {  	v8 =	vld [tilespmem:s28+$0xFFFFFFF0]  }
0x293: {  	v9 =	vld [tilespmem:s26+$0x0]  }
0x294: {  	v10 =	vld [tilespmem:s28+$0x0];
	v2 =	vadd.f32 v2, v1  }
0x295: {  	v4 =	vadd.f32 v4, v3;
	v1 =	vld [tilespmem:s26+$0x10]  }
0x296: {  	v5 =	vadd.f32 v6, v5;
	v3 =	vld [tilespmem:s28+$0x10];
	[tilespmem:s26+$0x30] =	vst v2  }
0x297: {  	v6 =	vadd.f32 v8, v7;
	[tilespmem:s26+$0xFFFFFFD0] =	vst v4;
	v2 =	vld [tilespmem:s26+$0x20]  }
0x298: {  	[tilespmem:s26+$0xFFFFFFE0] =	vst v5;
	v5 =	vld [tilespmem:s28+$0x20]  }
0x299: {  	s29 =	simm.s32 $0x0;
	s30 =	sadd.s32 $0x400, s26;
	v4 =	vld [tilespmem:s26+$0xFFFFFFC0];
	[tilespmem:s26+$0xFFFFFFF0] =	vst v6;
	v6 =	vadd.f32 v10, v9  }
.LBB2_47:
0x29a: {  	v7 =	vld [tilespmem:s30+$0x30];
	s28 =	sadd.s32 $0x400, s28  }
0x29b: {  	s29 =	sadd.s32 $0x80, s29;
	v8 =	vld [tilespmem:s28+$0x30];
	[tilespmem:s26+$0x0] =	vst v6;
	v1 =	vadd.f32 v3, v1  }
0x29c: {  	p0 =	slt.u32 s29, $0x380;
	v3 =	vld [tilespmem:s28+$0xFFFFFFC0]  }
0x29d: {  	v6 =	vld [tilespmem:s30+$0xFFFFFFD0];
	[tilespmem:s26+$0x10] =	vst v1;
	v1 =	vadd.f32 v5, v2  }
0x29e: {  	v2 =	vld [tilespmem:s28+$0xFFFFFFD0];
	v9 =	vadd.f32 v0, v4  }
0x29f: {  	v4 =	vld [tilespmem:s30+$0xFFFFFFE0];
	[tilespmem:s26+$0x20] =	vst v1  }
0x2a0: {  	v1 =	vld [tilespmem:s28+$0xFFFFFFE0];
	v5 =	vadd.f32 v8, v7;
	[tilespmem:s26+$0xFFFFFFC0] =	vst v9;
	s26 =	smov.u32 s30  }
0x2a1: {  	v7 =	vld [tilespmem:s30+$0xFFFFFFF0];
	v0 =	vmov v3  }
0x2a2: {  	v8 =	vld [tilespmem:s28+$0xFFFFFFF0];
	[tilespmem:s30+$0x30] =	vst v5  }
0x2a3: {  	v2 =	vadd.f32 v2, v6;
	v6 =	vld [tilespmem:s30+$0x0]  }
0x2a4: {  	v9 =	vld [tilespmem:s28+$0x0]  }
.Ltmp22:
0x2a5: {  	[tilespmem:s30+$0xFFFFFFD0] =	vst v2;
	v2 =	vadd.f32 v1, v4;
	v1 =	vld [tilespmem:s30+$0x10];
	(pc) =	sbr.rel @p0 .LBB2_47-.Ltmp22, $4  }
0x2a6: {  	v3 =	vld [tilespmem:s28+$0x10]  }
0x2a7: {  	[tilespmem:s30+$0xFFFFFFE0] =	vst v2;
	v7 =	vadd.f32 v8, v7;
	v2 =	vld [tilespmem:s30+$0x20]  }
0x2a8: {  	v5 =	vld [tilespmem:s28+$0x20]  }
0x2a9: {  	s30 =	sadd.s32 $0x400, s30;
	v4 =	vld [tilespmem:s26+$0xFFFFFFC0];
	[tilespmem:s26+$0xFFFFFFF0] =	vst v7;
	v6 =	vadd.f32 v9, v6  }
0x2aa: {  	s25 =	sadd.s32 $0x1, s25  }
0x2ab: {  	p0 =	sne.s32 s25, $0x10  }
.Ltmp23:
0x2ac: {  	v1 =	vadd.f32 v3, v1;
	(pc) =	sbr.rel @p0 .LBB2_46-.Ltmp23, $4  }
0x2ad: {  	[tilespmem:s26+$0x0] =	vst v6;
	v2 =	vadd.f32 v5, v2  }
0x2ae: {  	[tilespmem:s26+$0x10] =	vst v1;
	v0 =	vadd.f32 v0, v4  }
0x2af: {  	[tilespmem:s26+$0x20] =	vst v2  }
0x2b0: {  	s24 =	sadd.s32 $0x400, s24;
	s23 =	sadd.s32 $0x1, s23;
	[tilespmem:s26+$0xFFFFFFC0] =	vst v0  }
0x2b1: {  	s23 =	simm.s32 $0x0;
	s24 =	rddreg [dreg:$0x1d]  }
0x2b2: {  	[hbm4b:s24+s23] =	stream.linear.scatter [tilespmem:s15], [sflag:$0x8], $0x4000, $0x38;
	[tilespmem:$0x18000] =	vst v63  }
0x2b3: {  	_ =	swait.ge [sflag:s19], $0x4000  }
0x2b4: {  	[sflag:s19] =	ssyncset.done $0x0  }
0x2b5: {  	[sflag:s19] =	ssyncadd.s32 $0xFFFFC000  }
0x2b6: {  	[tilespmem:s12], [sflag:$0x3] =	stream.linear.gather [hbm4b:s3+s23], $0x4000, $0x38;
	[tilespmem:$0x18000] =	vst v63  }
0x2b7: {  	_ =	swait.ge [sflag:s20], $0x4000  }
0x2b8: {  	[sflag:s20] =	ssyncset.done $0x0  }
0x2b9: {  	[sflag:s20] =	ssyncadd.s32 $0xFFFFC000  }
0x2ba: {  	_ =	swait.ge [sflag:s14], $0x4000  }
0x2bb: {  	[sflag:s14] =	ssyncset.done $0x0  }
0x2bc: {  	s25 =	simm.s32 $0x0;
	s24 =	simm.s32 $0x0;
	[sflag:s14] =	ssyncadd.s32 $0xFFFFC000  }
.LBB2_50:
0x2bd: {  	s26 =	sshll.u32 s24, $0x2;
	s28 =	sand.u32 $0x7, s23  }
0x2be: {  	s26 =	sand.u32 $0xFFFF8000, s26;
	s28 =	sshll.u32 s28, $0x9  }
0x2bf: {  	s26 =	sor.u32 s28, s26  }
0x2c0: {  	s28 =	sshrl.u32 s26, $0x2  }
0x2c1: {  	s26 =	sor.u32 $0x40, s28  }
0x2c2: {  	s28 =	sadd.s32 $0x14040, s28;
	v1 =	vld [tilespmem:s26+$0x30]  }
0x2c3: {  	v2 =	vld [tilespmem:s28+$0x30]  }
0x2c4: {  	v0 =	vld [tilespmem:s28+$0xFFFFFFC0]  }
0x2c5: {  	v3 =	vld [tilespmem:s26+$0xFFFFFFD0]  }
0x2c6: {  	v4 =	vld [tilespmem:s28+$0xFFFFFFD0]  }
0x2c7: {  	v5 =	vld [tilespmem:s26+$0xFFFFFFE0]  }
0x2c8: {  	v6 =	vld [tilespmem:s28+$0xFFFFFFE0]  }
0x2c9: {  	v7 =	vld [tilespmem:s26+$0xFFFFFFF0]  }
0x2ca: {  	v8 =	vld [tilespmem:s28+$0xFFFFFFF0]  }
0x2cb: {  	v9 =	vld [tilespmem:s26+$0x0]  }
0x2cc: {  	v10 =	vld [tilespmem:s28+$0x0];
	v2 =	vadd.f32 v2, v1  }
0x2cd: {  	v4 =	vadd.f32 v4, v3;
	v1 =	vld [tilespmem:s26+$0x10]  }
0x2ce: {  	v5 =	vadd.f32 v6, v5;
	v3 =	vld [tilespmem:s28+$0x10];
	[tilespmem:s26+$0x30] =	vst v2  }
0x2cf: {  	v6 =	vadd.f32 v8, v7;
	[tilespmem:s26+$0xFFFFFFD0] =	vst v4;
	v2 =	vld [tilespmem:s26+$0x20]  }
0x2d0: {  	[tilespmem:s26+$0xFFFFFFE0] =	vst v5;
	v5 =	vld [tilespmem:s28+$0x20]  }
0x2d1: {  	s29 =	simm.s32 $0x0;
	s30 =	sadd.s32 $0x400, s26;
	v4 =	vld [tilespmem:s26+$0xFFFFFFC0];
	[tilespmem:s26+$0xFFFFFFF0] =	vst v6;
	v6 =	vadd.f32 v10, v9  }
.LBB2_51:
0x2d2: {  	v7 =	vld [tilespmem:s30+$0x30];
	s28 =	sadd.s32 $0x400, s28  }
0x2d3: {  	s29 =	sadd.s32 $0x80, s29;
	v8 =	vld [tilespmem:s28+$0x30];
	[tilespmem:s26+$0x0] =	vst v6;
	v1 =	vadd.f32 v3, v1  }
0x2d4: {  	p0 =	slt.u32 s29, $0x380;
	v3 =	vld [tilespmem:s28+$0xFFFFFFC0]  }
0x2d5: {  	v6 =	vld [tilespmem:s30+$0xFFFFFFD0];
	[tilespmem:s26+$0x10] =	vst v1;
	v1 =	vadd.f32 v5, v2  }
0x2d6: {  	v2 =	vld [tilespmem:s28+$0xFFFFFFD0];
	v9 =	vadd.f32 v0, v4  }
0x2d7: {  	v4 =	vld [tilespmem:s30+$0xFFFFFFE0];
	[tilespmem:s26+$0x20] =	vst v1  }
0x2d8: {  	v1 =	vld [tilespmem:s28+$0xFFFFFFE0];
	v5 =	vadd.f32 v8, v7;
	[tilespmem:s26+$0xFFFFFFC0] =	vst v9;
	s26 =	smov.u32 s30  }
0x2d9: {  	v7 =	vld [tilespmem:s30+$0xFFFFFFF0];
	v0 =	vmov v3  }
0x2da: {  	v8 =	vld [tilespmem:s28+$0xFFFFFFF0];
	[tilespmem:s30+$0x30] =	vst v5  }
0x2db: {  	v2 =	vadd.f32 v2, v6;
	v6 =	vld [tilespmem:s30+$0x0]  }
0x2dc: {  	v9 =	vld [tilespmem:s28+$0x0]  }
.Ltmp24:
0x2dd: {  	[tilespmem:s30+$0xFFFFFFD0] =	vst v2;
	v2 =	vadd.f32 v1, v4;
	v1 =	vld [tilespmem:s30+$0x10];
	(pc) =	sbr.rel @p0 .LBB2_51-.Ltmp24, $4  }
0x2de: {  	v3 =	vld [tilespmem:s28+$0x10]  }
0x2df: {  	[tilespmem:s30+$0xFFFFFFE0] =	vst v2;
	v7 =	vadd.f32 v8, v7;
	v2 =	vld [tilespmem:s30+$0x20]  }
0x2e0: {  	v5 =	vld [tilespmem:s28+$0x20]  }
0x2e1: {  	s30 =	sadd.s32 $0x400, s30;
	v4 =	vld [tilespmem:s26+$0xFFFFFFC0];
	[tilespmem:s26+$0xFFFFFFF0] =	vst v7;
	v6 =	vadd.f32 v9, v6  }
0x2e2: {  	s25 =	sadd.s32 $0x1, s25  }
0x2e3: {  	p0 =	sne.s32 s25, $0x10  }
.Ltmp25:
0x2e4: {  	v1 =	vadd.f32 v3, v1;
	(pc) =	sbr.rel @p0 .LBB2_50-.Ltmp25, $4  }
0x2e5: {  	[tilespmem:s26+$0x0] =	vst v6;
	v2 =	vadd.f32 v5, v2  }
0x2e6: {  	[tilespmem:s26+$0x10] =	vst v1;
	v0 =	vadd.f32 v0, v4  }
0x2e7: {  	[tilespmem:s26+$0x20] =	vst v2  }
0x2e8: {  	s24 =	sadd.s32 $0x400, s24;
	s23 =	sadd.s32 $0x1, s23;
	[tilespmem:s26+$0xFFFFFFC0] =	vst v0  }
0x2e9: {  	s23 =	simm.s32 $0x0;
	s24 =	rddreg [dreg:$0x1f]  }
0x2ea: {  	[hbm4b:s24+s23] =	stream.linear.scatter [tilespmem:s23], [sflag:$0x5], $0x4000, $0x38;
	[tilespmem:$0x18000] =	vst v63  }
0x2eb: {  	_ =	swait.ge [sflag:s21], $0x4000  }
0x2ec: {  	[sflag:s21] =	ssyncset.done $0x0  }
0x2ed: {  	[sflag:s21] =	ssyncadd.s32 $0xFFFFC000  }
0x2ee: {  	[tilespmem:s15], [sflag:$0x4] =	stream.linear.gather [hbm4b:s4+s23], $0x4000, $0x38;
	[tilespmem:$0x18000] =	vst v63  }
0x2ef: {  	_ =	swait.ge [sflag:s16], $0x4000  }
0x2f0: {  	[sflag:s16] =	ssyncset.done $0x0  }
0x2f1: {  	s25 =	simm.s32 $0x0;
	s24 =	simm.s32 $0x0;
	[sflag:s16] =	ssyncadd.s32 $0xFFFFC000  }
.LBB2_54:
0x2f2: {  	s26 =	sshll.u32 s24, $0x2;
	s28 =	sand.u32 $0x7, s23  }
0x2f3: {  	s26 =	sand.u32 $0xFFFF8000, s26;
	s28 =	sshll.u32 s28, $0x9  }
0x2f4: {  	s26 =	sor.u32 s28, s26  }
0x2f5: {  	s28 =	sshrl.u32 s26, $0x2  }
0x2f6: {  	s26 =	sadd.s32 $0x4040, s28  }
0x2f7: {  	s28 =	sadd.s32 $0x14040, s28;
	v1 =	vld [tilespmem:s26+$0x30]  }
0x2f8: {  	v2 =	vld [tilespmem:s28+$0x30]  }
0x2f9: {  	v0 =	vld [tilespmem:s28+$0xFFFFFFC0]  }
0x2fa: {  	v3 =	vld [tilespmem:s26+$0xFFFFFFD0]  }
0x2fb: {  	v4 =	vld [tilespmem:s28+$0xFFFFFFD0]  }
0x2fc: {  	v5 =	vld [tilespmem:s26+$0xFFFFFFE0]  }
0x2fd: {  	v6 =	vld [tilespmem:s28+$0xFFFFFFE0]  }
0x2fe: {  	v7 =	vld [tilespmem:s26+$0xFFFFFFF0]  }
0x2ff: {  	v8 =	vld [tilespmem:s28+$0xFFFFFFF0]  }
0x300: {  	v9 =	vld [tilespmem:s26+$0x0]  }
0x301: {  	v10 =	vld [tilespmem:s28+$0x0];
	v2 =	vadd.f32 v2, v1  }
0x302: {  	v4 =	vadd.f32 v4, v3;
	v1 =	vld [tilespmem:s26+$0x10]  }
0x303: {  	v5 =	vadd.f32 v6, v5;
	v3 =	vld [tilespmem:s28+$0x10];
	[tilespmem:s26+$0x30] =	vst v2  }
0x304: {  	v6 =	vadd.f32 v8, v7;
	[tilespmem:s26+$0xFFFFFFD0] =	vst v4;
	v2 =	vld [tilespmem:s26+$0x20]  }
0x305: {  	[tilespmem:s26+$0xFFFFFFE0] =	vst v5;
	v5 =	vld [tilespmem:s28+$0x20]  }
0x306: {  	s29 =	simm.s32 $0x0;
	s30 =	sadd.s32 $0x400, s26;
	v4 =	vld [tilespmem:s26+$0xFFFFFFC0];
	[tilespmem:s26+$0xFFFFFFF0] =	vst v6;
	v6 =	vadd.f32 v10, v9  }
.LBB2_55:
0x307: {  	v7 =	vld [tilespmem:s30+$0x30];
	s28 =	sadd.s32 $0x400, s28  }
0x308: {  	s29 =	sadd.s32 $0x80, s29;
	v8 =	vld [tilespmem:s28+$0x30];
	[tilespmem:s26+$0x0] =	vst v6;
	v1 =	vadd.f32 v3, v1  }
0x309: {  	p0 =	slt.u32 s29, $0x380;
	v3 =	vld [tilespmem:s28+$0xFFFFFFC0]  }
0x30a: {  	v6 =	vld [tilespmem:s30+$0xFFFFFFD0];
	[tilespmem:s26+$0x10] =	vst v1;
	v1 =	vadd.f32 v5, v2  }
0x30b: {  	v2 =	vld [tilespmem:s28+$0xFFFFFFD0];
	v9 =	vadd.f32 v0, v4  }
0x30c: {  	v4 =	vld [tilespmem:s30+$0xFFFFFFE0];
	[tilespmem:s26+$0x20] =	vst v1  }
0x30d: {  	v1 =	vld [tilespmem:s28+$0xFFFFFFE0];
	v5 =	vadd.f32 v8, v7;
	[tilespmem:s26+$0xFFFFFFC0] =	vst v9;
	s26 =	smov.u32 s30  }
0x30e: {  	v7 =	vld [tilespmem:s30+$0xFFFFFFF0];
	v0 =	vmov v3  }
0x30f: {  	v8 =	vld [tilespmem:s28+$0xFFFFFFF0];
	[tilespmem:s30+$0x30] =	vst v5  }
0x310: {  	v2 =	vadd.f32 v2, v6;
	v6 =	vld [tilespmem:s30+$0x0]  }
0x311: {  	v9 =	vld [tilespmem:s28+$0x0]  }
.Ltmp26:
0x312: {  	[tilespmem:s30+$0xFFFFFFD0] =	vst v2;
	v2 =	vadd.f32 v1, v4;
	v1 =	vld [tilespmem:s30+$0x10];
	(pc) =	sbr.rel @p0 .LBB2_55-.Ltmp26, $4  }
0x313: {  	v3 =	vld [tilespmem:s28+$0x10]  }
0x314: {  	[tilespmem:s30+$0xFFFFFFE0] =	vst v2;
	v7 =	vadd.f32 v8, v7;
	v2 =	vld [tilespmem:s30+$0x20]  }
0x315: {  	v5 =	vld [tilespmem:s28+$0x20]  }
0x316: {  	s30 =	sadd.s32 $0x400, s30;
	v4 =	vld [tilespmem:s26+$0xFFFFFFC0];
	[tilespmem:s26+$0xFFFFFFF0] =	vst v7;
	v6 =	vadd.f32 v9, v6  }
0x317: {  	s25 =	sadd.s32 $0x1, s25  }
0x318: {  	p0 =	sne.s32 s25, $0x10  }
.Ltmp27:
0x319: {  	v1 =	vadd.f32 v3, v1;
	(pc) =	sbr.rel @p0 .LBB2_54-.Ltmp27, $4  }
0x31a: {  	[tilespmem:s26+$0x0] =	vst v6;
	v2 =	vadd.f32 v5, v2  }
0x31b: {  	[tilespmem:s26+$0x10] =	vst v1;
	v0 =	vadd.f32 v0, v4  }
0x31c: {  	[tilespmem:s26+$0x20] =	vst v2  }
0x31d: {  	s24 =	sadd.s32 $0x400, s24;
	s23 =	sadd.s32 $0x1, s23;
	[tilespmem:s26+$0xFFFFFFC0] =	vst v0  }
0x31e: {  	s23 =	simm.s32 $0x0  }
0x31f: {  	[hbm4b:s5+s23] =	stream.linear.scatter [tilespmem:s10], [sflag:$0x6], $0x4000, $0x38;
	[tilespmem:$0x18000] =	vst v63  }
0x320: {  	_ =	swait.ge [sflag:s9], $0x4000  }
0x321: {  	[sflag:s9] =	ssyncset.done $0x0  }
0x322: {  	s24 =	simm.s32 $0x0;
	s25 =	simm.s32 $0x0;
	[sflag:s9] =	ssyncadd.s32 $0xFFFFC000  }
.LBB2_58:
0x323: {  	s26 =	sshll.u32 s24, $0x2;
	s28 =	sand.u32 $0x7, s23  }
0x324: {  	s26 =	sand.u32 $0xFFFF8000, s26;
	s28 =	sshll.u32 s28, $0x9  }
0x325: {  	s26 =	sor.u32 s28, s26  }
0x326: {  	s28 =	sshrl.u32 s26, $0x2  }
0x327: {  	s26 =	sadd.s32 $0x8040, s28  }
0x328: {  	s28 =	sadd.s32 $0x14040, s28;
	v1 =	vld [tilespmem:s26+$0x30]  }
0x329: {  	v2 =	vld [tilespmem:s28+$0x30]  }
0x32a: {  	v0 =	vld [tilespmem:s28+$0xFFFFFFC0]  }
0x32b: {  	v3 =	vld [tilespmem:s26+$0xFFFFFFD0]  }
0x32c: {  	v4 =	vld [tilespmem:s28+$0xFFFFFFD0]  }
0x32d: {  	v5 =	vld [tilespmem:s26+$0xFFFFFFE0]  }
0x32e: {  	v6 =	vld [tilespmem:s28+$0xFFFFFFE0]  }
0x32f: {  	v7 =	vld [tilespmem:s26+$0xFFFFFFF0]  }
0x330: {  	v8 =	vld [tilespmem:s28+$0xFFFFFFF0]  }
0x331: {  	v9 =	vld [tilespmem:s26+$0x0]  }
0x332: {  	v10 =	vld [tilespmem:s28+$0x0];
	v2 =	vadd.f32 v2, v1  }
0x333: {  	v4 =	vadd.f32 v4, v3;
	v1 =	vld [tilespmem:s26+$0x10]  }
0x334: {  	v5 =	vadd.f32 v6, v5;
	v3 =	vld [tilespmem:s28+$0x10];
	[tilespmem:s26+$0x30] =	vst v2  }
0x335: {  	v6 =	vadd.f32 v8, v7;
	[tilespmem:s26+$0xFFFFFFD0] =	vst v4;
	v2 =	vld [tilespmem:s26+$0x20]  }
0x336: {  	[tilespmem:s26+$0xFFFFFFE0] =	vst v5;
	v5 =	vld [tilespmem:s28+$0x20]  }
0x337: {  	s29 =	simm.s32 $0x0;
	s30 =	sadd.s32 $0x400, s26;
	v4 =	vld [tilespmem:s26+$0xFFFFFFC0];
	[tilespmem:s26+$0xFFFFFFF0] =	vst v6;
	v6 =	vadd.f32 v10, v9  }
.LBB2_59:
0x338: {  	v7 =	vld [tilespmem:s30+$0x30];
	s28 =	sadd.s32 $0x400, s28  }
0x339: {  	s29 =	sadd.s32 $0x80, s29;
	v8 =	vld [tilespmem:s28+$0x30];
	[tilespmem:s26+$0x0] =	vst v6;
	v1 =	vadd.f32 v3, v1  }
0x33a: {  	p0 =	slt.u32 s29, $0x380;
	v3 =	vld [tilespmem:s28+$0xFFFFFFC0]  }
0x33b: {  	v6 =	vld [tilespmem:s30+$0xFFFFFFD0];
	[tilespmem:s26+$0x10] =	vst v1;
	v1 =	vadd.f32 v5, v2  }
0x33c: {  	v2 =	vld [tilespmem:s28+$0xFFFFFFD0];
	v9 =	vadd.f32 v0, v4  }
0x33d: {  	v4 =	vld [tilespmem:s30+$0xFFFFFFE0];
	[tilespmem:s26+$0x20] =	vst v1  }
0x33e: {  	v1 =	vld [tilespmem:s28+$0xFFFFFFE0];
	v5 =	vadd.f32 v8, v7;
	[tilespmem:s26+$0xFFFFFFC0] =	vst v9;
	s26 =	smov.u32 s30  }
0x33f: {  	v7 =	vld [tilespmem:s30+$0xFFFFFFF0];
	v0 =	vmov v3  }
0x340: {  	v8 =	vld [tilespmem:s28+$0xFFFFFFF0];
	[tilespmem:s30+$0x30] =	vst v5  }
0x341: {  	v2 =	vadd.f32 v2, v6;
	v6 =	vld [tilespmem:s30+$0x0]  }
0x342: {  	v9 =	vld [tilespmem:s28+$0x0]  }
.Ltmp28:
0x343: {  	[tilespmem:s30+$0xFFFFFFD0] =	vst v2;
	v2 =	vadd.f32 v1, v4;
	v1 =	vld [tilespmem:s30+$0x10];
	(pc) =	sbr.rel @p0 .LBB2_59-.Ltmp28, $4  }
0x344: {  	v3 =	vld [tilespmem:s28+$0x10]  }
0x345: {  	[tilespmem:s30+$0xFFFFFFE0] =	vst v2;
	v7 =	vadd.f32 v8, v7;
	v2 =	vld [tilespmem:s30+$0x20]  }
0x346: {  	v5 =	vld [tilespmem:s28+$0x20]  }
0x347: {  	s30 =	sadd.s32 $0x400, s30;
	v4 =	vld [tilespmem:s26+$0xFFFFFFC0];
	[tilespmem:s26+$0xFFFFFFF0] =	vst v7;
	v6 =	vadd.f32 v9, v6  }
0x348: {  	s25 =	sadd.s32 $0x1, s25  }
0x349: {  	p0 =	sne.s32 s25, $0x10  }
.Ltmp29:
0x34a: {  	v1 =	vadd.f32 v3, v1;
	(pc) =	sbr.rel @p0 .LBB2_58-.Ltmp29, $4  }
0x34b: {  	[tilespmem:s26+$0x0] =	vst v6;
	v2 =	vadd.f32 v5, v2  }
0x34c: {  	[tilespmem:s26+$0x10] =	vst v1;
	v0 =	vadd.f32 v0, v4  }
0x34d: {  	[tilespmem:s26+$0x20] =	vst v2  }
0x34e: {  	s24 =	sadd.s32 $0x400, s24;
	s23 =	sadd.s32 $0x1, s23;
	[tilespmem:s26+$0xFFFFFFC0] =	vst v0  }
0x34f: {  	s23 =	simm.s32 $0x0  }
0x350: {  	[hbm4b:s6+s23] =	stream.linear.scatter [tilespmem:s12], [sflag:$0x7], $0x4000, $0x38;
	[tilespmem:$0x18000] =	vst v63  }
0x351: {  	_ =	swait.ge [sflag:s11], $0x4000  }
0x352: {  	[sflag:s11] =	ssyncset.done $0x0  }
0x353: {  	s24 =	simm.s32 $0x0;
	s25 =	simm.s32 $0x0;
	[sflag:s11] =	ssyncadd.s32 $0xFFFFC000  }
.LBB2_62:
0x354: {  	s26 =	sshll.u32 s24, $0x2;
	s28 =	sand.u32 $0x7, s23  }
0x355: {  	s26 =	sand.u32 $0xFFFF8000, s26;
	s28 =	sshll.u32 s28, $0x9  }
0x356: {  	s26 =	sor.u32 s28, s26  }
0x357: {  	s28 =	sshrl.u32 s26, $0x2  }
0x358: {  	s26 =	sadd.s32 $0xC040, s28  }
0x359: {  	s28 =	sadd.s32 $0x14040, s28;
	v1 =	vld [tilespmem:s26+$0x30]  }
0x35a: {  	v2 =	vld [tilespmem:s28+$0x30]  }
0x35b: {  	v0 =	vld [tilespmem:s28+$0xFFFFFFC0]  }
0x35c: {  	v3 =	vld [tilespmem:s26+$0xFFFFFFD0]  }
0x35d: {  	v4 =	vld [tilespmem:s28+$0xFFFFFFD0]  }
0x35e: {  	v5 =	vld [tilespmem:s26+$0xFFFFFFE0]  }
0x35f: {  	v6 =	vld [tilespmem:s28+$0xFFFFFFE0]  }
0x360: {  	v7 =	vld [tilespmem:s26+$0xFFFFFFF0]  }
0x361: {  	v8 =	vld [tilespmem:s28+$0xFFFFFFF0]  }
0x362: {  	v9 =	vld [tilespmem:s26+$0x0]  }
0x363: {  	v10 =	vld [tilespmem:s28+$0x0];
	v2 =	vadd.f32 v2, v1  }
0x364: {  	v4 =	vadd.f32 v4, v3;
	v1 =	vld [tilespmem:s26+$0x10]  }
0x365: {  	v5 =	vadd.f32 v6, v5;
	v3 =	vld [tilespmem:s28+$0x10];
	[tilespmem:s26+$0x30] =	vst v2  }
0x366: {  	v6 =	vadd.f32 v8, v7;
	[tilespmem:s26+$0xFFFFFFD0] =	vst v4;
	v2 =	vld [tilespmem:s26+$0x20]  }
0x367: {  	[tilespmem:s26+$0xFFFFFFE0] =	vst v5;
	v5 =	vld [tilespmem:s28+$0x20]  }
0x368: {  	s29 =	simm.s32 $0x0;
	s30 =	sadd.s32 $0x400, s26;
	v4 =	vld [tilespmem:s26+$0xFFFFFFC0];
	[tilespmem:s26+$0xFFFFFFF0] =	vst v6;
	v6 =	vadd.f32 v10, v9  }
.LBB2_63:
0x369: {  	v7 =	vld [tilespmem:s30+$0x30];
	s28 =	sadd.s32 $0x400, s28  }
0x36a: {  	s29 =	sadd.s32 $0x80, s29;
	v8 =	vld [tilespmem:s28+$0x30];
	[tilespmem:s26+$0x0] =	vst v6;
	v1 =	vadd.f32 v3, v1  }
0x36b: {  	p0 =	slt.u32 s29, $0x380;
	v3 =	vld [tilespmem:s28+$0xFFFFFFC0]  }
0x36c: {  	v6 =	vld [tilespmem:s30+$0xFFFFFFD0];
	[tilespmem:s26+$0x10] =	vst v1;
	v1 =	vadd.f32 v5, v2  }
0x36d: {  	v2 =	vld [tilespmem:s28+$0xFFFFFFD0];
	v9 =	vadd.f32 v0, v4  }
0x36e: {  	v4 =	vld [tilespmem:s30+$0xFFFFFFE0];
	[tilespmem:s26+$0x20] =	vst v1  }
0x36f: {  	v1 =	vld [tilespmem:s28+$0xFFFFFFE0];
	v5 =	vadd.f32 v8, v7;
	[tilespmem:s26+$0xFFFFFFC0] =	vst v9;
	s26 =	smov.u32 s30  }
0x370: {  	v7 =	vld [tilespmem:s30+$0xFFFFFFF0];
	v0 =	vmov v3  }
0x371: {  	v8 =	vld [tilespmem:s28+$0xFFFFFFF0];
	[tilespmem:s30+$0x30] =	vst v5  }
0x372: {  	v2 =	vadd.f32 v2, v6;
	v6 =	vld [tilespmem:s30+$0x0]  }
0x373: {  	v9 =	vld [tilespmem:s28+$0x0]  }
.Ltmp30:
0x374: {  	[tilespmem:s30+$0xFFFFFFD0] =	vst v2;
	v2 =	vadd.f32 v1, v4;
	v1 =	vld [tilespmem:s30+$0x10];
	(pc) =	sbr.rel @p0 .LBB2_63-.Ltmp30, $4  }
0x375: {  	v3 =	vld [tilespmem:s28+$0x10]  }
0x376: {  	[tilespmem:s30+$0xFFFFFFE0] =	vst v2;
	v7 =	vadd.f32 v8, v7;
	v2 =	vld [tilespmem:s30+$0x20]  }
0x377: {  	v5 =	vld [tilespmem:s28+$0x20]  }
0x378: {  	s30 =	sadd.s32 $0x400, s30;
	v4 =	vld [tilespmem:s26+$0xFFFFFFC0];
	[tilespmem:s26+$0xFFFFFFF0] =	vst v7;
	v6 =	vadd.f32 v9, v6  }
0x379: {  	s25 =	sadd.s32 $0x1, s25  }
0x37a: {  	p0 =	sne.s32 s25, $0x10  }
.Ltmp31:
0x37b: {  	v1 =	vadd.f32 v3, v1;
	(pc) =	sbr.rel @p0 .LBB2_62-.Ltmp31, $4  }
0x37c: {  	[tilespmem:s26+$0x0] =	vst v6;
	v2 =	vadd.f32 v5, v2  }
0x37d: {  	[tilespmem:s26+$0x10] =	vst v1;
	v0 =	vadd.f32 v0, v4  }
0x37e: {  	[tilespmem:s26+$0x20] =	vst v2  }
0x37f: {  	s24 =	sadd.s32 $0x400, s24;
	s23 =	sadd.s32 $0x1, s23;
	[tilespmem:s26+$0xFFFFFFC0] =	vst v0  }
0x380: {  	[hbm4b:s7+s1] =	stream.linear.scatter [tilespmem:s15], [sflag:$0x8], $0x4000, $0x38;
	[tilespmem:$0x18000] =	vst v63  }
0x381: {  	s22 =	sadd.s32 $0x1, s22  }
0x382: {  	_ =	swait.ge [sflag:s19], $0x4000;
	p0 =	sne.s32 s22, s8  }
.Ltmp32:
0x383: {  	[sflag:s19] =	ssyncset.done $0x0;
	(pc) =	sbr.rel @p0 .LBB2_1-.Ltmp32, $4  }
0x384: {  	[sflag:s19] =	ssyncadd.s32 $0xFFFFC000  }
0x385: {  	_ =	swait.ge [sflag:s21], $0x4000  }
0x386: {  	[sflag:s21] =	ssyncset.done $0x0  }
0x387: {  	[sflag:s21] =	ssyncadd.s32 $0xFFFFC000  }
0x388: {  	_ =	sfence.sel $0x180000  }
0x389: {  	[bflag:$0x0] =	sbarrier.arrive $0xFFFF  }
0x38a: {  	_ =	strace $0x90000047  }
0x38b: {  	s0 =	stileid.u32;
	[bflag:$0x2] =	sbarrier.arrive $0xFFFF  }
0x38c: {  	p0 =	sne.s32 s0, $0x0;
	s0 =	rddreg [dreg:$0x3]  }
0x38d: {  	s0 =	sadd.s32 @!p0 $0x100000, s0  }
0x38e: {  	[sflag:s0] =	ssyncadd.tile.s32 @!p0 $0x1;
	_ =	shalt  }
.Lfunc_end2:
_tile_overlayer_lowered:
.L_overlay_start_2:
0x38f: {  	(tag) =	ssettag $0x2  }
0x390: {  	s0 =	rddreg [dreg:$0x0];
	s2 =	stileid.u32  }
0x391: {  	s1 =	rddreg [dreg:$0x1];
	p0 =	sne.s32 s2, $0x0  }
0x392: {  	s3 =	rddreg [dreg:$0x2];
	[bflag:$0x3] =	sbarrier.arrive $0xFFFF;
	s2 =	simm.s32 @!p0 $0x1C0B  }
0x393: {  	[timem:s3], [sflag:s2] =	dma.local @!p0 [hbm:s0], s1  }
0x394: {  	s0 =	simm.s32 @!p0 $0xB  }
0x395: {  	_ =	swait.ge @!p0 [sflag:s0], s1  }
0x396: {  	s1 =	ssub.s32 @!p0 $0x0, s1;
	[sflag:s0] =	ssyncset.done @!p0 $0x0  }
0x397: {  	[sflag:s0] =	ssyncadd.s32 @!p0 s1  }
0x398: {  	[bflag:$0x3] =	sbarrier.arrive $0xFFFF  }
0x399: {  	_ =	shalt  }

</sc_bundles>
